<compile_context>
chip_gen: v7x
topology: tpu7x:2x2x1
jax: 0.10.2.dev20260603
libtpu: 0.0.44.dev20260713+nightly
codegen_flags: <defaults>
</compile_context>

<pallas_src>
import functools

import jax
import jax.numpy as jnp
from jax import lax
from jax.experimental import pallas as pl
from jax.experimental.pallas import tpu as pltpu
from jax.experimental.pallas import tpu_sc as plsc

N = 10000
E = 160000
DIN = 256
H = 512
DOUT = 256
G = 8

NPAD = 10240
ROWS_PER_TILE = NPAD // 16
NB = 80
IB = 40
EPAD = 16 * NB * 128
RB = 2000
GRID = N // RB

@functools.lru_cache(maxsize=None)
def _mesh():
    return plsc.VectorSubcoreMesh(
        core_axis_name="c", subcore_axis_name="s", num_cores=2, num_subcores=16)


DROWS = NPAD // 128


def _sc_degree_body(dstidx_hbm, iden_hbm, zeros_hbm, out_hbm,
                    spmem, dstv, histv, idenv):
    cid = lax.axis_index("c")
    sid = lax.axis_index("s")
    pltpu.sync_copy(dstidx_hbm.at[sid], dstv)
    pltpu.sync_copy(iden_hbm, idenv)

    @pl.when(sid < DROWS // 8)
    def _():
        pltpu.sync_copy(zeros_hbm, spmem.at[pl.ds(sid * 8, 8)])
    zv = jnp.zeros((16,), jnp.float32)

    def zbody(r, _):
        for k in range(8):
            histv[r, pl.ds(k * 16, 16)] = zv
        return 0
    lax.fori_loop(0, DROWS, zbody, 0)
    plsc.subcore_barrier()

    ones = jnp.ones((16,), jnp.float32)

    def body(b, _):
        for k in range(8):
            idx = dstv[b, pl.ds(k * 16, 16)]
            plsc.addupdate_scatter(histv, [lax.div(idx, 128),
                                           lax.rem(idx, 128)], ones)
        return 0
    lax.fori_loop(0, NB, body, 0)
    pltpu.sync_copy(histv, spmem.at[idenv], add=True)
    plsc.subcore_barrier()

    @pl.when((cid == 0) & (sid < DROWS // 8))
    def _():
        pltpu.sync_copy(spmem.at[pl.ds(sid * 8, 8)],
                        out_hbm.at[pl.ds(sid * 8, 8)])


@functools.lru_cache(maxsize=None)
def _sc_degree():
    return pl.kernel(
        _sc_degree_body,
        out_type=jax.ShapeDtypeStruct((DROWS, 128), jnp.float32),
        mesh=_mesh(),
        compiler_params=pltpu.CompilerParams(needs_layout_passes=False),
        scratch_types=[
            pltpu.VMEM_SHARED((DROWS, 128), jnp.float32),
            pltpu.VMEM((NB, 128), jnp.int32),
            pltpu.VMEM((DROWS, 128), jnp.float32),
            pltpu.VMEM((DROWS,), jnp.int32),
        ],
    )


@functools.lru_cache(maxsize=None)
def _make_sc_agg(C):
    PC = C // 2

    @functools.partial(
        pl.kernel,
        out_type=jax.ShapeDtypeStruct((C, NPAD, 128), jnp.float32),
        mesh=_mesh(),
        scratch_types=[
            pltpu.VMEM_SHARED((NPAD, 128), jnp.float32),
            pltpu.VMEM((IB, 128), jnp.int32),
            pltpu.VMEM((IB, 128), jnp.int32),
            pltpu.VMEM((2, 128, 128), jnp.float32),
            pltpu.SemaphoreType.DMA,
            pltpu.SemaphoreType.DMA,
        ],
    )
    def agg(u_hbm, srcidx_hbm, dstidx_hbm, zeros_hbm, out_hbm,
            spmem, srcv, dstv, rows, sem0, sem1):
        cid = lax.axis_index("c")
        sid = lax.axis_index("s")
        r0 = sid * ROWS_PER_TILE
        for j in range(PC):
            c = cid * PC + j
            pltpu.sync_copy(zeros_hbm.at[pl.ds(0, ROWS_PER_TILE)],
                            spmem.at[pl.ds(r0, ROWS_PER_TILE)])
            plsc.subcore_barrier()

            def group(g, _):
                pltpu.sync_copy(srcidx_hbm.at[c, sid, pl.ds(g * IB, IB)], srcv)
                pltpu.sync_copy(dstidx_hbm.at[sid, pl.ds(g * IB, IB)], dstv)
                pltpu.async_copy(u_hbm.at[srcv.at[0]], rows.at[0], sem0)

                def body(p, _):
                    b0 = 2 * p
                    b1 = 2 * p + 1
                    pltpu.async_copy(u_hbm.at[srcv.at[b1]], rows.at[1], sem1)
                    pltpu.make_async_copy(u_hbm.at[srcv.at[b0]], rows.at[0],
                                          sem0).wait()
                    pltpu.sync_copy(rows.at[0], spmem.at[dstv.at[b0]],
                                    add=True)

                    @pl.when(p < IB // 2 - 1)
                    def _():
                        pltpu.async_copy(u_hbm.at[srcv.at[b1 + 1]],
                                         rows.at[0], sem0)
                    pltpu.make_async_copy(u_hbm.at[srcv.at[b1]], rows.at[1],
                                          sem1).wait()
                    pltpu.sync_copy(rows.at[1], spmem.at[dstv.at[b1]],
                                    add=True)
                    return 0
                lax.fori_loop(0, IB // 2, body, 0)
                return 0
            lax.fori_loop(0, NB // IB, group, 0)
            plsc.subcore_barrier()
            pltpu.sync_copy(spmem.at[pl.ds(r0, ROWS_PER_TILE)],
                            out_hbm.at[c].at[pl.ds(r0, ROWS_PER_TILE)])

    return agg


def _tc_a_body(x_ref, win_ref, bin_ref, w1_ref, deg_ref, out_ref):
    h0 = jnp.dot(x_ref[...], win_ref[...], preferred_element_type=jnp.float32)
    h0 = h0 + bin_ref[...]
    t1 = jnp.dot(h0, w1_ref[...], preferred_element_type=jnp.float32)
    dinv = lax.rsqrt(deg_ref[...] + 1.0)
    for c in range(H // 128):
        out_ref[c, :, :] = t1[:, c * 128:(c + 1) * 128] * dinv


def _ln_gelu(agg_ref, u_ref, dinv, bias_c, g_c, b_c, nchunks, width):
    h = (agg_ref[...] + u_ref[...]) * dinv[None, :, :] + bias_c[:, None, :]
    acc = jnp.zeros((RB, 1), jnp.float32)
    for c in range(nchunks):
        acc = acc + jnp.sum(h[c], axis=1, keepdims=True)
    mu = acc / float(width)
    vacc = jnp.zeros((RB, 1), jnp.float32)
    for c in range(nchunks):
        d = h[c] - mu
        vacc = vacc + jnp.sum(d * d, axis=1, keepdims=True)
    rstd = lax.rsqrt(vacc / float(width) + 1e-5)
    hn = (h - mu[None, :, :]) * rstd[None, :, :] * g_c[:, None, :] + b_c[:, None, :]
    return 0.5 * hn * (1.0 + lax.erf(hn * (2.0 ** -0.5)))


def _tc_d_body(agg_ref, u_ref, deg_ref, b1_ref, g1_ref, be1_ref, w2_ref, out_ref):
    dinv = lax.rsqrt(deg_ref[...] + 1.0)
    o1 = _ln_gelu(agg_ref, u_ref, dinv, b1_ref[...], g1_ref[...], be1_ref[...],
                  H // 128, H)
    t2 = jnp.zeros((RB, DOUT), jnp.float32)
    for c in range(H // 128):
        t2 = t2 + jnp.dot(o1[c], w2_ref[c, :, :], preferred_element_type=jnp.float32)
    for c in range(DOUT // 128):
        out_ref[c, :, :] = t2[:, c * 128:(c + 1) * 128] * dinv


def _tc_f_body(agg_ref, u_ref, deg_ref, bnd_ref, b2_ref, g2_ref, be2_ref,
               out_ref, sum_acc, max_acc):
    i = pl.program_id(0)
    dinv = lax.rsqrt(deg_ref[...] + 1.0)
    o2 = _ln_gelu(agg_ref, u_ref, dinv, b2_ref[...], g2_ref[...], be2_ref[...],
                  DOUT // 128, DOUT)
    hfull = jnp.concatenate([o2[c] for c in range(DOUT // 128)], axis=1)
    rowid = lax.broadcasted_iota(jnp.int32, (RB, DOUT), 0) + i * RB

    @pl.when(i == 0)
    def _():
        sum_acc[...] = jnp.zeros((G, DOUT), jnp.float32)
        max_acc[...] = jnp.full((G, DOUT), -jnp.inf, jnp.float32)

    for g in range(G):
        mask = (rowid >= bnd_ref[g]) & (rowid < bnd_ref[g + 1])
        sum_acc[g, :] = sum_acc[g, :] + jnp.sum(
            jnp.where(mask, hfull, 0.0), axis=0)
        max_acc[g, :] = jnp.maximum(
            max_acc[g, :], jnp.max(jnp.where(mask, hfull, -jnp.inf), axis=0))

    @pl.when(i == GRID - 1)
    def _():
        for g in range(G):
            cnt = (bnd_ref[g + 1] - bnd_ref[g]).astype(jnp.float32)
            out_ref[g, :] = (sum_acc[g, :] / jnp.maximum(cnt, 1.0)
                             + max_acc[g, :])


def _tc_a(x, W_in, b_in, W1, deg_bc):
    return pl.pallas_call(
        _tc_a_body,
        grid=(GRID,),
        in_specs=[
            pl.BlockSpec((RB, DIN), lambda i: (i, 0)),
            pl.BlockSpec((DIN, H), lambda i: (0, 0)),
            pl.BlockSpec((1, H), lambda i: (0, 0)),
            pl.BlockSpec((H, H), lambda i: (0, 0)),
            pl.BlockSpec((RB, 128), lambda i: (i, 0)),
        ],
        out_specs=pl.BlockSpec((H // 128, RB, 128), lambda i: (0, i, 0)),
        out_shape=jax.ShapeDtypeStruct((H // 128, N, 128), jnp.float32),
    )(x, W_in, b_in, W1, deg_bc)


def _tc_d(agg1, u1, deg_bc, b1c, g1c, be1c, W2r):
    return pl.pallas_call(
        _tc_d_body,
        grid=(GRID,),
        in_specs=[
            pl.BlockSpec((H // 128, RB, 128), lambda i: (0, i, 0)),
            pl.BlockSpec((H // 128, RB, 128), lambda i: (0, i, 0)),
            pl.BlockSpec((RB, 128), lambda i: (i, 0)),
            pl.BlockSpec((H // 128, 128), lambda i: (0, 0)),
            pl.BlockSpec((H // 128, 128), lambda i: (0, 0)),
            pl.BlockSpec((H // 128, 128), lambda i: (0, 0)),
            pl.BlockSpec((H // 128, 128, DOUT), lambda i: (0, 0, 0)),
        ],
        out_specs=pl.BlockSpec((DOUT // 128, RB, 128), lambda i: (0, i, 0)),
        out_shape=jax.ShapeDtypeStruct((DOUT // 128, N, 128), jnp.float32),
    )(agg1, u1, deg_bc, b1c, g1c, be1c, W2r)


def _tc_f(agg2, u2, deg_bc, bnd, b2c, g2c, be2c):
    return pl.pallas_call(
        _tc_f_body,
        grid=(GRID,),
        in_specs=[
            pl.BlockSpec((DOUT // 128, RB, 128), lambda i: (0, i, 0)),
            pl.BlockSpec((DOUT // 128, RB, 128), lambda i: (0, i, 0)),
            pl.BlockSpec((RB, 128), lambda i: (i, 0)),
            pl.BlockSpec(memory_space=pltpu.SMEM),
            pl.BlockSpec((DOUT // 128, 128), lambda i: (0, 0)),
            pl.BlockSpec((DOUT // 128, 128), lambda i: (0, 0)),
            pl.BlockSpec((DOUT // 128, 128), lambda i: (0, 0)),
        ],
        out_specs=pl.BlockSpec((G, DOUT), lambda i: (0, 0)),
        out_shape=jax.ShapeDtypeStruct((G, DOUT), jnp.float32),
        scratch_shapes=[
            pltpu.VMEM((G, DOUT), jnp.float32),
            pltpu.VMEM((G, DOUT), jnp.float32),
        ],
    )(agg2, u2, deg_bc, bnd, b2c, g2c, be2c)


def kernel(x, edge_index, batch, W_in, b_in, W1, b1, W2, b2,
           ln1_g, ln1_b, ln2_g, ln2_b):
    src = edge_index[0]
    dst = edge_index[1]
    pad = EPAD - E
    srcp = jnp.concatenate([src, jnp.zeros((pad,), jnp.int32)])
    dst_fill = N + (jnp.arange(pad, dtype=jnp.int32) % (NPAD - N))
    dstp = jnp.concatenate([dst, dst_fill])
    dst_tiles = dstp.reshape(16, NB, 128)
    src4 = (srcp[None, :] +
            (jnp.arange(4, dtype=jnp.int32) * N)[:, None]).reshape(4, 16, NB, 128)
    src2 = src4[:2]

    zeros_drows = jnp.zeros((8, 128), jnp.float32)
    iden = jnp.arange(DROWS, dtype=jnp.int32)
    zeros128 = jnp.zeros((ROWS_PER_TILE, 128), jnp.float32)
    bnd = jnp.searchsorted(batch, jnp.arange(G + 1, dtype=jnp.int32)
                           ).astype(jnp.int32)

    deg_tab = _sc_degree()(dst_tiles, iden, zeros_drows)
    deg_bc = jnp.broadcast_to(deg_tab.reshape(NPAD, 1)[:N], (N, 128))

    u1 = _tc_a(x, W_in, b_in.reshape(1, H), W1, deg_bc)
    agg1 = _make_sc_agg(4)(u1.reshape(4 * N, 128), src4, dst_tiles, zeros128)
    u2 = _tc_d(agg1, u1, deg_bc, b1.reshape(4, 128), ln1_g.reshape(4, 128),
               ln1_b.reshape(4, 128), W2.reshape(4, 128, DOUT))
    agg2 = _make_sc_agg(2)(u2.reshape(2 * N, 128), src2, dst_tiles, zeros128)
    return _tc_f(agg2, u2, deg_bc, bnd, b2.reshape(2, 128),
                 ln2_g.reshape(2, 128), ln2_b.reshape(2, 128))

# --- scband reference (transcript-rebuilt; emitter-appended) ---
"""Pipeline reference for scband-gcnencoder-35914516529264 (READ-ONLY COPY).

The authoritative reference and input builder live on the scoring server;
editing this copy changes nothing except your own understanding.
"""

import jax, jax.numpy as jnp
import numpy as np

N = 10000
E = 160000
DIN = 256
H = 512
DOUT = 256
G = 8


def setup_inputs(seed: int = 0) -> dict:
    key = jax.random.key(seed)
    ks = jax.random.split(key, 16)
    inp = {}
    inp["x"] = jax.random.normal(ks[0], (N, DIN), dtype=jnp.float32)
    inp["edge_index"] = jax.random.randint(ks[1], (2, E), 0, N, dtype=jnp.int32)
    inp["batch"] = jnp.sort(jax.random.randint(ks[2], (N,), 0, G, dtype=jnp.int32))
    # learned parameters
    inp["W_in"] = jax.random.normal(ks[3], (DIN, H), dtype=jnp.float32) * (1.0 / np.sqrt(DIN))
    inp["b_in"] = jnp.zeros((H,), dtype=jnp.float32)
    inp["W1"] = jax.random.normal(ks[4], (H, H), dtype=jnp.float32) * (1.0 / np.sqrt(H))
    inp["b1"] = jnp.zeros((H,), dtype=jnp.float32)
    inp["W2"] = jax.random.normal(ks[5], (H, DOUT), dtype=jnp.float32) * (1.0 / np.sqrt(H))
    inp["b2"] = jnp.zeros((DOUT,), dtype=jnp.float32)
    inp["ln1_g"] = jnp.ones((H,), dtype=jnp.float32)
    inp["ln1_b"] = jnp.zeros((H,), dtype=jnp.float32)
    inp["ln2_g"] = jnp.ones((DOUT,), dtype=jnp.float32)
    inp["ln2_b"] = jnp.zeros((DOUT,), dtype=jnp.float32)
    return inp


def _layer_norm(x, g, b):
    mu = jnp.mean(x, axis=-1, keepdims=True)
    var = jnp.mean((x - mu) ** 2, axis=-1, keepdims=True)
    return (x - mu) / jnp.sqrt(var + 1e-5) * g + b


def _gcn_conv(x, src, dst, W, bias, n_nodes):
    # PyG GCNConv: lin first, then sym-normalized aggregation (self-loops already in src/dst)
    x = x @ W
    deg = jnp.zeros((n_nodes,), x.dtype).at[dst].add(1.0)
    dinv = jnp.where(deg > 0, 1.0 / jnp.sqrt(deg), 0.0)
    norm = dinv[src] * dinv[dst]
    msg = x[src] * norm[:, None]
    out = jnp.zeros((n_nodes, x.shape[1]), x.dtype).at[dst].add(msg)
    return out + bias


def reference(x, edge_index, batch, W_in, b_in, W1, b1, W2, b2, ln1_g, ln1_b, ln2_g, ln2_b):
    n_nodes = x.shape[0]
    h = x @ W_in + b_in
    loop = jnp.arange(n_nodes, dtype=edge_index.dtype)
    src = jnp.concatenate([edge_index[0], loop])
    dst = jnp.concatenate([edge_index[1], loop])
    # layer 1
    h = _gcn_conv(h, src, dst, W1, b1, n_nodes)
    h = _layer_norm(h, ln1_g, ln1_b)
    h = jax.nn.gelu(h, approximate=False)
    # layer 2
    h = _gcn_conv(h, src, dst, W2, b2, n_nodes)
    h = _layer_norm(h, ln2_g, ln2_b)
    h = jax.nn.gelu(h, approximate=False)
    # global mean + max pool over graphs
    counts = jax.ops.segment_sum(jnp.ones((n_nodes,), h.dtype), batch, num_segments=G)
    x_mean = jax.ops.segment_sum(h, batch, num_segments=G) / jnp.maximum(counts, 1.0)[:, None]
    x_max = jax.ops.segment_max(h, batch, num_segments=G)
    return x_mean + x_max

if __name__ == "__main__":
    import jax
    _d = setup_inputs()
    print(jax.jit(kernel)(*tuple(_d.values())))

</pallas_src>

<mosaic_0001>
#map = affine_map<(d0, d1) -> (0, 0)>
#map1 = affine_map<(d0, d1) -> (0, 0, 0, 0)>
#map2 = affine_map<(d0, d1) -> (0, 0, 0)>
module attributes {stable_mosaic.version = 14 : i64} {
  func.func @agg(%arg0: i32, %arg1: i32, %arg2: memref<40000x128xf32, #tpu.memory_space<hbm>>, %arg3: memref<4x16x80x128xi32, #tpu.memory_space<hbm>>, %arg4: memref<16x80x128xi32, #tpu.memory_space<hbm>>, %arg5: memref<640x128xf32, #tpu.memory_space<hbm>>, %arg6: memref<4x10240x128xf32, #tpu.memory_space<hbm>>, %arg7: memref<10240x128xf32, #tpu.memory_space<vmem_shared>>, %arg8: memref<40x128xi32, #tpu.memory_space<vmem>>, %arg9: memref<40x128xi32, #tpu.memory_space<vmem>>, %arg10: memref<2x128x128xf32, #tpu.memory_space<vmem>>, %arg11: memref<!tpu.dma_semaphore, #tpu.memory_space<semaphore_mem>>, %arg12: memref<!tpu.dma_semaphore, #tpu.memory_space<semaphore_mem>>) attributes {dimension_semantics = [#tpu.dimension_semantics<core_parallel>, #tpu.dimension_semantics<subcore_parallel>], iteration_bounds = array<i64: 2, 16>, scalar_prefetch = 0 : i64, scratch_operands = 6 : i64, tpu.core_type = #tpu.core_type<sc_vector_subcore>, window_params = [{transform_indices = #map}, {transform_indices = #map1}, {transform_indices = #map2}, {transform_indices = #map}, {transform_indices = #map2}]} {
    %mul3A = arith.constant 640 : i32
    %mul3A_0 = arith.muli %arg1, %mul3A : i32
    %mul3A_1 = arith.constant 2 : i32
    %mul3A_2 = arith.muli %arg0, %mul3A_1 : i32
    %add3A = arith.constant 0 : i32
    %add3A_3 = arith.addi %mul3A_2, %add3A : i32
    "tpu.region"() ({
      %run_scoped3A = tpu.sem_alloc : memref<!tpu.dma_semaphore, #tpu.memory_space<semaphore_mem>>
      %dma_start3A = arith.constant 0 : i32
      %dma_start3A_24 = tpu.memref_slice %arg7[%mul3A_0, %dma_start3A] : memref<10240x128xf32, #tpu.memory_space<vmem_shared>> -> memref<640x128xf32, #tpu.memory_space<vmem_shared>>
      %dma_start3A_25 = arith.constant 0 : i32
      %dma_start3A_26 = arith.constant 0 : i32
      %dma_start3A_27 = tpu.memref_slice %arg5[%dma_start3A_25, %dma_start3A_26] : memref<640x128xf32, #tpu.memory_space<hbm>> -> memref<640x128xf32, #tpu.memory_space<hbm>>
      tpu.enqueue_dma source(%dma_start3A_27 : memref<640x128xf32, #tpu.memory_space<hbm>>) target(%dma_start3A_24 : memref<640x128xf32, #tpu.memory_space<vmem_shared>>) target_semaphore(%run_scoped3A : memref<!tpu.dma_semaphore, #tpu.memory_space<semaphore_mem>>)
      %dma_wait3A = arith.constant 0 : i32
      %dma_wait3A_28 = tpu.memref_slice %arg7[%mul3A_0, %dma_wait3A] : memref<10240x128xf32, #tpu.memory_space<vmem_shared>> -> memref<640x128xf32, #tpu.memory_space<vmem_shared>>
      %dma_wait3A_29 = arith.constant 0 : i32
      %dma_wait3A_30 = arith.constant 0 : i32
      %dma_wait3A_31 = tpu.memref_slice %arg5[%dma_wait3A_29, %dma_wait3A_30] : memref<640x128xf32, #tpu.memory_space<hbm>> -> memref<640x128xf32, #tpu.memory_space<hbm>>
      tpu.wait_dma2 semaphore(%run_scoped3A : memref<!tpu.dma_semaphore, #tpu.memory_space<semaphore_mem>>) src(%dma_wait3A_31 : memref<640x128xf32, #tpu.memory_space<hbm>>) dst(%dma_wait3A_28 : memref<640x128xf32, #tpu.memory_space<vmem_shared>>)
      tpu.yield
    }) : () -> ()
    %barrier3A = arith.constant 0 : index
    tpu.barrier barrier_id(%barrier3A)
    %scan3A = arith.constant 0 : i32
    %scan3A_4 = arith.constant 0 : i32
    %scan3A_5 = arith.constant 2 : i32
    %scan3A_6 = arith.addi %scan3A_4, %scan3A_5 : i32
    %scan3A_7 = arith.constant 1 : i32
    %scan3A_8 = scf.for %scan3A_24 = %scan3A_4 to %scan3A_6 step %scan3A_7 iter_args(%scan3A_25 = %scan3A) -> (i32)  : i32 {
      %mul3A_26 = arith.constant 40 : i32
      %mul3A_27 = arith.muli %scan3A_24, %mul3A_26 : i32
      "tpu.region"() ({
        %run_scoped3A = tpu.sem_alloc : memref<!tpu.dma_semaphore, #tpu.memory_space<semaphore_mem>>
        %dma_start3A_49 = arith.constant 0 : i32
        %dma_start3A_50 = tpu.memref_slice %arg3[%add3A_3, %arg1, %mul3A_27, %dma_start3A_49] : memref<4x16x80x128xi32, #tpu.memory_space<hbm>> -> memref<1x1x40x128xi32, #tpu.memory_space<hbm>>
        %dma_start3A_51 = tpu.memref_squeeze %dma_start3A_50 : memref<1x1x40x128xi32, #tpu.memory_space<hbm>> -> memref<40x128xi32, #tpu.memory_space<hbm>>
        %dma_start3A_52 = arith.constant 0 : i32
        %dma_start3A_53 = tpu.memref_slice %arg3[%add3A_3, %arg1, %mul3A_27, %dma_start3A_52] : memref<4x16x80x128xi32, #tpu.memory_space<hbm>> -> memref<1x1x40x128xi32, #tpu.memory_space<hbm>>
        %dma_start3A_54 = tpu.memref_squeeze %dma_start3A_53 : memref<1x1x40x128xi32, #tpu.memory_space<hbm>> -> memref<40x128xi32, #tpu.memory_space<hbm>>
        tpu.enqueue_dma source(%dma_start3A_54 : memref<40x128xi32, #tpu.memory_space<hbm>>) target(%arg8 : memref<40x128xi32, #tpu.memory_space<vmem>>) target_semaphore(%run_scoped3A : memref<!tpu.dma_semaphore, #tpu.memory_space<semaphore_mem>>)
        %dma_wait3A = arith.constant 0 : i32
        %dma_wait3A_55 = tpu.memref_slice %arg3[%add3A_3, %arg1, %mul3A_27, %dma_wait3A] : memref<4x16x80x128xi32, #tpu.memory_space<hbm>> -> memref<1x1x40x128xi32, #tpu.memory_space<hbm>>
        %dma_wait3A_56 = tpu.memref_squeeze %dma_wait3A_55 : memref<1x1x40x128xi32, #tpu.memory_space<hbm>> -> memref<40x128xi32, #tpu.memory_space<hbm>>
        %dma_wait3A_57 = arith.constant 0 : i32
        %dma_wait3A_58 = tpu.memref_slice %arg3[%add3A_3, %arg1, %mul3A_27, %dma_wait3A_57] : memref<4x16x80x128xi32, #tpu.memory_space<hbm>> -> memref<1x1x40x128xi32, #tpu.memory_space<hbm>>
        %dma_wait3A_59 = tpu.memref_squeeze %dma_wait3A_58 : memref<1x1x40x128xi32, #tpu.memory_space<hbm>> -> memref<40x128xi32, #tpu.memory_space<hbm>>
        tpu.wait_dma2 semaphore(%run_scoped3A : memref<!tpu.dma_semaphore, #tpu.memory_space<semaphore_mem>>) src(%dma_wait3A_59 : memref<40x128xi32, #tpu.memory_space<hbm>>) dst(%arg8 : memref<40x128xi32, #tpu.memory_space<vmem>>)
        tpu.yield
      }) : () -> ()
      %mul3A_28 = arith.constant 40 : i32
      %mul3A_29 = arith.muli %scan3A_24, %mul3A_28 : i32
      "tpu.region"() ({
        %run_scoped3A = tpu.sem_alloc : memref<!tpu.dma_semaphore, #tpu.memory_space<semaphore_mem>>
        %dma_start3A_49 = arith.constant 0 : i32
        %dma_start3A_50 = tpu.memref_slice %arg4[%arg1, %mul3A_29, %dma_start3A_49] : memref<16x80x128xi32, #tpu.memory_space<hbm>> -> memref<1x40x128xi32, #tpu.memory_space<hbm>>
        %dma_start3A_51 = tpu.memref_squeeze %dma_start3A_50 : memref<1x40x128xi32, #tpu.memory_space<hbm>> -> memref<40x128xi32, #tpu.memory_space<hbm>>
        %dma_start3A_52 = arith.constant 0 : i32
        %dma_start3A_53 = tpu.memref_slice %arg4[%arg1, %mul3A_29, %dma_start3A_52] : memref<16x80x128xi32, #tpu.memory_space<hbm>> -> memref<1x40x128xi32, #tpu.memory_space<hbm>>
        %dma_start3A_54 = tpu.memref_squeeze %dma_start3A_53 : memref<1x40x128xi32, #tpu.memory_space<hbm>> -> memref<40x128xi32, #tpu.memory_space<hbm>>
        tpu.enqueue_dma source(%dma_start3A_54 : memref<40x128xi32, #tpu.memory_space<hbm>>) target(%arg9 : memref<40x128xi32, #tpu.memory_space<vmem>>) target_semaphore(%run_scoped3A : memref<!tpu.dma_semaphore, #tpu.memory_space<semaphore_mem>>)
        %dma_wait3A = arith.constant 0 : i32
        %dma_wait3A_55 = tpu.memref_slice %arg4[%arg1, %mul3A_29, %dma_wait3A] : memref<16x80x128xi32, #tpu.memory_space<hbm>> -> memref<1x40x128xi32, #tpu.memory_space<hbm>>
        %dma_wait3A_56 = tpu.memref_squeeze %dma_wait3A_55 : memref<1x40x128xi32, #tpu.memory_space<hbm>> -> memref<40x128xi32, #tpu.memory_space<hbm>>
        %dma_wait3A_57 = arith.constant 0 : i32
        %dma_wait3A_58 = tpu.memref_slice %arg4[%arg1, %mul3A_29, %dma_wait3A_57] : memref<16x80x128xi32, #tpu.memory_space<hbm>> -> memref<1x40x128xi32, #tpu.memory_space<hbm>>
        %dma_wait3A_59 = tpu.memref_squeeze %dma_wait3A_58 : memref<1x40x128xi32, #tpu.memory_space<hbm>> -> memref<40x128xi32, #tpu.memory_space<hbm>>
        tpu.wait_dma2 semaphore(%run_scoped3A : memref<!tpu.dma_semaphore, #tpu.memory_space<semaphore_mem>>) src(%dma_wait3A_59 : memref<40x128xi32, #tpu.memory_space<hbm>>) dst(%arg9 : memref<40x128xi32, #tpu.memory_space<vmem>>)
        tpu.yield
      }) : () -> ()
      %dma_start3A = arith.constant 0 : i32
      %dma_start3A_30 = arith.constant 0 : i32
      %dma_start3A_31 = arith.constant 0 : i32
      %dma_start3A_32 = arith.constant 0 : i32
      %dma_start3A_33 = tpu.memref_slice %arg10[%dma_start3A_30, %dma_start3A_31, %dma_start3A_32] : memref<2x128x128xf32, #tpu.memory_space<vmem>> -> memref<1x128x128xf32, #tpu.memory_space<vmem>>
      %dma_start3A_34 = tpu.memref_squeeze %dma_start3A_33 : memref<1x128x128xf32, #tpu.memory_space<vmem>> -> memref<128x128xf32, #tpu.memory_space<vmem>>
      %dma_start3A_35 = arith.constant 0 : i32
      %dma_start3A_36 = tpu.memref_slice %arg8[%dma_start3A, %dma_start3A_35] : memref<40x128xi32, #tpu.memory_space<vmem>> -> memref<1x128xi32, #tpu.memory_space<vmem>>
      %dma_start3A_37 = tpu.memref_squeeze %dma_start3A_36 : memref<1x128xi32, #tpu.memory_space<vmem>> -> memref<128xi32, #tpu.memory_space<vmem>>
      %dma_start3A_38 = arith.constant 0 : i32
      %dma_start3A_39 = arith.constant 0 : i32
      %dma_start3A_40 = tpu.memref_slice %arg2[%dma_start3A_38, %dma_start3A_39] : memref<40000x128xf32, #tpu.memory_space<hbm>> -> memref<40000x128xf32, #tpu.memory_space<hbm>>
      tpu.enqueue_indirect_dma source(%dma_start3A_40 : memref<40000x128xf32, #tpu.memory_space<hbm>>) target(%dma_start3A_34 : memref<128x128xf32, #tpu.memory_space<vmem>>) offsets(%dma_start3A_37 : memref<128xi32, #tpu.memory_space<vmem>>) semaphore(%arg11 : memref<!tpu.dma_semaphore, #tpu.memory_space<semaphore_mem>>)
      %scan3A_41 = arith.constant 0 : i32
      %scan3A_42 = arith.constant 0 : i32
      %scan3A_43 = arith.constant 20 : i32
      %scan3A_44 = arith.addi %scan3A_42, %scan3A_43 : i32
      %scan3A_45 = arith.constant 1 : i32
      %scan3A_46 = scf.for %scan3A_49 = %scan3A_42 to %scan3A_44 step %scan3A_45 iter_args(%scan3A_50 = %scan3A_41) -> (i32)  : i32 {
        %mul3A_51 = arith.constant 2 : i32
        %mul3A_52 = arith.muli %mul3A_51, %scan3A_49 : i32
        %mul3A_53 = arith.constant 2 : i32
        %mul3A_54 = arith.muli %mul3A_53, %scan3A_49 : i32
        %add3A_55 = arith.constant 1 : i32
        %add3A_56 = arith.addi %mul3A_54, %add3A_55 : i32
        %dma_start3A_57 = arith.constant 1 : i32
        %dma_start3A_58 = arith.constant 0 : i32
        %dma_start3A_59 = arith.constant 0 : i32
        %dma_start3A_60 = tpu.memref_slice %arg10[%dma_start3A_57, %dma_start3A_58, %dma_start3A_59] : memref<2x128x128xf32, #tpu.memory_space<vmem>> -> memref<1x128x128xf32, #tpu.memory_space<vmem>>
        %dma_start3A_61 = tpu.memref_squeeze %dma_start3A_60 : memref<1x128x128xf32, #tpu.memory_space<vmem>> -> memref<128x128xf32, #tpu.memory_space<vmem>>
        %dma_start3A_62 = arith.constant 0 : i32
        %dma_start3A_63 = tpu.memref_slice %arg8[%add3A_56, %dma_start3A_62] : memref<40x128xi32, #tpu.memory_space<vmem>> -> memref<1x128xi32, #tpu.memory_space<vmem>>
        %dma_start3A_64 = tpu.memref_squeeze %dma_start3A_63 : memref<1x128xi32, #tpu.memory_space<vmem>> -> memref<128xi32, #tpu.memory_space<vmem>>
        %dma_start3A_65 = arith.constant 0 : i32
        %dma_start3A_66 = arith.constant 0 : i32
        %dma_start3A_67 = tpu.memref_slice %arg2[%dma_start3A_65, %dma_start3A_66] : memref<40000x128xf32, #tpu.memory_space<hbm>> -> memref<40000x128xf32, #tpu.memory_space<hbm>>
        tpu.enqueue_indirect_dma source(%dma_start3A_67 : memref<40000x128xf32, #tpu.memory_space<hbm>>) target(%dma_start3A_61 : memref<128x128xf32, #tpu.memory_space<vmem>>) offsets(%dma_start3A_64 : memref<128xi32, #tpu.memory_space<vmem>>) semaphore(%arg12 : memref<!tpu.dma_semaphore, #tpu.memory_space<semaphore_mem>>)
        %dma_wait3A = arith.constant 0 : i32
        %dma_wait3A_68 = arith.constant 0 : i32
        %dma_wait3A_69 = arith.constant 0 : i32
        %dma_wait3A_70 = tpu.memref_slice %arg10[%dma_wait3A, %dma_wait3A_68, %dma_wait3A_69] : memref<2x128x128xf32, #tpu.memory_space<vmem>> -> memref<1x128x128xf32, #tpu.memory_space<vmem>>
        %dma_wait3A_71 = tpu.memref_squeeze %dma_wait3A_70 : memref<1x128x128xf32, #tpu.memory_space<vmem>> -> memref<128x128xf32, #tpu.memory_space<vmem>>
        %dma_wait3A_72 = arith.constant 0 : i32
        %dma_wait3A_73 = tpu.memref_slice %arg8[%mul3A_52, %dma_wait3A_72] : memref<40x128xi32, #tpu.memory_space<vmem>> -> memref<1x128xi32, #tpu.memory_space<vmem>>
        %dma_wait3A_74 = tpu.memref_squeeze %dma_wait3A_73 : memref<1x128xi32, #tpu.memory_space<vmem>> -> memref<128xi32, #tpu.memory_space<vmem>>
        %dma_wait3A_75 = arith.constant 0 : i32
        %dma_wait3A_76 = arith.constant 0 : i32
        %dma_wait3A_77 = tpu.memref_slice %arg2[%dma_wait3A_75, %dma_wait3A_76] : memref<40000x128xf32, #tpu.memory_space<hbm>> -> memref<40000x128xf32, #tpu.memory_space<hbm>>
        tpu.wait_indirect_dma semaphore(%arg11 : memref<!tpu.dma_semaphore, #tpu.memory_space<semaphore_mem>>) src(%dma_wait3A_77 : memref<40000x128xf32, #tpu.memory_space<hbm>>) dst(%dma_wait3A_71 : memref<128x128xf32, #tpu.memory_space<vmem>>)
        %run_scoped3A = arith.constant 0 : i32
        "tpu.region"() ({
          %run_scoped3A_93 = tpu.sem_alloc : memref<!tpu.dma_semaphore, #tpu.memory_space<semaphore_mem>>
          %dma_start3A_94 = arith.constant 0 : i32
          %dma_start3A_95 = arith.constant 0 : i32
          %dma_start3A_96 = tpu.memref_slice %arg10[%run_scoped3A, %dma_start3A_94, %dma_start3A_95] : memref<2x128x128xf32, #tpu.memory_space<vmem>> -> memref<1x128x128xf32, #tpu.memory_space<vmem>>
          %dma_start3A_97 = tpu.memref_squeeze %dma_start3A_96 : memref<1x128x128xf32, #tpu.memory_space<vmem>> -> memref<128x128xf32, #tpu.memory_space<vmem>>
          %dma_start3A_98 = arith.constant 0 : i32
          %dma_start3A_99 = tpu.memref_slice %arg9[%mul3A_52, %dma_start3A_98] : memref<40x128xi32, #tpu.memory_space<vmem>> -> memref<1x128xi32, #tpu.memory_space<vmem>>
          %dma_start3A_100 = tpu.memref_squeeze %dma_start3A_99 : memref<1x128xi32, #tpu.memory_space<vmem>> -> memref<128xi32, #tpu.memory_space<vmem>>
          %dma_start3A_101 = arith.constant 0 : i32
          %dma_start3A_102 = arith.constant 0 : i32
          %dma_start3A_103 = tpu.memref_slice %arg7[%dma_start3A_101, %dma_start3A_102] : memref<10240x128xf32, #tpu.memory_space<vmem_shared>> -> memref<10240x128xf32, #tpu.memory_space<vmem_shared>>
          tpu.enqueue_indirect_dma source(%dma_start3A_97 : memref<128x128xf32, #tpu.memory_space<vmem>>) target(%dma_start3A_103 : memref<10240x128xf32, #tpu.memory_space<vmem_shared>>) offsets(%dma_start3A_100 : memref<128xi32, #tpu.memory_space<vmem>>) semaphore(%run_scoped3A_93 : memref<!tpu.dma_semaphore, #tpu.memory_space<semaphore_mem>>) {add = true}
          %dma_wait3A_104 = arith.constant 0 : i32
          %dma_wait3A_105 = arith.constant 0 : i32
          %dma_wait3A_106 = tpu.memref_slice %arg10[%run_scoped3A, %dma_wait3A_104, %dma_wait3A_105] : memref<2x128x128xf32, #tpu.memory_space<vmem>> -> memref<1x128x128xf32, #tpu.memory_space<vmem>>
          %dma_wait3A_107 = tpu.memref_squeeze %dma_wait3A_106 : memref<1x128x128xf32, #tpu.memory_space<vmem>> -> memref<128x128xf32, #tpu.memory_space<vmem>>
          %dma_wait3A_108 = arith.constant 0 : i32
          %dma_wait3A_109 = tpu.memref_slice %arg9[%mul3A_52, %dma_wait3A_108] : memref<40x128xi32, #tpu.memory_space<vmem>> -> memref<1x128xi32, #tpu.memory_space<vmem>>
          %dma_wait3A_110 = tpu.memref_squeeze %dma_wait3A_109 : memref<1x128xi32, #tpu.memory_space<vmem>> -> memref<128xi32, #tpu.memory_space<vmem>>
          %dma_wait3A_111 = arith.constant 0 : i32
          %dma_wait3A_112 = arith.constant 0 : i32
          %dma_wait3A_113 = tpu.memref_slice %arg7[%dma_wait3A_111, %dma_wait3A_112] : memref<10240x128xf32, #tpu.memory_space<vmem_shared>> -> memref<10240x128xf32, #tpu.memory_space<vmem_shared>>
          tpu.wait_indirect_dma semaphore(%run_scoped3A_93 : memref<!tpu.dma_semaphore, #tpu.memory_space<semaphore_mem>>) src(%dma_wait3A_107 : memref<128x128xf32, #tpu.memory_space<vmem>>) dst(%dma_wait3A_113 : memref<10240x128xf32, #tpu.memory_space<vmem_shared>>)
          tpu.yield
        }) : () -> ()
        %lt3A = arith.constant 19 : i32
        %lt3A_78 = arith.cmpi slt, %scan3A_49, %lt3A : i32
        %convert_element_type3A = arith.extui %lt3A_78 : i1 to i32
        %cond3A = arith.constant 0 : i32
        %cond3A_79 = arith.cmpi ne, %convert_element_type3A, %cond3A : i32
        scf.if %cond3A_79 {
          %add3A_93 = arith.constant 1 : i32
          %add3A_94 = arith.addi %add3A_56, %add3A_93 : i32
          %dma_start3A_95 = arith.constant 0 : i32
          %dma_start3A_96 = arith.constant 0 : i32
          %dma_start3A_97 = arith.constant 0 : i32
          %dma_start3A_98 = tpu.memref_slice %arg10[%dma_start3A_95, %dma_start3A_96, %dma_start3A_97] : memref<2x128x128xf32, #tpu.memory_space<vmem>> -> memref<1x128x128xf32, #tpu.memory_space<vmem>>
          %dma_start3A_99 = tpu.memref_squeeze %dma_start3A_98 : memref<1x128x128xf32, #tpu.memory_space<vmem>> -> memref<128x128xf32, #tpu.memory_space<vmem>>
          %dma_start3A_100 = arith.constant 0 : i32
          %dma_start3A_101 = tpu.memref_slice %arg8[%add3A_94, %dma_start3A_100] : memref<40x128xi32, #tpu.memory_space<vmem>> -> memref<1x128xi32, #tpu.memory_space<vmem>>
          %dma_start3A_102 = tpu.memref_squeeze %dma_start3A_101 : memref<1x128xi32, #tpu.memory_space<vmem>> -> memref<128xi32, #tpu.memory_space<vmem>>
          %dma_start3A_103 = arith.constant 0 : i32
          %dma_start3A_104 = arith.constant 0 : i32
          %dma_start3A_105 = tpu.memref_slice %arg2[%dma_start3A_103, %dma_start3A_104] : memref<40000x128xf32, #tpu.memory_space<hbm>> -> memref<40000x128xf32, #tpu.memory_space<hbm>>
          tpu.enqueue_indirect_dma source(%dma_start3A_105 : memref<40000x128xf32, #tpu.memory_space<hbm>>) target(%dma_start3A_99 : memref<128x128xf32, #tpu.memory_space<vmem>>) offsets(%dma_start3A_102 : memref<128xi32, #tpu.memory_space<vmem>>) semaphore(%arg11 : memref<!tpu.dma_semaphore, #tpu.memory_space<semaphore_mem>>)
        } else {
        }
        %dma_wait3A_80 = arith.constant 1 : i32
        %dma_wait3A_81 = arith.constant 0 : i32
        %dma_wait3A_82 = arith.constant 0 : i32
        %dma_wait3A_83 = tpu.memref_slice %arg10[%dma_wait3A_80, %dma_wait3A_81, %dma_wait3A_82] : memref<2x128x128xf32, #tpu.memory_space<vmem>> -> memref<1x128x128xf32, #tpu.memory_space<vmem>>
        %dma_wait3A_84 = tpu.memref_squeeze %dma_wait3A_83 : memref<1x128x128xf32, #tpu.memory_space<vmem>> -> memref<128x128xf32, #tpu.memory_space<vmem>>
        %dma_wait3A_85 = arith.constant 0 : i32
        %dma_wait3A_86 = tpu.memref_slice %arg8[%add3A_56, %dma_wait3A_85] : memref<40x128xi32, #tpu.memory_space<vmem>> -> memref<1x128xi32, #tpu.memory_space<vmem>>
        %dma_wait3A_87 = tpu.memref_squeeze %dma_wait3A_86 : memref<1x128xi32, #tpu.memory_space<vmem>> -> memref<128xi32, #tpu.memory_space<vmem>>
        %dma_wait3A_88 = arith.constant 0 : i32
        %dma_wait3A_89 = arith.constant 0 : i32
        %dma_wait3A_90 = tpu.memref_slice %arg2[%dma_wait3A_88, %dma_wait3A_89] : memref<40000x128xf32, #tpu.memory_space<hbm>> -> memref<40000x128xf32, #tpu.memory_space<hbm>>
        tpu.wait_indirect_dma semaphore(%arg12 : memref<!tpu.dma_semaphore, #tpu.memory_space<semaphore_mem>>) src(%dma_wait3A_90 : memref<40000x128xf32, #tpu.memory_space<hbm>>) dst(%dma_wait3A_84 : memref<128x128xf32, #tpu.memory_space<vmem>>)
        %run_scoped3A_91 = arith.constant 1 : i32
        "tpu.region"() ({
          %run_scoped3A_93 = tpu.sem_alloc : memref<!tpu.dma_semaphore, #tpu.memory_space<semaphore_mem>>
          %dma_start3A_94 = arith.constant 0 : i32
          %dma_start3A_95 = arith.constant 0 : i32
          %dma_start3A_96 = tpu.memref_slice %arg10[%run_scoped3A_91, %dma_start3A_94, %dma_start3A_95] : memref<2x128x128xf32, #tpu.memory_space<vmem>> -> memref<1x128x128xf32, #tpu.memory_space<vmem>>
          %dma_start3A_97 = tpu.memref_squeeze %dma_start3A_96 : memref<1x128x128xf32, #tpu.memory_space<vmem>> -> memref<128x128xf32, #tpu.memory_space<vmem>>
          %dma_start3A_98 = arith.constant 0 : i32
          %dma_start3A_99 = tpu.memref_slice %arg9[%add3A_56, %dma_start3A_98] : memref<40x128xi32, #tpu.memory_space<vmem>> -> memref<1x128xi32, #tpu.memory_space<vmem>>
          %dma_start3A_100 = tpu.memref_squeeze %dma_start3A_99 : memref<1x128xi32, #tpu.memory_space<vmem>> -> memref<128xi32, #tpu.memory_space<vmem>>
          %dma_start3A_101 = arith.constant 0 : i32
          %dma_start3A_102 = arith.constant 0 : i32
          %dma_start3A_103 = tpu.memref_slice %arg7[%dma_start3A_101, %dma_start3A_102] : memref<10240x128xf32, #tpu.memory_space<vmem_shared>> -> memref<10240x128xf32, #tpu.memory_space<vmem_shared>>
          tpu.enqueue_indirect_dma source(%dma_start3A_97 : memref<128x128xf32, #tpu.memory_space<vmem>>) target(%dma_start3A_103 : memref<10240x128xf32, #tpu.memory_space<vmem_shared>>) offsets(%dma_start3A_100 : memref<128xi32, #tpu.memory_space<vmem>>) semaphore(%run_scoped3A_93 : memref<!tpu.dma_semaphore, #tpu.memory_space<semaphore_mem>>) {add = true}
          %dma_wait3A_104 = arith.constant 0 : i32
          %dma_wait3A_105 = arith.constant 0 : i32
          %dma_wait3A_106 = tpu.memref_slice %arg10[%run_scoped3A_91, %dma_wait3A_104, %dma_wait3A_105] : memref<2x128x128xf32, #tpu.memory_space<vmem>> -> memref<1x128x128xf32, #tpu.memory_space<vmem>>
          %dma_wait3A_107 = tpu.memref_squeeze %dma_wait3A_106 : memref<1x128x128xf32, #tpu.memory_space<vmem>> -> memref<128x128xf32, #tpu.memory_space<vmem>>
          %dma_wait3A_108 = arith.constant 0 : i32
          %dma_wait3A_109 = tpu.memref_slice %arg9[%add3A_56, %dma_wait3A_108] : memref<40x128xi32, #tpu.memory_space<vmem>> -> memref<1x128xi32, #tpu.memory_space<vmem>>
          %dma_wait3A_110 = tpu.memref_squeeze %dma_wait3A_109 : memref<1x128xi32, #tpu.memory_space<vmem>> -> memref<128xi32, #tpu.memory_space<vmem>>
          %dma_wait3A_111 = arith.constant 0 : i32
          %dma_wait3A_112 = arith.constant 0 : i32
          %dma_wait3A_113 = tpu.memref_slice %arg7[%dma_wait3A_111, %dma_wait3A_112] : memref<10240x128xf32, #tpu.memory_space<vmem_shared>> -> memref<10240x128xf32, #tpu.memory_space<vmem_shared>>
          tpu.wait_indirect_dma semaphore(%run_scoped3A_93 : memref<!tpu.dma_semaphore, #tpu.memory_space<semaphore_mem>>) src(%dma_wait3A_107 : memref<128x128xf32, #tpu.memory_space<vmem>>) dst(%dma_wait3A_113 : memref<10240x128xf32, #tpu.memory_space<vmem_shared>>)
          tpu.yield
        }) : () -> ()
        %scan3A_92 = arith.constant 0 : i32
        scf.yield %scan3A_92 : i32
      }
      %scan3A_47 = arith.constant 20 : i32
      %scan3A_48 = arith.constant 0 : i32
      scf.yield %scan3A_48 : i32
    }
    %scan3A_9 = arith.constant 2 : i32
    %barrier3A_10 = arith.constant 0 : index
    tpu.barrier barrier_id(%barrier3A_10)
    "tpu.region"() ({
      %run_scoped3A = tpu.sem_alloc : memref<!tpu.dma_semaphore, #tpu.memory_space<semaphore_mem>>
      %dma_start3A = arith.constant 0 : i32
      %dma_start3A_24 = arith.constant 0 : i32
      %dma_start3A_25 = tpu.memref_slice %arg6[%add3A_3, %dma_start3A, %dma_start3A_24] : memref<4x10240x128xf32, #tpu.memory_space<hbm>> -> memref<1x10240x128xf32, #tpu.memory_space<hbm>>
      %dma_start3A_26 = tpu.memref_squeeze %dma_start3A_25 : memref<1x10240x128xf32, #tpu.memory_space<hbm>> -> memref<10240x128xf32, #tpu.memory_space<hbm>>
      %dma_start3A_27 = arith.constant 0 : i32
      %dma_start3A_28 = tpu.memref_slice %dma_start3A_26[%mul3A_0, %dma_start3A_27] : memref<10240x128xf32, #tpu.memory_space<hbm>> -> memref<640x128xf32, #tpu.memory_space<hbm>>
      %dma_start3A_29 = arith.constant 0 : i32
      %dma_start3A_30 = tpu.memref_slice %arg7[%mul3A_0, %dma_start3A_29] : memref<10240x128xf32, #tpu.memory_space<vmem_shared>> -> memref<640x128xf32, #tpu.memory_space<vmem_shared>>
      tpu.enqueue_dma source(%dma_start3A_30 : memref<640x128xf32, #tpu.memory_space<vmem_shared>>) target(%dma_start3A_28 : memref<640x128xf32, #tpu.memory_space<hbm>>) target_semaphore(%run_scoped3A : memref<!tpu.dma_semaphore, #tpu.memory_space<semaphore_mem>>)
      %dma_wait3A = arith.constant 0 : i32
      %dma_wait3A_31 = arith.constant 0 : i32
      %dma_wait3A_32 = tpu.memref_slice %arg6[%add3A_3, %dma_wait3A, %dma_wait3A_31] : memref<4x10240x128xf32, #tpu.memory_space<hbm>> -> memref<1x10240x128xf32, #tpu.memory_space<hbm>>
      %dma_wait3A_33 = tpu.memref_squeeze %dma_wait3A_32 : memref<1x10240x128xf32, #tpu.memory_space<hbm>> -> memref<10240x128xf32, #tpu.memory_space<hbm>>
      %dma_wait3A_34 = arith.constant 0 : i32
      %dma_wait3A_35 = tpu.memref_slice %dma_wait3A_33[%mul3A_0, %dma_wait3A_34] : memref<10240x128xf32, #tpu.memory_space<hbm>> -> memref<640x128xf32, #tpu.memory_space<hbm>>
      %dma_wait3A_36 = arith.constant 0 : i32
      %dma_wait3A_37 = tpu.memref_slice %arg7[%mul3A_0, %dma_wait3A_36] : memref<10240x128xf32, #tpu.memory_space<vmem_shared>> -> memref<640x128xf32, #tpu.memory_space<vmem_shared>>
      tpu.wait_dma2 semaphore(%run_scoped3A : memref<!tpu.dma_semaphore, #tpu.memory_space<semaphore_mem>>) src(%dma_wait3A_37 : memref<640x128xf32, #tpu.memory_space<vmem_shared>>) dst(%dma_wait3A_35 : memref<640x128xf32, #tpu.memory_space<hbm>>)
      tpu.yield
    }) : () -> ()
    %mul3A_11 = arith.constant 2 : i32
    %mul3A_12 = arith.muli %arg0, %mul3A_11 : i32
    %add3A_13 = arith.constant 1 : i32
    %add3A_14 = arith.addi %mul3A_12, %add3A_13 : i32
    "tpu.region"() ({
      %run_scoped3A = tpu.sem_alloc : memref<!tpu.dma_semaphore, #tpu.memory_space<semaphore_mem>>
      %dma_start3A = arith.constant 0 : i32
      %dma_start3A_24 = tpu.memref_slice %arg7[%mul3A_0, %dma_start3A] : memref<10240x128xf32, #tpu.memory_space<vmem_shared>> -> memref<640x128xf32, #tpu.memory_space<vmem_shared>>
      %dma_start3A_25 = arith.constant 0 : i32
      %dma_start3A_26 = arith.constant 0 : i32
      %dma_start3A_27 = tpu.memref_slice %arg5[%dma_start3A_25, %dma_start3A_26] : memref<640x128xf32, #tpu.memory_space<hbm>> -> memref<640x128xf32, #tpu.memory_space<hbm>>
      tpu.enqueue_dma source(%dma_start3A_27 : memref<640x128xf32, #tpu.memory_space<hbm>>) target(%dma_start3A_24 : memref<640x128xf32, #tpu.memory_space<vmem_shared>>) target_semaphore(%run_scoped3A : memref<!tpu.dma_semaphore, #tpu.memory_space<semaphore_mem>>)
      %dma_wait3A = arith.constant 0 : i32
      %dma_wait3A_28 = tpu.memref_slice %arg7[%mul3A_0, %dma_wait3A] : memref<10240x128xf32, #tpu.memory_space<vmem_shared>> -> memref<640x128xf32, #tpu.memory_space<vmem_shared>>
      %dma_wait3A_29 = arith.constant 0 : i32
      %dma_wait3A_30 = arith.constant 0 : i32
      %dma_wait3A_31 = tpu.memref_slice %arg5[%dma_wait3A_29, %dma_wait3A_30] : memref<640x128xf32, #tpu.memory_space<hbm>> -> memref<640x128xf32, #tpu.memory_space<hbm>>
      tpu.wait_dma2 semaphore(%run_scoped3A : memref<!tpu.dma_semaphore, #tpu.memory_space<semaphore_mem>>) src(%dma_wait3A_31 : memref<640x128xf32, #tpu.memory_space<hbm>>) dst(%dma_wait3A_28 : memref<640x128xf32, #tpu.memory_space<vmem_shared>>)
      tpu.yield
    }) : () -> ()
    %barrier3A_15 = arith.constant 0 : index
    tpu.barrier barrier_id(%barrier3A_15)
    %scan3A_16 = arith.constant 0 : i32
    %scan3A_17 = arith.constant 0 : i32
    %scan3A_18 = arith.constant 2 : i32
    %scan3A_19 = arith.addi %scan3A_17, %scan3A_18 : i32
    %scan3A_20 = arith.constant 1 : i32
    %scan3A_21 = scf.for %scan3A_24 = %scan3A_17 to %scan3A_19 step %scan3A_20 iter_args(%scan3A_25 = %scan3A_16) -> (i32)  : i32 {
      %mul3A_26 = arith.constant 40 : i32
      %mul3A_27 = arith.muli %scan3A_24, %mul3A_26 : i32
      "tpu.region"() ({
        %run_scoped3A = tpu.sem_alloc : memref<!tpu.dma_semaphore, #tpu.memory_space<semaphore_mem>>
        %dma_start3A_49 = arith.constant 0 : i32
        %dma_start3A_50 = tpu.memref_slice %arg3[%add3A_14, %arg1, %mul3A_27, %dma_start3A_49] : memref<4x16x80x128xi32, #tpu.memory_space<hbm>> -> memref<1x1x40x128xi32, #tpu.memory_space<hbm>>
        %dma_start3A_51 = tpu.memref_squeeze %dma_start3A_50 : memref<1x1x40x128xi32, #tpu.memory_space<hbm>> -> memref<40x128xi32, #tpu.memory_space<hbm>>
        %dma_start3A_52 = arith.constant 0 : i32
        %dma_start3A_53 = tpu.memref_slice %arg3[%add3A_14, %arg1, %mul3A_27, %dma_start3A_52] : memref<4x16x80x128xi32, #tpu.memory_space<hbm>> -> memref<1x1x40x128xi32, #tpu.memory_space<hbm>>
        %dma_start3A_54 = tpu.memref_squeeze %dma_start3A_53 : memref<1x1x40x128xi32, #tpu.memory_space<hbm>> -> memref<40x128xi32, #tpu.memory_space<hbm>>
        tpu.enqueue_dma source(%dma_start3A_54 : memref<40x128xi32, #tpu.memory_space<hbm>>) target(%arg8 : memref<40x128xi32, #tpu.memory_space<vmem>>) target_semaphore(%run_scoped3A : memref<!tpu.dma_semaphore, #tpu.memory_space<semaphore_mem>>)
        %dma_wait3A = arith.constant 0 : i32
        %dma_wait3A_55 = tpu.memref_slice %arg3[%add3A_14, %arg1, %mul3A_27, %dma_wait3A] : memref<4x16x80x128xi32, #tpu.memory_space<hbm>> -> memref<1x1x40x128xi32, #tpu.memory_space<hbm>>
        %dma_wait3A_56 = tpu.memref_squeeze %dma_wait3A_55 : memref<1x1x40x128xi32, #tpu.memory_space<hbm>> -> memref<40x128xi32, #tpu.memory_space<hbm>>
        %dma_wait3A_57 = arith.constant 0 : i32
        %dma_wait3A_58 = tpu.memref_slice %arg3[%add3A_14, %arg1, %mul3A_27, %dma_wait3A_57] : memref<4x16x80x128xi32, #tpu.memory_space<hbm>> -> memref<1x1x40x128xi32, #tpu.memory_space<hbm>>
        %dma_wait3A_59 = tpu.memref_squeeze %dma_wait3A_58 : memref<1x1x40x128xi32, #tpu.memory_space<hbm>> -> memref<40x128xi32, #tpu.memory_space<hbm>>
        tpu.wait_dma2 semaphore(%run_scoped3A : memref<!tpu.dma_semaphore, #tpu.memory_space<semaphore_mem>>) src(%dma_wait3A_59 : memref<40x128xi32, #tpu.memory_space<hbm>>) dst(%arg8 : memref<40x128xi32, #tpu.memory_space<vmem>>)
        tpu.yield
      }) : () -> ()
      %mul3A_28 = arith.constant 40 : i32
      %mul3A_29 = arith.muli %scan3A_24, %mul3A_28 : i32
      "tpu.region"() ({
        %run_scoped3A = tpu.sem_alloc : memref<!tpu.dma_semaphore, #tpu.memory_space<semaphore_mem>>
        %dma_start3A_49 = arith.constant 0 : i32
        %dma_start3A_50 = tpu.memref_slice %arg4[%arg1, %mul3A_29, %dma_start3A_49] : memref<16x80x128xi32, #tpu.memory_space<hbm>> -> memref<1x40x128xi32, #tpu.memory_space<hbm>>
        %dma_start3A_51 = tpu.memref_squeeze %dma_start3A_50 : memref<1x40x128xi32, #tpu.memory_space<hbm>> -> memref<40x128xi32, #tpu.memory_space<hbm>>
        %dma_start3A_52 = arith.constant 0 : i32
        %dma_start3A_53 = tpu.memref_slice %arg4[%arg1, %mul3A_29, %dma_start3A_52] : memref<16x80x128xi32, #tpu.memory_space<hbm>> -> memref<1x40x128xi32, #tpu.memory_space<hbm>>
        %dma_start3A_54 = tpu.memref_squeeze %dma_start3A_53 : memref<1x40x128xi32, #tpu.memory_space<hbm>> -> memref<40x128xi32, #tpu.memory_space<hbm>>
        tpu.enqueue_dma source(%dma_start3A_54 : memref<40x128xi32, #tpu.memory_space<hbm>>) target(%arg9 : memref<40x128xi32, #tpu.memory_space<vmem>>) target_semaphore(%run_scoped3A : memref<!tpu.dma_semaphore, #tpu.memory_space<semaphore_mem>>)
        %dma_wait3A = arith.constant 0 : i32
        %dma_wait3A_55 = tpu.memref_slice %arg4[%arg1, %mul3A_29, %dma_wait3A] : memref<16x80x128xi32, #tpu.memory_space<hbm>> -> memref<1x40x128xi32, #tpu.memory_space<hbm>>
        %dma_wait3A_56 = tpu.memref_squeeze %dma_wait3A_55 : memref<1x40x128xi32, #tpu.memory_space<hbm>> -> memref<40x128xi32, #tpu.memory_space<hbm>>
        %dma_wait3A_57 = arith.constant 0 : i32
        %dma_wait3A_58 = tpu.memref_slice %arg4[%arg1, %mul3A_29, %dma_wait3A_57] : memref<16x80x128xi32, #tpu.memory_space<hbm>> -> memref<1x40x128xi32, #tpu.memory_space<hbm>>
        %dma_wait3A_59 = tpu.memref_squeeze %dma_wait3A_58 : memref<1x40x128xi32, #tpu.memory_space<hbm>> -> memref<40x128xi32, #tpu.memory_space<hbm>>
        tpu.wait_dma2 semaphore(%run_scoped3A : memref<!tpu.dma_semaphore, #tpu.memory_space<semaphore_mem>>) src(%dma_wait3A_59 : memref<40x128xi32, #tpu.memory_space<hbm>>) dst(%arg9 : memref<40x128xi32, #tpu.memory_space<vmem>>)
        tpu.yield
      }) : () -> ()
      %dma_start3A = arith.constant 0 : i32
      %dma_start3A_30 = arith.constant 0 : i32
      %dma_start3A_31 = arith.constant 0 : i32
      %dma_start3A_32 = arith.constant 0 : i32
      %dma_start3A_33 = tpu.memref_slice %arg10[%dma_start3A_30, %dma_start3A_31, %dma_start3A_32] : memref<2x128x128xf32, #tpu.memory_space<vmem>> -> memref<1x128x128xf32, #tpu.memory_space<vmem>>
      %dma_start3A_34 = tpu.memref_squeeze %dma_start3A_33 : memref<1x128x128xf32, #tpu.memory_space<vmem>> -> memref<128x128xf32, #tpu.memory_space<vmem>>
      %dma_start3A_35 = arith.constant 0 : i32
      %dma_start3A_36 = tpu.memref_slice %arg8[%dma_start3A, %dma_start3A_35] : memref<40x128xi32, #tpu.memory_space<vmem>> -> memref<1x128xi32, #tpu.memory_space<vmem>>
      %dma_start3A_37 = tpu.memref_squeeze %dma_start3A_36 : memref<1x128xi32, #tpu.memory_space<vmem>> -> memref<128xi32, #tpu.memory_space<vmem>>
      %dma_start3A_38 = arith.constant 0 : i32
      %dma_start3A_39 = arith.constant 0 : i32
      %dma_start3A_40 = tpu.memref_slice %arg2[%dma_start3A_38, %dma_start3A_39] : memref<40000x128xf32, #tpu.memory_space<hbm>> -> memref<40000x128xf32, #tpu.memory_space<hbm>>
      tpu.enqueue_indirect_dma source(%dma_start3A_40 : memref<40000x128xf32, #tpu.memory_space<hbm>>) target(%dma_start3A_34 : memref<128x128xf32, #tpu.memory_space<vmem>>) offsets(%dma_start3A_37 : memref<128xi32, #tpu.memory_space<vmem>>) semaphore(%arg11 : memref<!tpu.dma_semaphore, #tpu.memory_space<semaphore_mem>>)
      %scan3A_41 = arith.constant 0 : i32
      %scan3A_42 = arith.constant 0 : i32
      %scan3A_43 = arith.constant 20 : i32
      %scan3A_44 = arith.addi %scan3A_42, %scan3A_43 : i32
      %scan3A_45 = arith.constant 1 : i32
      %scan3A_46 = scf.for %scan3A_49 = %scan3A_42 to %scan3A_44 step %scan3A_45 iter_args(%scan3A_50 = %scan3A_41) -> (i32)  : i32 {
        %mul3A_51 = arith.constant 2 : i32
        %mul3A_52 = arith.muli %mul3A_51, %scan3A_49 : i32
        %mul3A_53 = arith.constant 2 : i32
        %mul3A_54 = arith.muli %mul3A_53, %scan3A_49 : i32
        %add3A_55 = arith.constant 1 : i32
        %add3A_56 = arith.addi %mul3A_54, %add3A_55 : i32
        %dma_start3A_57 = arith.constant 1 : i32
        %dma_start3A_58 = arith.constant 0 : i32
        %dma_start3A_59 = arith.constant 0 : i32
        %dma_start3A_60 = tpu.memref_slice %arg10[%dma_start3A_57, %dma_start3A_58, %dma_start3A_59] : memref<2x128x128xf32, #tpu.memory_space<vmem>> -> memref<1x128x128xf32, #tpu.memory_space<vmem>>
        %dma_start3A_61 = tpu.memref_squeeze %dma_start3A_60 : memref<1x128x128xf32, #tpu.memory_space<vmem>> -> memref<128x128xf32, #tpu.memory_space<vmem>>
        %dma_start3A_62 = arith.constant 0 : i32
        %dma_start3A_63 = tpu.memref_slice %arg8[%add3A_56, %dma_start3A_62] : memref<40x128xi32, #tpu.memory_space<vmem>> -> memref<1x128xi32, #tpu.memory_space<vmem>>
        %dma_start3A_64 = tpu.memref_squeeze %dma_start3A_63 : memref<1x128xi32, #tpu.memory_space<vmem>> -> memref<128xi32, #tpu.memory_space<vmem>>
        %dma_start3A_65 = arith.constant 0 : i32
        %dma_start3A_66 = arith.constant 0 : i32
        %dma_start3A_67 = tpu.memref_slice %arg2[%dma_start3A_65, %dma_start3A_66] : memref<40000x128xf32, #tpu.memory_space<hbm>> -> memref<40000x128xf32, #tpu.memory_space<hbm>>
        tpu.enqueue_indirect_dma source(%dma_start3A_67 : memref<40000x128xf32, #tpu.memory_space<hbm>>) target(%dma_start3A_61 : memref<128x128xf32, #tpu.memory_space<vmem>>) offsets(%dma_start3A_64 : memref<128xi32, #tpu.memory_space<vmem>>) semaphore(%arg12 : memref<!tpu.dma_semaphore, #tpu.memory_space<semaphore_mem>>)
        %dma_wait3A = arith.constant 0 : i32
        %dma_wait3A_68 = arith.constant 0 : i32
        %dma_wait3A_69 = arith.constant 0 : i32
        %dma_wait3A_70 = tpu.memref_slice %arg10[%dma_wait3A, %dma_wait3A_68, %dma_wait3A_69] : memref<2x128x128xf32, #tpu.memory_space<vmem>> -> memref<1x128x128xf32, #tpu.memory_space<vmem>>
        %dma_wait3A_71 = tpu.memref_squeeze %dma_wait3A_70 : memref<1x128x128xf32, #tpu.memory_space<vmem>> -> memref<128x128xf32, #tpu.memory_space<vmem>>
        %dma_wait3A_72 = arith.constant 0 : i32
        %dma_wait3A_73 = tpu.memref_slice %arg8[%mul3A_52, %dma_wait3A_72] : memref<40x128xi32, #tpu.memory_space<vmem>> -> memref<1x128xi32, #tpu.memory_space<vmem>>
        %dma_wait3A_74 = tpu.memref_squeeze %dma_wait3A_73 : memref<1x128xi32, #tpu.memory_space<vmem>> -> memref<128xi32, #tpu.memory_space<vmem>>
        %dma_wait3A_75 = arith.constant 0 : i32
        %dma_wait3A_76 = arith.constant 0 : i32
        %dma_wait3A_77 = tpu.memref_slice %arg2[%dma_wait3A_75, %dma_wait3A_76] : memref<40000x128xf32, #tpu.memory_space<hbm>> -> memref<40000x128xf32, #tpu.memory_space<hbm>>
        tpu.wait_indirect_dma semaphore(%arg11 : memref<!tpu.dma_semaphore, #tpu.memory_space<semaphore_mem>>) src(%dma_wait3A_77 : memref<40000x128xf32, #tpu.memory_space<hbm>>) dst(%dma_wait3A_71 : memref<128x128xf32, #tpu.memory_space<vmem>>)
        %run_scoped3A = arith.constant 0 : i32
        "tpu.region"() ({
          %run_scoped3A_93 = tpu.sem_alloc : memref<!tpu.dma_semaphore, #tpu.memory_space<semaphore_mem>>
          %dma_start3A_94 = arith.constant 0 : i32
          %dma_start3A_95 = arith.constant 0 : i32
          %dma_start3A_96 = tpu.memref_slice %arg10[%run_scoped3A, %dma_start3A_94, %dma_start3A_95] : memref<2x128x128xf32, #tpu.memory_space<vmem>> -> memref<1x128x128xf32, #tpu.memory_space<vmem>>
          %dma_start3A_97 = tpu.memref_squeeze %dma_start3A_96 : memref<1x128x128xf32, #tpu.memory_space<vmem>> -> memref<128x128xf32, #tpu.memory_space<vmem>>
          %dma_start3A_98 = arith.constant 0 : i32
          %dma_start3A_99 = tpu.memref_slice %arg9[%mul3A_52, %dma_start3A_98] : memref<40x128xi32, #tpu.memory_space<vmem>> -> memref<1x128xi32, #tpu.memory_space<vmem>>
          %dma_start3A_100 = tpu.memref_squeeze %dma_start3A_99 : memref<1x128xi32, #tpu.memory_space<vmem>> -> memref<128xi32, #tpu.memory_space<vmem>>
          %dma_start3A_101 = arith.constant 0 : i32
          %dma_start3A_102 = arith.constant 0 : i32
          %dma_start3A_103 = tpu.memref_slice %arg7[%dma_start3A_101, %dma_start3A_102] : memref<10240x128xf32, #tpu.memory_space<vmem_shared>> -> memref<10240x128xf32, #tpu.memory_space<vmem_shared>>
          tpu.enqueue_indirect_dma source(%dma_start3A_97 : memref<128x128xf32, #tpu.memory_space<vmem>>) target(%dma_start3A_103 : memref<10240x128xf32, #tpu.memory_space<vmem_shared>>) offsets(%dma_start3A_100 : memref<128xi32, #tpu.memory_space<vmem>>) semaphore(%run_scoped3A_93 : memref<!tpu.dma_semaphore, #tpu.memory_space<semaphore_mem>>) {add = true}
          %dma_wait3A_104 = arith.constant 0 : i32
          %dma_wait3A_105 = arith.constant 0 : i32
          %dma_wait3A_106 = tpu.memref_slice %arg10[%run_scoped3A, %dma_wait3A_104, %dma_wait3A_105] : memref<2x128x128xf32, #tpu.memory_space<vmem>> -> memref<1x128x128xf32, #tpu.memory_space<vmem>>
          %dma_wait3A_107 = tpu.memref_squeeze %dma_wait3A_106 : memref<1x128x128xf32, #tpu.memory_space<vmem>> -> memref<128x128xf32, #tpu.memory_space<vmem>>
          %dma_wait3A_108 = arith.constant 0 : i32
          %dma_wait3A_109 = tpu.memref_slice %arg9[%mul3A_52, %dma_wait3A_108] : memref<40x128xi32, #tpu.memory_space<vmem>> -> memref<1x128xi32, #tpu.memory_space<vmem>>
          %dma_wait3A_110 = tpu.memref_squeeze %dma_wait3A_109 : memref<1x128xi32, #tpu.memory_space<vmem>> -> memref<128xi32, #tpu.memory_space<vmem>>
          %dma_wait3A_111 = arith.constant 0 : i32
          %dma_wait3A_112 = arith.constant 0 : i32
          %dma_wait3A_113 = tpu.memref_slice %arg7[%dma_wait3A_111, %dma_wait3A_112] : memref<10240x128xf32, #tpu.memory_space<vmem_shared>> -> memref<10240x128xf32, #tpu.memory_space<vmem_shared>>
          tpu.wait_indirect_dma semaphore(%run_scoped3A_93 : memref<!tpu.dma_semaphore, #tpu.memory_space<semaphore_mem>>) src(%dma_wait3A_107 : memref<128x128xf32, #tpu.memory_space<vmem>>) dst(%dma_wait3A_113 : memref<10240x128xf32, #tpu.memory_space<vmem_shared>>)
          tpu.yield
        }) : () -> ()
        %lt3A = arith.constant 19 : i32
        %lt3A_78 = arith.cmpi slt, %scan3A_49, %lt3A : i32
        %convert_element_type3A = arith.extui %lt3A_78 : i1 to i32
        %cond3A = arith.constant 0 : i32
        %cond3A_79 = arith.cmpi ne, %convert_element_type3A, %cond3A : i32
        scf.if %cond3A_79 {
          %add3A_93 = arith.constant 1 : i32
          %add3A_94 = arith.addi %add3A_56, %add3A_93 : i32
          %dma_start3A_95 = arith.constant 0 : i32
          %dma_start3A_96 = arith.constant 0 : i32
          %dma_start3A_97 = arith.constant 0 : i32
          %dma_start3A_98 = tpu.memref_slice %arg10[%dma_start3A_95, %dma_start3A_96, %dma_start3A_97] : memref<2x128x128xf32, #tpu.memory_space<vmem>> -> memref<1x128x128xf32, #tpu.memory_space<vmem>>
          %dma_start3A_99 = tpu.memref_squeeze %dma_start3A_98 : memref<1x128x128xf32, #tpu.memory_space<vmem>> -> memref<128x128xf32, #tpu.memory_space<vmem>>
          %dma_start3A_100 = arith.constant 0 : i32
          %dma_start3A_101 = tpu.memref_slice %arg8[%add3A_94, %dma_start3A_100] : memref<40x128xi32, #tpu.memory_space<vmem>> -> memref<1x128xi32, #tpu.memory_space<vmem>>
          %dma_start3A_102 = tpu.memref_squeeze %dma_start3A_101 : memref<1x128xi32, #tpu.memory_space<vmem>> -> memref<128xi32, #tpu.memory_space<vmem>>
          %dma_start3A_103 = arith.constant 0 : i32
          %dma_start3A_104 = arith.constant 0 : i32
          %dma_start3A_105 = tpu.memref_slice %arg2[%dma_start3A_103, %dma_start3A_104] : memref<40000x128xf32, #tpu.memory_space<hbm>> -> memref<40000x128xf32, #tpu.memory_space<hbm>>
          tpu.enqueue_indirect_dma source(%dma_start3A_105 : memref<40000x128xf32, #tpu.memory_space<hbm>>) target(%dma_start3A_99 : memref<128x128xf32, #tpu.memory_space<vmem>>) offsets(%dma_start3A_102 : memref<128xi32, #tpu.memory_space<vmem>>) semaphore(%arg11 : memref<!tpu.dma_semaphore, #tpu.memory_space<semaphore_mem>>)
        } else {
        }
        %dma_wait3A_80 = arith.constant 1 : i32
        %dma_wait3A_81 = arith.constant 0 : i32
        %dma_wait3A_82 = arith.constant 0 : i32
        %dma_wait3A_83 = tpu.memref_slice %arg10[%dma_wait3A_80, %dma_wait3A_81, %dma_wait3A_82] : memref<2x128x128xf32, #tpu.memory_space<vmem>> -> memref<1x128x128xf32, #tpu.memory_space<vmem>>
        %dma_wait3A_84 = tpu.memref_squeeze %dma_wait3A_83 : memref<1x128x128xf32, #tpu.memory_space<vmem>> -> memref<128x128xf32, #tpu.memory_space<vmem>>
        %dma_wait3A_85 = arith.constant 0 : i32
        %dma_wait3A_86 = tpu.memref_slice %arg8[%add3A_56, %dma_wait3A_85] : memref<40x128xi32, #tpu.memory_space<vmem>> -> memref<1x128xi32, #tpu.memory_space<vmem>>
        %dma_wait3A_87 = tpu.memref_squeeze %dma_wait3A_86 : memref<1x128xi32, #tpu.memory_space<vmem>> -> memref<128xi32, #tpu.memory_space<vmem>>
        %dma_wait3A_88 = arith.constant 0 : i32
        %dma_wait3A_89 = arith.constant 0 : i32
        %dma_wait3A_90 = tpu.memref_slice %arg2[%dma_wait3A_88, %dma_wait3A_89] : memref<40000x128xf32, #tpu.memory_space<hbm>> -> memref<40000x128xf32, #tpu.memory_space<hbm>>
        tpu.wait_indirect_dma semaphore(%arg12 : memref<!tpu.dma_semaphore, #tpu.memory_space<semaphore_mem>>) src(%dma_wait3A_90 : memref<40000x128xf32, #tpu.memory_space<hbm>>) dst(%dma_wait3A_84 : memref<128x128xf32, #tpu.memory_space<vmem>>)
        %run_scoped3A_91 = arith.constant 1 : i32
        "tpu.region"() ({
          %run_scoped3A_93 = tpu.sem_alloc : memref<!tpu.dma_semaphore, #tpu.memory_space<semaphore_mem>>
          %dma_start3A_94 = arith.constant 0 : i32
          %dma_start3A_95 = arith.constant 0 : i32
          %dma_start3A_96 = tpu.memref_slice %arg10[%run_scoped3A_91, %dma_start3A_94, %dma_start3A_95] : memref<2x128x128xf32, #tpu.memory_space<vmem>> -> memref<1x128x128xf32, #tpu.memory_space<vmem>>
          %dma_start3A_97 = tpu.memref_squeeze %dma_start3A_96 : memref<1x128x128xf32, #tpu.memory_space<vmem>> -> memref<128x128xf32, #tpu.memory_space<vmem>>
          %dma_start3A_98 = arith.constant 0 : i32
          %dma_start3A_99 = tpu.memref_slice %arg9[%add3A_56, %dma_start3A_98] : memref<40x128xi32, #tpu.memory_space<vmem>> -> memref<1x128xi32, #tpu.memory_space<vmem>>
          %dma_start3A_100 = tpu.memref_squeeze %dma_start3A_99 : memref<1x128xi32, #tpu.memory_space<vmem>> -> memref<128xi32, #tpu.memory_space<vmem>>
          %dma_start3A_101 = arith.constant 0 : i32
          %dma_start3A_102 = arith.constant 0 : i32
          %dma_start3A_103 = tpu.memref_slice %arg7[%dma_start3A_101, %dma_start3A_102] : memref<10240x128xf32, #tpu.memory_space<vmem_shared>> -> memref<10240x128xf32, #tpu.memory_space<vmem_shared>>
          tpu.enqueue_indirect_dma source(%dma_start3A_97 : memref<128x128xf32, #tpu.memory_space<vmem>>) target(%dma_start3A_103 : memref<10240x128xf32, #tpu.memory_space<vmem_shared>>) offsets(%dma_start3A_100 : memref<128xi32, #tpu.memory_space<vmem>>) semaphore(%run_scoped3A_93 : memref<!tpu.dma_semaphore, #tpu.memory_space<semaphore_mem>>) {add = true}
          %dma_wait3A_104 = arith.constant 0 : i32
          %dma_wait3A_105 = arith.constant 0 : i32
          %dma_wait3A_106 = tpu.memref_slice %arg10[%run_scoped3A_91, %dma_wait3A_104, %dma_wait3A_105] : memref<2x128x128xf32, #tpu.memory_space<vmem>> -> memref<1x128x128xf32, #tpu.memory_space<vmem>>
          %dma_wait3A_107 = tpu.memref_squeeze %dma_wait3A_106 : memref<1x128x128xf32, #tpu.memory_space<vmem>> -> memref<128x128xf32, #tpu.memory_space<vmem>>
          %dma_wait3A_108 = arith.constant 0 : i32
          %dma_wait3A_109 = tpu.memref_slice %arg9[%add3A_56, %dma_wait3A_108] : memref<40x128xi32, #tpu.memory_space<vmem>> -> memref<1x128xi32, #tpu.memory_space<vmem>>
          %dma_wait3A_110 = tpu.memref_squeeze %dma_wait3A_109 : memref<1x128xi32, #tpu.memory_space<vmem>> -> memref<128xi32, #tpu.memory_space<vmem>>
          %dma_wait3A_111 = arith.constant 0 : i32
          %dma_wait3A_112 = arith.constant 0 : i32
          %dma_wait3A_113 = tpu.memref_slice %arg7[%dma_wait3A_111, %dma_wait3A_112] : memref<10240x128xf32, #tpu.memory_space<vmem_shared>> -> memref<10240x128xf32, #tpu.memory_space<vmem_shared>>
          tpu.wait_indirect_dma semaphore(%run_scoped3A_93 : memref<!tpu.dma_semaphore, #tpu.memory_space<semaphore_mem>>) src(%dma_wait3A_107 : memref<128x128xf32, #tpu.memory_space<vmem>>) dst(%dma_wait3A_113 : memref<10240x128xf32, #tpu.memory_space<vmem_shared>>)
          tpu.yield
        }) : () -> ()
        %scan3A_92 = arith.constant 0 : i32
        scf.yield %scan3A_92 : i32
      }
      %scan3A_47 = arith.constant 20 : i32
      %scan3A_48 = arith.constant 0 : i32
      scf.yield %scan3A_48 : i32
    }
    %scan3A_22 = arith.constant 2 : i32
    %barrier3A_23 = arith.constant 0 : index
    tpu.barrier barrier_id(%barrier3A_23)
    "tpu.region"() ({
      %run_scoped3A = tpu.sem_alloc : memref<!tpu.dma_semaphore, #tpu.memory_space<semaphore_mem>>
      %dma_start3A = arith.constant 0 : i32
      %dma_start3A_24 = arith.constant 0 : i32
      %dma_start3A_25 = tpu.memref_slice %arg6[%add3A_14, %dma_start3A, %dma_start3A_24] : memref<4x10240x128xf32, #tpu.memory_space<hbm>> -> memref<1x10240x128xf32, #tpu.memory_space<hbm>>
      %dma_start3A_26 = tpu.memref_squeeze %dma_start3A_25 : memref<1x10240x128xf32, #tpu.memory_space<hbm>> -> memref<10240x128xf32, #tpu.memory_space<hbm>>
      %dma_start3A_27 = arith.constant 0 : i32
      %dma_start3A_28 = tpu.memref_slice %dma_start3A_26[%mul3A_0, %dma_start3A_27] : memref<10240x128xf32, #tpu.memory_space<hbm>> -> memref<640x128xf32, #tpu.memory_space<hbm>>
      %dma_start3A_29 = arith.constant 0 : i32
      %dma_start3A_30 = tpu.memref_slice %arg7[%mul3A_0, %dma_start3A_29] : memref<10240x128xf32, #tpu.memory_space<vmem_shared>> -> memref<640x128xf32, #tpu.memory_space<vmem_shared>>
      tpu.enqueue_dma source(%dma_start3A_30 : memref<640x128xf32, #tpu.memory_space<vmem_shared>>) target(%dma_start3A_28 : memref<640x128xf32, #tpu.memory_space<hbm>>) target_semaphore(%run_scoped3A : memref<!tpu.dma_semaphore, #tpu.memory_space<semaphore_mem>>)
      %dma_wait3A = arith.constant 0 : i32
      %dma_wait3A_31 = arith.constant 0 : i32
      %dma_wait3A_32 = tpu.memref_slice %arg6[%add3A_14, %dma_wait3A, %dma_wait3A_31] : memref<4x10240x128xf32, #tpu.memory_space<hbm>> -> memref<1x10240x128xf32, #tpu.memory_space<hbm>>
      %dma_wait3A_33 = tpu.memref_squeeze %dma_wait3A_32 : memref<1x10240x128xf32, #tpu.memory_space<hbm>> -> memref<10240x128xf32, #tpu.memory_space<hbm>>
      %dma_wait3A_34 = arith.constant 0 : i32
      %dma_wait3A_35 = tpu.memref_slice %dma_wait3A_33[%mul3A_0, %dma_wait3A_34] : memref<10240x128xf32, #tpu.memory_space<hbm>> -> memref<640x128xf32, #tpu.memory_space<hbm>>
      %dma_wait3A_36 = arith.constant 0 : i32
      %dma_wait3A_37 = tpu.memref_slice %arg7[%mul3A_0, %dma_wait3A_36] : memref<10240x128xf32, #tpu.memory_space<vmem_shared>> -> memref<640x128xf32, #tpu.memory_space<vmem_shared>>
      tpu.wait_dma2 semaphore(%run_scoped3A : memref<!tpu.dma_semaphore, #tpu.memory_space<semaphore_mem>>) src(%dma_wait3A_37 : memref<640x128xf32, #tpu.memory_space<vmem_shared>>) dst(%dma_wait3A_35 : memref<640x128xf32, #tpu.memory_space<hbm>>)
      tpu.yield
    }) : () -> ()
    return
  }
}

#map = affine_map<(d0, d1) -> (0, 0, 0)>
#map1 = affine_map<(d0, d1) -> (0)>
#map2 = affine_map<(d0, d1) -> (0, 0)>
module attributes {stable_mosaic.version = 14 : i64} {
  func.func @_sc_degree_body(%arg0: i32, %arg1: i32, %arg2: memref<16x80x128xi32, #tpu.memory_space<hbm>>, %arg3: memref<80xi32, #tpu.memory_space<hbm>>, %arg4: memref<8x128xf32, #tpu.memory_space<hbm>>, %arg5: memref<80x128xf32, #tpu.memory_space<hbm>>, %arg6: memref<80x128xf32, #tpu.memory_space<vmem_shared>>, %arg7: memref<80x128xi32, #tpu.memory_space<vmem>>, %arg8: memref<80x128xf32, #tpu.memory_space<vmem>>, %arg9: memref<80xi32, #tpu.memory_space<vmem>>) attributes {dimension_semantics = [#tpu.dimension_semantics<core_parallel>, #tpu.dimension_semantics<subcore_parallel>], iteration_bounds = array<i64: 2, 16>, scalar_prefetch = 0 : i64, scratch_operands = 4 : i64, tpu.core_type = #tpu.core_type<sc_vector_subcore>, window_params = [{transform_indices = #map}, {transform_indices = #map1}, {transform_indices = #map2}, {transform_indices = #map2}]} {
    "tpu.region"() ({
      %run_scoped3A = tpu.sem_alloc : memref<!tpu.dma_semaphore, #tpu.memory_space<semaphore_mem>>
      %dma_start3A = arith.constant 0 : i32
      %dma_start3A_25 = arith.constant 0 : i32
      %dma_start3A_26 = tpu.memref_slice %arg2[%arg1, %dma_start3A, %dma_start3A_25] : memref<16x80x128xi32, #tpu.memory_space<hbm>> -> memref<1x80x128xi32, #tpu.memory_space<hbm>>
      %dma_start3A_27 = tpu.memref_squeeze %dma_start3A_26 : memref<1x80x128xi32, #tpu.memory_space<hbm>> -> memref<80x128xi32, #tpu.memory_space<hbm>>
      %dma_start3A_28 = arith.constant 0 : i32
      %dma_start3A_29 = arith.constant 0 : i32
      %dma_start3A_30 = tpu.memref_slice %arg2[%arg1, %dma_start3A_28, %dma_start3A_29] : memref<16x80x128xi32, #tpu.memory_space<hbm>> -> memref<1x80x128xi32, #tpu.memory_space<hbm>>
      %dma_start3A_31 = tpu.memref_squeeze %dma_start3A_30 : memref<1x80x128xi32, #tpu.memory_space<hbm>> -> memref<80x128xi32, #tpu.memory_space<hbm>>
      tpu.enqueue_dma source(%dma_start3A_31 : memref<80x128xi32, #tpu.memory_space<hbm>>) target(%arg7 : memref<80x128xi32, #tpu.memory_space<vmem>>) target_semaphore(%run_scoped3A : memref<!tpu.dma_semaphore, #tpu.memory_space<semaphore_mem>>)
      %dma_wait3A = arith.constant 0 : i32
      %dma_wait3A_32 = arith.constant 0 : i32
      %dma_wait3A_33 = tpu.memref_slice %arg2[%arg1, %dma_wait3A, %dma_wait3A_32] : memref<16x80x128xi32, #tpu.memory_space<hbm>> -> memref<1x80x128xi32, #tpu.memory_space<hbm>>
      %dma_wait3A_34 = tpu.memref_squeeze %dma_wait3A_33 : memref<1x80x128xi32, #tpu.memory_space<hbm>> -> memref<80x128xi32, #tpu.memory_space<hbm>>
      %dma_wait3A_35 = arith.constant 0 : i32
      %dma_wait3A_36 = arith.constant 0 : i32
      %dma_wait3A_37 = tpu.memref_slice %arg2[%arg1, %dma_wait3A_35, %dma_wait3A_36] : memref<16x80x128xi32, #tpu.memory_space<hbm>> -> memref<1x80x128xi32, #tpu.memory_space<hbm>>
      %dma_wait3A_38 = tpu.memref_squeeze %dma_wait3A_37 : memref<1x80x128xi32, #tpu.memory_space<hbm>> -> memref<80x128xi32, #tpu.memory_space<hbm>>
      tpu.wait_dma2 semaphore(%run_scoped3A : memref<!tpu.dma_semaphore, #tpu.memory_space<semaphore_mem>>) src(%dma_wait3A_38 : memref<80x128xi32, #tpu.memory_space<hbm>>) dst(%arg7 : memref<80x128xi32, #tpu.memory_space<vmem>>)
      tpu.yield
    }) : () -> ()
    "tpu.region"() ({
      %run_scoped3A = tpu.sem_alloc : memref<!tpu.dma_semaphore, #tpu.memory_space<semaphore_mem>>
      tpu.enqueue_dma source(%arg3 : memref<80xi32, #tpu.memory_space<hbm>>) target(%arg9 : memref<80xi32, #tpu.memory_space<vmem>>) target_semaphore(%run_scoped3A : memref<!tpu.dma_semaphore, #tpu.memory_space<semaphore_mem>>)
      tpu.wait_dma2 semaphore(%run_scoped3A : memref<!tpu.dma_semaphore, #tpu.memory_space<semaphore_mem>>) src(%arg3 : memref<80xi32, #tpu.memory_space<hbm>>) dst(%arg9 : memref<80xi32, #tpu.memory_space<vmem>>)
      tpu.yield
    }) : () -> ()
    %lt3A = arith.constant 10 : i32
    %lt3A_0 = arith.cmpi slt, %arg1, %lt3A : i32
    %convert_element_type3A = arith.extui %lt3A_0 : i1 to i32
    %cond3A = arith.constant 0 : i32
    %cond3A_1 = arith.cmpi ne, %convert_element_type3A, %cond3A : i32
    scf.if %cond3A_1 {
      %mul3A = arith.constant 8 : i32
      %mul3A_25 = arith.muli %arg1, %mul3A : i32
      "tpu.region"() ({
        %run_scoped3A = tpu.sem_alloc : memref<!tpu.dma_semaphore, #tpu.memory_space<semaphore_mem>>
        %dma_start3A = arith.constant 0 : i32
        %dma_start3A_26 = tpu.memref_slice %arg6[%mul3A_25, %dma_start3A] : memref<80x128xf32, #tpu.memory_space<vmem_shared>> -> memref<8x128xf32, #tpu.memory_space<vmem_shared>>
        tpu.enqueue_dma source(%arg4 : memref<8x128xf32, #tpu.memory_space<hbm>>) target(%dma_start3A_26 : memref<8x128xf32, #tpu.memory_space<vmem_shared>>) target_semaphore(%run_scoped3A : memref<!tpu.dma_semaphore, #tpu.memory_space<semaphore_mem>>)
        %dma_wait3A = arith.constant 0 : i32
        %dma_wait3A_27 = tpu.memref_slice %arg6[%mul3A_25, %dma_wait3A] : memref<80x128xf32, #tpu.memory_space<vmem_shared>> -> memref<8x128xf32, #tpu.memory_space<vmem_shared>>
        tpu.wait_dma2 semaphore(%run_scoped3A : memref<!tpu.dma_semaphore, #tpu.memory_space<semaphore_mem>>) src(%arg4 : memref<8x128xf32, #tpu.memory_space<hbm>>) dst(%dma_wait3A_27 : memref<8x128xf32, #tpu.memory_space<vmem_shared>>)
        tpu.yield
      }) : () -> ()
    } else {
    }
    %broadcast_in_dim3A = arith.constant 0.000000e+00 : f32
    %broadcast_in_dim3A_2 = vector.broadcast %broadcast_in_dim3A : f32 to vector<16xf32>
    %scan3A = arith.constant 0 : i32
    %scan3A_3 = arith.constant 0 : i32
    %scan3A_4 = arith.constant 80 : i32
    %scan3A_5 = arith.addi %scan3A_3, %scan3A_4 : i32
    %scan3A_6 = arith.constant 1 : i32
    %scan3A_7 = scf.for %scan3A_25 = %scan3A_3 to %scan3A_5 step %scan3A_6 iter_args(%scan3A_26 = %scan3A) -> (i32)  : i32 {
      %swap3A = arith.index_cast %scan3A_25 : i32 to index
      %swap3A_27 = arith.constant 0 : index
      %swap3A_28 = tpu.vector_load %arg8[%swap3A, %swap3A_27] {strides = array<i32>} : memref<80x128xf32, #tpu.memory_space<vmem>>, vector<16xf32>,
      tpu.vector_store %arg8[%swap3A, %swap3A_27], %broadcast_in_dim3A_2 {strides = array<i32>} : memref<80x128xf32, #tpu.memory_space<vmem>>, vector<16xf32>,
      %swap3A_29 = arith.index_cast %scan3A_25 : i32 to index
      %swap3A_30 = arith.constant 16 : index
      %swap3A_31 = tpu.vector_load %arg8[%swap3A_29, %swap3A_30] {strides = array<i32>} : memref<80x128xf32, #tpu.memory_space<vmem>>, vector<16xf32>,
      tpu.vector_store %arg8[%swap3A_29, %swap3A_30], %broadcast_in_dim3A_2 {strides = array<i32>} : memref<80x128xf32, #tpu.memory_space<vmem>>, vector<16xf32>,
      %swap3A_32 = arith.index_cast %scan3A_25 : i32 to index
      %swap3A_33 = arith.constant 32 : index
      %swap3A_34 = tpu.vector_load %arg8[%swap3A_32, %swap3A_33] {strides = array<i32>} : memref<80x128xf32, #tpu.memory_space<vmem>>, vector<16xf32>,
      tpu.vector_store %arg8[%swap3A_32, %swap3A_33], %broadcast_in_dim3A_2 {strides = array<i32>} : memref<80x128xf32, #tpu.memory_space<vmem>>, vector<16xf32>,
      %swap3A_35 = arith.index_cast %scan3A_25 : i32 to index
      %swap3A_36 = arith.constant 48 : index
      %swap3A_37 = tpu.vector_load %arg8[%swap3A_35, %swap3A_36] {strides = array<i32>} : memref<80x128xf32, #tpu.memory_space<vmem>>, vector<16xf32>,
      tpu.vector_store %arg8[%swap3A_35, %swap3A_36], %broadcast_in_dim3A_2 {strides = array<i32>} : memref<80x128xf32, #tpu.memory_space<vmem>>, vector<16xf32>,
      %swap3A_38 = arith.index_cast %scan3A_25 : i32 to index
      %swap3A_39 = arith.constant 64 : index
      %swap3A_40 = tpu.vector_load %arg8[%swap3A_38, %swap3A_39] {strides = array<i32>} : memref<80x128xf32, #tpu.memory_space<vmem>>, vector<16xf32>,
      tpu.vector_store %arg8[%swap3A_38, %swap3A_39], %broadcast_in_dim3A_2 {strides = array<i32>} : memref<80x128xf32, #tpu.memory_space<vmem>>, vector<16xf32>,
      %swap3A_41 = arith.index_cast %scan3A_25 : i32 to index
      %swap3A_42 = arith.constant 80 : index
      %swap3A_43 = tpu.vector_load %arg8[%swap3A_41, %swap3A_42] {strides = array<i32>} : memref<80x128xf32, #tpu.memory_space<vmem>>, vector<16xf32>,
      tpu.vector_store %arg8[%swap3A_41, %swap3A_42], %broadcast_in_dim3A_2 {strides = array<i32>} : memref<80x128xf32, #tpu.memory_space<vmem>>, vector<16xf32>,
      %swap3A_44 = arith.index_cast %scan3A_25 : i32 to index
      %swap3A_45 = arith.constant 96 : index
      %swap3A_46 = tpu.vector_load %arg8[%swap3A_44, %swap3A_45] {strides = array<i32>} : memref<80x128xf32, #tpu.memory_space<vmem>>, vector<16xf32>,
      tpu.vector_store %arg8[%swap3A_44, %swap3A_45], %broadcast_in_dim3A_2 {strides = array<i32>} : memref<80x128xf32, #tpu.memory_space<vmem>>, vector<16xf32>,
      %swap3A_47 = arith.index_cast %scan3A_25 : i32 to index
      %swap3A_48 = arith.constant 112 : index
      %swap3A_49 = tpu.vector_load %arg8[%swap3A_47, %swap3A_48] {strides = array<i32>} : memref<80x128xf32, #tpu.memory_space<vmem>>, vector<16xf32>,
      tpu.vector_store %arg8[%swap3A_47, %swap3A_48], %broadcast_in_dim3A_2 {strides = array<i32>} : memref<80x128xf32, #tpu.memory_space<vmem>>, vector<16xf32>,
      %scan3A_50 = arith.constant 0 : i32
      scf.yield %scan3A_50 : i32
    }
    %scan3A_8 = arith.constant 80 : i32
    %barrier3A = arith.constant 0 : index
    tpu.barrier barrier_id(%barrier3A)
    %broadcast_in_dim3A_9 = arith.constant 1.000000e+00 : f32
    %broadcast_in_dim3A_10 = vector.broadcast %broadcast_in_dim3A_9 : f32 to vector<16xf32>
    %scan3A_11 = arith.constant 0 : i32
    %scan3A_12 = arith.constant 0 : i32
    %scan3A_13 = arith.constant 80 : i32
    %scan3A_14 = arith.addi %scan3A_12, %scan3A_13 : i32
    %scan3A_15 = arith.constant 1 : i32
    %scan3A_16 = scf.for %scan3A_25 = %scan3A_12 to %scan3A_14 step %scan3A_15 iter_args(%scan3A_26 = %scan3A_11) -> (i32)  : i32 {
      %get3A = arith.index_cast %scan3A_25 : i32 to index
      %get3A_27 = arith.constant 0 : index
      %get3A_28 = tpu.vector_load %arg7[%get3A, %get3A_27] {strides = array<i32>} : memref<80x128xi32, #tpu.memory_space<vmem>>, vector<16xi32>,
      %div3A = arith.constant 128 : i32
      %div3A_29 = vector.broadcast %div3A : i32 to vector<16xi32>
      %div3A_30 = arith.divsi %get3A_28, %div3A_29 : vector<16xi32>
      %rem3A = arith.constant 128 : i32
      %rem3A_31 = vector.broadcast %rem3A : i32 to vector<16xi32>
      %rem3A_32 = arith.remsi %get3A_28, %rem3A_31 : vector<16xi32>
      tpu.vector_store_idx %arg8[%div3A_30, %rem3A_32], %broadcast_in_dim3A_10 {add = true} : memref<80x128xf32, #tpu.memory_space<vmem>>[vector<16xi32>, vector<16xi32>], vector<16xf32>,
      %get3A_33 = arith.index_cast %scan3A_25 : i32 to index
      %get3A_34 = arith.constant 16 : index
      %get3A_35 = tpu.vector_load %arg7[%get3A_33, %get3A_34] {strides = array<i32>} : memref<80x128xi32, #tpu.memory_space<vmem>>, vector<16xi32>,
      %div3A_36 = arith.constant 128 : i32
      %div3A_37 = vector.broadcast %div3A_36 : i32 to vector<16xi32>
      %div3A_38 = arith.divsi %get3A_35, %div3A_37 : vector<16xi32>
      %rem3A_39 = arith.constant 128 : i32
      %rem3A_40 = vector.broadcast %rem3A_39 : i32 to vector<16xi32>
      %rem3A_41 = arith.remsi %get3A_35, %rem3A_40 : vector<16xi32>
      tpu.vector_store_idx %arg8[%div3A_38, %rem3A_41], %broadcast_in_dim3A_10 {add = true} : memref<80x128xf32, #tpu.memory_space<vmem>>[vector<16xi32>, vector<16xi32>], vector<16xf32>,
      %get3A_42 = arith.index_cast %scan3A_25 : i32 to index
      %get3A_43 = arith.constant 32 : index
      %get3A_44 = tpu.vector_load %arg7[%get3A_42, %get3A_43] {strides = array<i32>} : memref<80x128xi32, #tpu.memory_space<vmem>>, vector<16xi32>,
      %div3A_45 = arith.constant 128 : i32
      %div3A_46 = vector.broadcast %div3A_45 : i32 to vector<16xi32>
      %div3A_47 = arith.divsi %get3A_44, %div3A_46 : vector<16xi32>
      %rem3A_48 = arith.constant 128 : i32
      %rem3A_49 = vector.broadcast %rem3A_48 : i32 to vector<16xi32>
      %rem3A_50 = arith.remsi %get3A_44, %rem3A_49 : vector<16xi32>
      tpu.vector_store_idx %arg8[%div3A_47, %rem3A_50], %broadcast_in_dim3A_10 {add = true} : memref<80x128xf32, #tpu.memory_space<vmem>>[vector<16xi32>, vector<16xi32>], vector<16xf32>,
      %get3A_51 = arith.index_cast %scan3A_25 : i32 to index
      %get3A_52 = arith.constant 48 : index
      %get3A_53 = tpu.vector_load %arg7[%get3A_51, %get3A_52] {strides = array<i32>} : memref<80x128xi32, #tpu.memory_space<vmem>>, vector<16xi32>,
      %div3A_54 = arith.constant 128 : i32
      %div3A_55 = vector.broadcast %div3A_54 : i32 to vector<16xi32>
      %div3A_56 = arith.divsi %get3A_53, %div3A_55 : vector<16xi32>
      %rem3A_57 = arith.constant 128 : i32
      %rem3A_58 = vector.broadcast %rem3A_57 : i32 to vector<16xi32>
      %rem3A_59 = arith.remsi %get3A_53, %rem3A_58 : vector<16xi32>
      tpu.vector_store_idx %arg8[%div3A_56, %rem3A_59], %broadcast_in_dim3A_10 {add = true} : memref<80x128xf32, #tpu.memory_space<vmem>>[vector<16xi32>, vector<16xi32>], vector<16xf32>,
      %get3A_60 = arith.index_cast %scan3A_25 : i32 to index
      %get3A_61 = arith.constant 64 : index
      %get3A_62 = tpu.vector_load %arg7[%get3A_60, %get3A_61] {strides = array<i32>} : memref<80x128xi32, #tpu.memory_space<vmem>>, vector<16xi32>,
      %div3A_63 = arith.constant 128 : i32
      %div3A_64 = vector.broadcast %div3A_63 : i32 to vector<16xi32>
      %div3A_65 = arith.divsi %get3A_62, %div3A_64 : vector<16xi32>
      %rem3A_66 = arith.constant 128 : i32
      %rem3A_67 = vector.broadcast %rem3A_66 : i32 to vector<16xi32>
      %rem3A_68 = arith.remsi %get3A_62, %rem3A_67 : vector<16xi32>
      tpu.vector_store_idx %arg8[%div3A_65, %rem3A_68], %broadcast_in_dim3A_10 {add = true} : memref<80x128xf32, #tpu.memory_space<vmem>>[vector<16xi32>, vector<16xi32>], vector<16xf32>,
      %get3A_69 = arith.index_cast %scan3A_25 : i32 to index
      %get3A_70 = arith.constant 80 : index
      %get3A_71 = tpu.vector_load %arg7[%get3A_69, %get3A_70] {strides = array<i32>} : memref<80x128xi32, #tpu.memory_space<vmem>>, vector<16xi32>,
      %div3A_72 = arith.constant 128 : i32
      %div3A_73 = vector.broadcast %div3A_72 : i32 to vector<16xi32>
      %div3A_74 = arith.divsi %get3A_71, %div3A_73 : vector<16xi32>
      %rem3A_75 = arith.constant 128 : i32
      %rem3A_76 = vector.broadcast %rem3A_75 : i32 to vector<16xi32>
      %rem3A_77 = arith.remsi %get3A_71, %rem3A_76 : vector<16xi32>
      tpu.vector_store_idx %arg8[%div3A_74, %rem3A_77], %broadcast_in_dim3A_10 {add = true} : memref<80x128xf32, #tpu.memory_space<vmem>>[vector<16xi32>, vector<16xi32>], vector<16xf32>,
      %get3A_78 = arith.index_cast %scan3A_25 : i32 to index
      %get3A_79 = arith.constant 96 : index
      %get3A_80 = tpu.vector_load %arg7[%get3A_78, %get3A_79] {strides = array<i32>} : memref<80x128xi32, #tpu.memory_space<vmem>>, vector<16xi32>,
      %div3A_81 = arith.constant 128 : i32
      %div3A_82 = vector.broadcast %div3A_81 : i32 to vector<16xi32>
      %div3A_83 = arith.divsi %get3A_80, %div3A_82 : vector<16xi32>
      %rem3A_84 = arith.constant 128 : i32
      %rem3A_85 = vector.broadcast %rem3A_84 : i32 to vector<16xi32>
      %rem3A_86 = arith.remsi %get3A_80, %rem3A_85 : vector<16xi32>
      tpu.vector_store_idx %arg8[%div3A_83, %rem3A_86], %broadcast_in_dim3A_10 {add = true} : memref<80x128xf32, #tpu.memory_space<vmem>>[vector<16xi32>, vector<16xi32>], vector<16xf32>,
      %get3A_87 = arith.index_cast %scan3A_25 : i32 to index
      %get3A_88 = arith.constant 112 : index
      %get3A_89 = tpu.vector_load %arg7[%get3A_87, %get3A_88] {strides = array<i32>} : memref<80x128xi32, #tpu.memory_space<vmem>>, vector<16xi32>,
      %div3A_90 = arith.constant 128 : i32
      %div3A_91 = vector.broadcast %div3A_90 : i32 to vector<16xi32>
      %div3A_92 = arith.divsi %get3A_89, %div3A_91 : vector<16xi32>
      %rem3A_93 = arith.constant 128 : i32
      %rem3A_94 = vector.broadcast %rem3A_93 : i32 to vector<16xi32>
      %rem3A_95 = arith.remsi %get3A_89, %rem3A_94 : vector<16xi32>
      tpu.vector_store_idx %arg8[%div3A_92, %rem3A_95], %broadcast_in_dim3A_10 {add = true} : memref<80x128xf32, #tpu.memory_space<vmem>>[vector<16xi32>, vector<16xi32>], vector<16xf32>,
      %scan3A_96 = arith.constant 0 : i32
      scf.yield %scan3A_96 : i32
    }
    %scan3A_17 = arith.constant 80 : i32
    "tpu.region"() ({
      %run_scoped3A = tpu.sem_alloc : memref<!tpu.dma_semaphore, #tpu.memory_space<semaphore_mem>>
      %dma_start3A = arith.constant 0 : i32
      %dma_start3A_25 = arith.constant 0 : i32
      %dma_start3A_26 = tpu.memref_slice %arg6[%dma_start3A, %dma_start3A_25] : memref<80x128xf32, #tpu.memory_space<vmem_shared>> -> memref<80x128xf32, #tpu.memory_space<vmem_shared>>
      tpu.enqueue_indirect_dma source(%arg8 : memref<80x128xf32, #tpu.memory_space<vmem>>) target(%dma_start3A_26 : memref<80x128xf32, #tpu.memory_space<vmem_shared>>) offsets(%arg9 : memref<80xi32, #tpu.memory_space<vmem>>) semaphore(%run_scoped3A : memref<!tpu.dma_semaphore, #tpu.memory_space<semaphore_mem>>) {add = true}
      %dma_wait3A = arith.constant 0 : i32
      %dma_wait3A_27 = arith.constant 0 : i32
      %dma_wait3A_28 = tpu.memref_slice %arg6[%dma_wait3A, %dma_wait3A_27] : memref<80x128xf32, #tpu.memory_space<vmem_shared>> -> memref<80x128xf32, #tpu.memory_space<vmem_shared>>
      tpu.wait_indirect_dma semaphore(%run_scoped3A : memref<!tpu.dma_semaphore, #tpu.memory_space<semaphore_mem>>) src(%arg8 : memref<80x128xf32, #tpu.memory_space<vmem>>) dst(%dma_wait3A_28 : memref<80x128xf32, #tpu.memory_space<vmem_shared>>)
      tpu.yield
    }) : () -> ()
    %barrier3A_18 = arith.constant 0 : index
    tpu.barrier barrier_id(%barrier3A_18)
    %eq3A = arith.constant 0 : i32
    %eq3A_19 = arith.cmpi eq, %arg0, %eq3A : i32
    %lt3A_20 = arith.constant 10 : i32
    %lt3A_21 = arith.cmpi slt, %arg1, %lt3A_20 : i32
    %and3A = arith.andi %eq3A_19, %lt3A_21 : i1
    %convert_element_type3A_22 = arith.extui %and3A : i1 to i32
    %cond3A_23 = arith.constant 0 : i32
    %cond3A_24 = arith.cmpi ne, %convert_element_type3A_22, %cond3A_23 : i32
    scf.if %cond3A_24 {
      %mul3A = arith.constant 8 : i32
      %mul3A_25 = arith.muli %arg1, %mul3A : i32
      %mul3A_26 = arith.constant 8 : i32
      %mul3A_27 = arith.muli %arg1, %mul3A_26 : i32
      "tpu.region"() ({
        %run_scoped3A = tpu.sem_alloc : memref<!tpu.dma_semaphore, #tpu.memory_space<semaphore_mem>>
        %dma_start3A = arith.constant 0 : i32
        %dma_start3A_28 = tpu.memref_slice %arg5[%mul3A_27, %dma_start3A] : memref<80x128xf32, #tpu.memory_space<hbm>> -> memref<8x128xf32, #tpu.memory_space<hbm>>
        %dma_start3A_29 = arith.constant 0 : i32
        %dma_start3A_30 = tpu.memref_slice %arg6[%mul3A_25, %dma_start3A_29] : memref<80x128xf32, #tpu.memory_space<vmem_shared>> -> memref<8x128xf32, #tpu.memory_space<vmem_shared>>
        tpu.enqueue_dma source(%dma_start3A_30 : memref<8x128xf32, #tpu.memory_space<vmem_shared>>) target(%dma_start3A_28 : memref<8x128xf32, #tpu.memory_space<hbm>>) target_semaphore(%run_scoped3A : memref<!tpu.dma_semaphore, #tpu.memory_space<semaphore_mem>>)
        %dma_wait3A = arith.constant 0 : i32
        %dma_wait3A_31 = tpu.memref_slice %arg5[%mul3A_27, %dma_wait3A] : memref<80x128xf32, #tpu.memory_space<hbm>> -> memref<8x128xf32, #tpu.memory_space<hbm>>
        %dma_wait3A_32 = arith.constant 0 : i32
        %dma_wait3A_33 = tpu.memref_slice %arg6[%mul3A_25, %dma_wait3A_32] : memref<80x128xf32, #tpu.memory_space<vmem_shared>> -> memref<8x128xf32, #tpu.memory_space<vmem_shared>>
        tpu.wait_dma2 semaphore(%run_scoped3A : memref<!tpu.dma_semaphore, #tpu.memory_space<semaphore_mem>>) src(%dma_wait3A_33 : memref<8x128xf32, #tpu.memory_space<vmem_shared>>) dst(%dma_wait3A_31 : memref<8x128xf32, #tpu.memory_space<hbm>>)
        tpu.yield
      }) : () -> ()
    } else {
    }
    return
  }
}

#map = affine_map<(d0, d1) -> (0, 0)>
#map1 = affine_map<(d0, d1) -> (0, 0, 0, 0)>
#map2 = affine_map<(d0, d1) -> (0, 0, 0)>
module attributes {stable_mosaic.version = 14 : i64} {
  func.func @agg(%arg0: i32, %arg1: i32, %arg2: memref<20000x128xf32, #tpu.memory_space<hbm>>, %arg3: memref<2x16x80x128xi32, #tpu.memory_space<hbm>>, %arg4: memref<16x80x128xi32, #tpu.memory_space<hbm>>, %arg5: memref<640x128xf32, #tpu.memory_space<hbm>>, %arg6: memref<2x10240x128xf32, #tpu.memory_space<hbm>>, %arg7: memref<10240x128xf32, #tpu.memory_space<vmem_shared>>, %arg8: memref<40x128xi32, #tpu.memory_space<vmem>>, %arg9: memref<40x128xi32, #tpu.memory_space<vmem>>, %arg10: memref<2x128x128xf32, #tpu.memory_space<vmem>>, %arg11: memref<!tpu.dma_semaphore, #tpu.memory_space<semaphore_mem>>, %arg12: memref<!tpu.dma_semaphore, #tpu.memory_space<semaphore_mem>>) attributes {dimension_semantics = [#tpu.dimension_semantics<core_parallel>, #tpu.dimension_semantics<subcore_parallel>], iteration_bounds = array<i64: 2, 16>, scalar_prefetch = 0 : i64, scratch_operands = 6 : i64, tpu.core_type = #tpu.core_type<sc_vector_subcore>, window_params = [{transform_indices = #map}, {transform_indices = #map1}, {transform_indices = #map2}, {transform_indices = #map}, {transform_indices = #map2}]} {
    %mul3A = arith.constant 640 : i32
    %mul3A_0 = arith.muli %arg1, %mul3A : i32
    %mul3A_1 = arith.constant 1 : i32
    %mul3A_2 = arith.muli %arg0, %mul3A_1 : i32
    %add3A = arith.constant 0 : i32
    %add3A_3 = arith.addi %mul3A_2, %add3A : i32
    "tpu.region"() ({
      %run_scoped3A = tpu.sem_alloc : memref<!tpu.dma_semaphore, #tpu.memory_space<semaphore_mem>>
      %dma_start3A = arith.constant 0 : i32
      %dma_start3A_11 = tpu.memref_slice %arg7[%mul3A_0, %dma_start3A] : memref<10240x128xf32, #tpu.memory_space<vmem_shared>> -> memref<640x128xf32, #tpu.memory_space<vmem_shared>>
      %dma_start3A_12 = arith.constant 0 : i32
      %dma_start3A_13 = arith.constant 0 : i32
      %dma_start3A_14 = tpu.memref_slice %arg5[%dma_start3A_12, %dma_start3A_13] : memref<640x128xf32, #tpu.memory_space<hbm>> -> memref<640x128xf32, #tpu.memory_space<hbm>>
      tpu.enqueue_dma source(%dma_start3A_14 : memref<640x128xf32, #tpu.memory_space<hbm>>) target(%dma_start3A_11 : memref<640x128xf32, #tpu.memory_space<vmem_shared>>) target_semaphore(%run_scoped3A : memref<!tpu.dma_semaphore, #tpu.memory_space<semaphore_mem>>)
      %dma_wait3A = arith.constant 0 : i32
      %dma_wait3A_15 = tpu.memref_slice %arg7[%mul3A_0, %dma_wait3A] : memref<10240x128xf32, #tpu.memory_space<vmem_shared>> -> memref<640x128xf32, #tpu.memory_space<vmem_shared>>
      %dma_wait3A_16 = arith.constant 0 : i32
      %dma_wait3A_17 = arith.constant 0 : i32
      %dma_wait3A_18 = tpu.memref_slice %arg5[%dma_wait3A_16, %dma_wait3A_17] : memref<640x128xf32, #tpu.memory_space<hbm>> -> memref<640x128xf32, #tpu.memory_space<hbm>>
      tpu.wait_dma2 semaphore(%run_scoped3A : memref<!tpu.dma_semaphore, #tpu.memory_space<semaphore_mem>>) src(%dma_wait3A_18 : memref<640x128xf32, #tpu.memory_space<hbm>>) dst(%dma_wait3A_15 : memref<640x128xf32, #tpu.memory_space<vmem_shared>>)
      tpu.yield
    }) : () -> ()
    %barrier3A = arith.constant 0 : index
    tpu.barrier barrier_id(%barrier3A)
    %scan3A = arith.constant 0 : i32
    %scan3A_4 = arith.constant 0 : i32
    %scan3A_5 = arith.constant 2 : i32
    %scan3A_6 = arith.addi %scan3A_4, %scan3A_5 : i32
    %scan3A_7 = arith.constant 1 : i32
    %scan3A_8 = scf.for %scan3A_11 = %scan3A_4 to %scan3A_6 step %scan3A_7 iter_args(%scan3A_12 = %scan3A) -> (i32)  : i32 {
      %mul3A_13 = arith.constant 40 : i32
      %mul3A_14 = arith.muli %scan3A_11, %mul3A_13 : i32
      "tpu.region"() ({
        %run_scoped3A = tpu.sem_alloc : memref<!tpu.dma_semaphore, #tpu.memory_space<semaphore_mem>>
        %dma_start3A_36 = arith.constant 0 : i32
        %dma_start3A_37 = tpu.memref_slice %arg3[%add3A_3, %arg1, %mul3A_14, %dma_start3A_36] : memref<2x16x80x128xi32, #tpu.memory_space<hbm>> -> memref<1x1x40x128xi32, #tpu.memory_space<hbm>>
        %dma_start3A_38 = tpu.memref_squeeze %dma_start3A_37 : memref<1x1x40x128xi32, #tpu.memory_space<hbm>> -> memref<40x128xi32, #tpu.memory_space<hbm>>
        %dma_start3A_39 = arith.constant 0 : i32
        %dma_start3A_40 = tpu.memref_slice %arg3[%add3A_3, %arg1, %mul3A_14, %dma_start3A_39] : memref<2x16x80x128xi32, #tpu.memory_space<hbm>> -> memref<1x1x40x128xi32, #tpu.memory_space<hbm>>
        %dma_start3A_41 = tpu.memref_squeeze %dma_start3A_40 : memref<1x1x40x128xi32, #tpu.memory_space<hbm>> -> memref<40x128xi32, #tpu.memory_space<hbm>>
        tpu.enqueue_dma source(%dma_start3A_41 : memref<40x128xi32, #tpu.memory_space<hbm>>) target(%arg8 : memref<40x128xi32, #tpu.memory_space<vmem>>) target_semaphore(%run_scoped3A : memref<!tpu.dma_semaphore, #tpu.memory_space<semaphore_mem>>)
        %dma_wait3A = arith.constant 0 : i32
        %dma_wait3A_42 = tpu.memref_slice %arg3[%add3A_3, %arg1, %mul3A_14, %dma_wait3A] : memref<2x16x80x128xi32, #tpu.memory_space<hbm>> -> memref<1x1x40x128xi32, #tpu.memory_space<hbm>>
        %dma_wait3A_43 = tpu.memref_squeeze %dma_wait3A_42 : memref<1x1x40x128xi32, #tpu.memory_space<hbm>> -> memref<40x128xi32, #tpu.memory_space<hbm>>
        %dma_wait3A_44 = arith.constant 0 : i32
        %dma_wait3A_45 = tpu.memref_slice %arg3[%add3A_3, %arg1, %mul3A_14, %dma_wait3A_44] : memref<2x16x80x128xi32, #tpu.memory_space<hbm>> -> memref<1x1x40x128xi32, #tpu.memory_space<hbm>>
        %dma_wait3A_46 = tpu.memref_squeeze %dma_wait3A_45 : memref<1x1x40x128xi32, #tpu.memory_space<hbm>> -> memref<40x128xi32, #tpu.memory_space<hbm>>
        tpu.wait_dma2 semaphore(%run_scoped3A : memref<!tpu.dma_semaphore, #tpu.memory_space<semaphore_mem>>) src(%dma_wait3A_46 : memref<40x128xi32, #tpu.memory_space<hbm>>) dst(%arg8 : memref<40x128xi32, #tpu.memory_space<vmem>>)
        tpu.yield
      }) : () -> ()
      %mul3A_15 = arith.constant 40 : i32
      %mul3A_16 = arith.muli %scan3A_11, %mul3A_15 : i32
      "tpu.region"() ({
        %run_scoped3A = tpu.sem_alloc : memref<!tpu.dma_semaphore, #tpu.memory_space<semaphore_mem>>
        %dma_start3A_36 = arith.constant 0 : i32
        %dma_start3A_37 = tpu.memref_slice %arg4[%arg1, %mul3A_16, %dma_start3A_36] : memref<16x80x128xi32, #tpu.memory_space<hbm>> -> memref<1x40x128xi32, #tpu.memory_space<hbm>>
        %dma_start3A_38 = tpu.memref_squeeze %dma_start3A_37 : memref<1x40x128xi32, #tpu.memory_space<hbm>> -> memref<40x128xi32, #tpu.memory_space<hbm>>
        %dma_start3A_39 = arith.constant 0 : i32
        %dma_start3A_40 = tpu.memref_slice %arg4[%arg1, %mul3A_16, %dma_start3A_39] : memref<16x80x128xi32, #tpu.memory_space<hbm>> -> memref<1x40x128xi32, #tpu.memory_space<hbm>>
        %dma_start3A_41 = tpu.memref_squeeze %dma_start3A_40 : memref<1x40x128xi32, #tpu.memory_space<hbm>> -> memref<40x128xi32, #tpu.memory_space<hbm>>
        tpu.enqueue_dma source(%dma_start3A_41 : memref<40x128xi32, #tpu.memory_space<hbm>>) target(%arg9 : memref<40x128xi32, #tpu.memory_space<vmem>>) target_semaphore(%run_scoped3A : memref<!tpu.dma_semaphore, #tpu.memory_space<semaphore_mem>>)
        %dma_wait3A = arith.constant 0 : i32
        %dma_wait3A_42 = tpu.memref_slice %arg4[%arg1, %mul3A_16, %dma_wait3A] : memref<16x80x128xi32, #tpu.memory_space<hbm>> -> memref<1x40x128xi32, #tpu.memory_space<hbm>>
        %dma_wait3A_43 = tpu.memref_squeeze %dma_wait3A_42 : memref<1x40x128xi32, #tpu.memory_space<hbm>> -> memref<40x128xi32, #tpu.memory_space<hbm>>
        %dma_wait3A_44 = arith.constant 0 : i32
        %dma_wait3A_45 = tpu.memref_slice %arg4[%arg1, %mul3A_16, %dma_wait3A_44] : memref<16x80x128xi32, #tpu.memory_space<hbm>> -> memref<1x40x128xi32, #tpu.memory_space<hbm>>
        %dma_wait3A_46 = tpu.memref_squeeze %dma_wait3A_45 : memref<1x40x128xi32, #tpu.memory_space<hbm>> -> memref<40x128xi32, #tpu.memory_space<hbm>>
        tpu.wait_dma2 semaphore(%run_scoped3A : memref<!tpu.dma_semaphore, #tpu.memory_space<semaphore_mem>>) src(%dma_wait3A_46 : memref<40x128xi32, #tpu.memory_space<hbm>>) dst(%arg9 : memref<40x128xi32, #tpu.memory_space<vmem>>)
        tpu.yield
      }) : () -> ()
      %dma_start3A = arith.constant 0 : i32
      %dma_start3A_17 = arith.constant 0 : i32
      %dma_start3A_18 = arith.constant 0 : i32
      %dma_start3A_19 = arith.constant 0 : i32
      %dma_start3A_20 = tpu.memref_slice %arg10[%dma_start3A_17, %dma_start3A_18, %dma_start3A_19] : memref<2x128x128xf32, #tpu.memory_space<vmem>> -> memref<1x128x128xf32, #tpu.memory_space<vmem>>
      %dma_start3A_21 = tpu.memref_squeeze %dma_start3A_20 : memref<1x128x128xf32, #tpu.memory_space<vmem>> -> memref<128x128xf32, #tpu.memory_space<vmem>>
      %dma_start3A_22 = arith.constant 0 : i32
      %dma_start3A_23 = tpu.memref_slice %arg8[%dma_start3A, %dma_start3A_22] : memref<40x128xi32, #tpu.memory_space<vmem>> -> memref<1x128xi32, #tpu.memory_space<vmem>>
      %dma_start3A_24 = tpu.memref_squeeze %dma_start3A_23 : memref<1x128xi32, #tpu.memory_space<vmem>> -> memref<128xi32, #tpu.memory_space<vmem>>
      %dma_start3A_25 = arith.constant 0 : i32
      %dma_start3A_26 = arith.constant 0 : i32
      %dma_start3A_27 = tpu.memref_slice %arg2[%dma_start3A_25, %dma_start3A_26] : memref<20000x128xf32, #tpu.memory_space<hbm>> -> memref<20000x128xf32, #tpu.memory_space<hbm>>
      tpu.enqueue_indirect_dma source(%dma_start3A_27 : memref<20000x128xf32, #tpu.memory_space<hbm>>) target(%dma_start3A_21 : memref<128x128xf32, #tpu.memory_space<vmem>>) offsets(%dma_start3A_24 : memref<128xi32, #tpu.memory_space<vmem>>) semaphore(%arg11 : memref<!tpu.dma_semaphore, #tpu.memory_space<semaphore_mem>>)
      %scan3A_28 = arith.constant 0 : i32
      %scan3A_29 = arith.constant 0 : i32
      %scan3A_30 = arith.constant 20 : i32
      %scan3A_31 = arith.addi %scan3A_29, %scan3A_30 : i32
      %scan3A_32 = arith.constant 1 : i32
      %scan3A_33 = scf.for %scan3A_36 = %scan3A_29 to %scan3A_31 step %scan3A_32 iter_args(%scan3A_37 = %scan3A_28) -> (i32)  : i32 {
        %mul3A_38 = arith.constant 2 : i32
        %mul3A_39 = arith.muli %mul3A_38, %scan3A_36 : i32
        %mul3A_40 = arith.constant 2 : i32
        %mul3A_41 = arith.muli %mul3A_40, %scan3A_36 : i32
        %add3A_42 = arith.constant 1 : i32
        %add3A_43 = arith.addi %mul3A_41, %add3A_42 : i32
        %dma_start3A_44 = arith.constant 1 : i32
        %dma_start3A_45 = arith.constant 0 : i32
        %dma_start3A_46 = arith.constant 0 : i32
        %dma_start3A_47 = tpu.memref_slice %arg10[%dma_start3A_44, %dma_start3A_45, %dma_start3A_46] : memref<2x128x128xf32, #tpu.memory_space<vmem>> -> memref<1x128x128xf32, #tpu.memory_space<vmem>>
        %dma_start3A_48 = tpu.memref_squeeze %dma_start3A_47 : memref<1x128x128xf32, #tpu.memory_space<vmem>> -> memref<128x128xf32, #tpu.memory_space<vmem>>
        %dma_start3A_49 = arith.constant 0 : i32
        %dma_start3A_50 = tpu.memref_slice %arg8[%add3A_43, %dma_start3A_49] : memref<40x128xi32, #tpu.memory_space<vmem>> -> memref<1x128xi32, #tpu.memory_space<vmem>>
        %dma_start3A_51 = tpu.memref_squeeze %dma_start3A_50 : memref<1x128xi32, #tpu.memory_space<vmem>> -> memref<128xi32, #tpu.memory_space<vmem>>
        %dma_start3A_52 = arith.constant 0 : i32
        %dma_start3A_53 = arith.constant 0 : i32
        %dma_start3A_54 = tpu.memref_slice %arg2[%dma_start3A_52, %dma_start3A_53] : memref<20000x128xf32, #tpu.memory_space<hbm>> -> memref<20000x128xf32, #tpu.memory_space<hbm>>
        tpu.enqueue_indirect_dma source(%dma_start3A_54 : memref<20000x128xf32, #tpu.memory_space<hbm>>) target(%dma_start3A_48 : memref<128x128xf32, #tpu.memory_space<vmem>>) offsets(%dma_start3A_51 : memref<128xi32, #tpu.memory_space<vmem>>) semaphore(%arg12 : memref<!tpu.dma_semaphore, #tpu.memory_space<semaphore_mem>>)
        %dma_wait3A = arith.constant 0 : i32
        %dma_wait3A_55 = arith.constant 0 : i32
        %dma_wait3A_56 = arith.constant 0 : i32
        %dma_wait3A_57 = tpu.memref_slice %arg10[%dma_wait3A, %dma_wait3A_55, %dma_wait3A_56] : memref<2x128x128xf32, #tpu.memory_space<vmem>> -> memref<1x128x128xf32, #tpu.memory_space<vmem>>
        %dma_wait3A_58 = tpu.memref_squeeze %dma_wait3A_57 : memref<1x128x128xf32, #tpu.memory_space<vmem>> -> memref<128x128xf32, #tpu.memory_space<vmem>>
        %dma_wait3A_59 = arith.constant 0 : i32
        %dma_wait3A_60 = tpu.memref_slice %arg8[%mul3A_39, %dma_wait3A_59] : memref<40x128xi32, #tpu.memory_space<vmem>> -> memref<1x128xi32, #tpu.memory_space<vmem>>
        %dma_wait3A_61 = tpu.memref_squeeze %dma_wait3A_60 : memref<1x128xi32, #tpu.memory_space<vmem>> -> memref<128xi32, #tpu.memory_space<vmem>>
        %dma_wait3A_62 = arith.constant 0 : i32
        %dma_wait3A_63 = arith.constant 0 : i32
        %dma_wait3A_64 = tpu.memref_slice %arg2[%dma_wait3A_62, %dma_wait3A_63] : memref<20000x128xf32, #tpu.memory_space<hbm>> -> memref<20000x128xf32, #tpu.memory_space<hbm>>
        tpu.wait_indirect_dma semaphore(%arg11 : memref<!tpu.dma_semaphore, #tpu.memory_space<semaphore_mem>>) src(%dma_wait3A_64 : memref<20000x128xf32, #tpu.memory_space<hbm>>) dst(%dma_wait3A_58 : memref<128x128xf32, #tpu.memory_space<vmem>>)
        %run_scoped3A = arith.constant 0 : i32
        "tpu.region"() ({
          %run_scoped3A_80 = tpu.sem_alloc : memref<!tpu.dma_semaphore, #tpu.memory_space<semaphore_mem>>
          %dma_start3A_81 = arith.constant 0 : i32
          %dma_start3A_82 = arith.constant 0 : i32
          %dma_start3A_83 = tpu.memref_slice %arg10[%run_scoped3A, %dma_start3A_81, %dma_start3A_82] : memref<2x128x128xf32, #tpu.memory_space<vmem>> -> memref<1x128x128xf32, #tpu.memory_space<vmem>>
          %dma_start3A_84 = tpu.memref_squeeze %dma_start3A_83 : memref<1x128x128xf32, #tpu.memory_space<vmem>> -> memref<128x128xf32, #tpu.memory_space<vmem>>
          %dma_start3A_85 = arith.constant 0 : i32
          %dma_start3A_86 = tpu.memref_slice %arg9[%mul3A_39, %dma_start3A_85] : memref<40x128xi32, #tpu.memory_space<vmem>> -> memref<1x128xi32, #tpu.memory_space<vmem>>
          %dma_start3A_87 = tpu.memref_squeeze %dma_start3A_86 : memref<1x128xi32, #tpu.memory_space<vmem>> -> memref<128xi32, #tpu.memory_space<vmem>>
          %dma_start3A_88 = arith.constant 0 : i32
          %dma_start3A_89 = arith.constant 0 : i32
          %dma_start3A_90 = tpu.memref_slice %arg7[%dma_start3A_88, %dma_start3A_89] : memref<10240x128xf32, #tpu.memory_space<vmem_shared>> -> memref<10240x128xf32, #tpu.memory_space<vmem_shared>>
          tpu.enqueue_indirect_dma source(%dma_start3A_84 : memref<128x128xf32, #tpu.memory_space<vmem>>) target(%dma_start3A_90 : memref<10240x128xf32, #tpu.memory_space<vmem_shared>>) offsets(%dma_start3A_87 : memref<128xi32, #tpu.memory_space<vmem>>) semaphore(%run_scoped3A_80 : memref<!tpu.dma_semaphore, #tpu.memory_space<semaphore_mem>>) {add = true}
          %dma_wait3A_91 = arith.constant 0 : i32
          %dma_wait3A_92 = arith.constant 0 : i32
          %dma_wait3A_93 = tpu.memref_slice %arg10[%run_scoped3A, %dma_wait3A_91, %dma_wait3A_92] : memref<2x128x128xf32, #tpu.memory_space<vmem>> -> memref<1x128x128xf32, #tpu.memory_space<vmem>>
          %dma_wait3A_94 = tpu.memref_squeeze %dma_wait3A_93 : memref<1x128x128xf32, #tpu.memory_space<vmem>> -> memref<128x128xf32, #tpu.memory_space<vmem>>
          %dma_wait3A_95 = arith.constant 0 : i32
          %dma_wait3A_96 = tpu.memref_slice %arg9[%mul3A_39, %dma_wait3A_95] : memref<40x128xi32, #tpu.memory_space<vmem>> -> memref<1x128xi32, #tpu.memory_space<vmem>>
          %dma_wait3A_97 = tpu.memref_squeeze %dma_wait3A_96 : memref<1x128xi32, #tpu.memory_space<vmem>> -> memref<128xi32, #tpu.memory_space<vmem>>
          %dma_wait3A_98 = arith.constant 0 : i32
          %dma_wait3A_99 = arith.constant 0 : i32
          %dma_wait3A_100 = tpu.memref_slice %arg7[%dma_wait3A_98, %dma_wait3A_99] : memref<10240x128xf32, #tpu.memory_space<vmem_shared>> -> memref<10240x128xf32, #tpu.memory_space<vmem_shared>>
          tpu.wait_indirect_dma semaphore(%run_scoped3A_80 : memref<!tpu.dma_semaphore, #tpu.memory_space<semaphore_mem>>) src(%dma_wait3A_94 : memref<128x128xf32, #tpu.memory_space<vmem>>) dst(%dma_wait3A_100 : memref<10240x128xf32, #tpu.memory_space<vmem_shared>>)
          tpu.yield
        }) : () -> ()
        %lt3A = arith.constant 19 : i32
        %lt3A_65 = arith.cmpi slt, %scan3A_36, %lt3A : i32
        %convert_element_type3A = arith.extui %lt3A_65 : i1 to i32
        %cond3A = arith.constant 0 : i32
        %cond3A_66 = arith.cmpi ne, %convert_element_type3A, %cond3A : i32
        scf.if %cond3A_66 {
          %add3A_80 = arith.constant 1 : i32
          %add3A_81 = arith.addi %add3A_43, %add3A_80 : i32
          %dma_start3A_82 = arith.constant 0 : i32
          %dma_start3A_83 = arith.constant 0 : i32
          %dma_start3A_84 = arith.constant 0 : i32
          %dma_start3A_85 = tpu.memref_slice %arg10[%dma_start3A_82, %dma_start3A_83, %dma_start3A_84] : memref<2x128x128xf32, #tpu.memory_space<vmem>> -> memref<1x128x128xf32, #tpu.memory_space<vmem>>
          %dma_start3A_86 = tpu.memref_squeeze %dma_start3A_85 : memref<1x128x128xf32, #tpu.memory_space<vmem>> -> memref<128x128xf32, #tpu.memory_space<vmem>>
          %dma_start3A_87 = arith.constant 0 : i32
          %dma_start3A_88 = tpu.memref_slice %arg8[%add3A_81, %dma_start3A_87] : memref<40x128xi32, #tpu.memory_space<vmem>> -> memref<1x128xi32, #tpu.memory_space<vmem>>
          %dma_start3A_89 = tpu.memref_squeeze %dma_start3A_88 : memref<1x128xi32, #tpu.memory_space<vmem>> -> memref<128xi32, #tpu.memory_space<vmem>>
          %dma_start3A_90 = arith.constant 0 : i32
          %dma_start3A_91 = arith.constant 0 : i32
          %dma_start3A_92 = tpu.memref_slice %arg2[%dma_start3A_90, %dma_start3A_91] : memref<20000x128xf32, #tpu.memory_space<hbm>> -> memref<20000x128xf32, #tpu.memory_space<hbm>>
          tpu.enqueue_indirect_dma source(%dma_start3A_92 : memref<20000x128xf32, #tpu.memory_space<hbm>>) target(%dma_start3A_86 : memref<128x128xf32, #tpu.memory_space<vmem>>) offsets(%dma_start3A_89 : memref<128xi32, #tpu.memory_space<vmem>>) semaphore(%arg11 : memref<!tpu.dma_semaphore, #tpu.memory_space<semaphore_mem>>)
        } else {
        }
        %dma_wait3A_67 = arith.constant 1 : i32
        %dma_wait3A_68 = arith.constant 0 : i32
        %dma_wait3A_69 = arith.constant 0 : i32
        %dma_wait3A_70 = tpu.memref_slice %arg10[%dma_wait3A_67, %dma_wait3A_68, %dma_wait3A_69] : memref<2x128x128xf32, #tpu.memory_space<vmem>> -> memref<1x128x128xf32, #tpu.memory_space<vmem>>
        %dma_wait3A_71 = tpu.memref_squeeze %dma_wait3A_70 : memref<1x128x128xf32, #tpu.memory_space<vmem>> -> memref<128x128xf32, #tpu.memory_space<vmem>>
        %dma_wait3A_72 = arith.constant 0 : i32
        %dma_wait3A_73 = tpu.memref_slice %arg8[%add3A_43, %dma_wait3A_72] : memref<40x128xi32, #tpu.memory_space<vmem>> -> memref<1x128xi32, #tpu.memory_space<vmem>>
        %dma_wait3A_74 = tpu.memref_squeeze %dma_wait3A_73 : memref<1x128xi32, #tpu.memory_space<vmem>> -> memref<128xi32, #tpu.memory_space<vmem>>
        %dma_wait3A_75 = arith.constant 0 : i32
        %dma_wait3A_76 = arith.constant 0 : i32
        %dma_wait3A_77 = tpu.memref_slice %arg2[%dma_wait3A_75, %dma_wait3A_76] : memref<20000x128xf32, #tpu.memory_space<hbm>> -> memref<20000x128xf32, #tpu.memory_space<hbm>>
        tpu.wait_indirect_dma semaphore(%arg12 : memref<!tpu.dma_semaphore, #tpu.memory_space<semaphore_mem>>) src(%dma_wait3A_77 : memref<20000x128xf32, #tpu.memory_space<hbm>>) dst(%dma_wait3A_71 : memref<128x128xf32, #tpu.memory_space<vmem>>)
        %run_scoped3A_78 = arith.constant 1 : i32
        "tpu.region"() ({
          %run_scoped3A_80 = tpu.sem_alloc : memref<!tpu.dma_semaphore, #tpu.memory_space<semaphore_mem>>
          %dma_start3A_81 = arith.constant 0 : i32
          %dma_start3A_82 = arith.constant 0 : i32
          %dma_start3A_83 = tpu.memref_slice %arg10[%run_scoped3A_78, %dma_start3A_81, %dma_start3A_82] : memref<2x128x128xf32, #tpu.memory_space<vmem>> -> memref<1x128x128xf32, #tpu.memory_space<vmem>>
          %dma_start3A_84 = tpu.memref_squeeze %dma_start3A_83 : memref<1x128x128xf32, #tpu.memory_space<vmem>> -> memref<128x128xf32, #tpu.memory_space<vmem>>
          %dma_start3A_85 = arith.constant 0 : i32
          %dma_start3A_86 = tpu.memref_slice %arg9[%add3A_43, %dma_start3A_85] : memref<40x128xi32, #tpu.memory_space<vmem>> -> memref<1x128xi32, #tpu.memory_space<vmem>>
          %dma_start3A_87 = tpu.memref_squeeze %dma_start3A_86 : memref<1x128xi32, #tpu.memory_space<vmem>> -> memref<128xi32, #tpu.memory_space<vmem>>
          %dma_start3A_88 = arith.constant 0 : i32
          %dma_start3A_89 = arith.constant 0 : i32
          %dma_start3A_90 = tpu.memref_slice %arg7[%dma_start3A_88, %dma_start3A_89] : memref<10240x128xf32, #tpu.memory_space<vmem_shared>> -> memref<10240x128xf32, #tpu.memory_space<vmem_shared>>
          tpu.enqueue_indirect_dma source(%dma_start3A_84 : memref<128x128xf32, #tpu.memory_space<vmem>>) target(%dma_start3A_90 : memref<10240x128xf32, #tpu.memory_space<vmem_shared>>) offsets(%dma_start3A_87 : memref<128xi32, #tpu.memory_space<vmem>>) semaphore(%run_scoped3A_80 : memref<!tpu.dma_semaphore, #tpu.memory_space<semaphore_mem>>) {add = true}
          %dma_wait3A_91 = arith.constant 0 : i32
          %dma_wait3A_92 = arith.constant 0 : i32
          %dma_wait3A_93 = tpu.memref_slice %arg10[%run_scoped3A_78, %dma_wait3A_91, %dma_wait3A_92] : memref<2x128x128xf32, #tpu.memory_space<vmem>> -> memref<1x128x128xf32, #tpu.memory_space<vmem>>
          %dma_wait3A_94 = tpu.memref_squeeze %dma_wait3A_93 : memref<1x128x128xf32, #tpu.memory_space<vmem>> -> memref<128x128xf32, #tpu.memory_space<vmem>>
          %dma_wait3A_95 = arith.constant 0 : i32
          %dma_wait3A_96 = tpu.memref_slice %arg9[%add3A_43, %dma_wait3A_95] : memref<40x128xi32, #tpu.memory_space<vmem>> -> memref<1x128xi32, #tpu.memory_space<vmem>>
          %dma_wait3A_97 = tpu.memref_squeeze %dma_wait3A_96 : memref<1x128xi32, #tpu.memory_space<vmem>> -> memref<128xi32, #tpu.memory_space<vmem>>
          %dma_wait3A_98 = arith.constant 0 : i32
          %dma_wait3A_99 = arith.constant 0 : i32
          %dma_wait3A_100 = tpu.memref_slice %arg7[%dma_wait3A_98, %dma_wait3A_99] : memref<10240x128xf32, #tpu.memory_space<vmem_shared>> -> memref<10240x128xf32, #tpu.memory_space<vmem_shared>>
          tpu.wait_indirect_dma semaphore(%run_scoped3A_80 : memref<!tpu.dma_semaphore, #tpu.memory_space<semaphore_mem>>) src(%dma_wait3A_94 : memref<128x128xf32, #tpu.memory_space<vmem>>) dst(%dma_wait3A_100 : memref<10240x128xf32, #tpu.memory_space<vmem_shared>>)
          tpu.yield
        }) : () -> ()
        %scan3A_79 = arith.constant 0 : i32
        scf.yield %scan3A_79 : i32
      }
      %scan3A_34 = arith.constant 20 : i32
      %scan3A_35 = arith.constant 0 : i32
      scf.yield %scan3A_35 : i32
    }
    %scan3A_9 = arith.constant 2 : i32
    %barrier3A_10 = arith.constant 0 : index
    tpu.barrier barrier_id(%barrier3A_10)
    "tpu.region"() ({
      %run_scoped3A = tpu.sem_alloc : memref<!tpu.dma_semaphore, #tpu.memory_space<semaphore_mem>>
      %dma_start3A = arith.constant 0 : i32
      %dma_start3A_11 = arith.constant 0 : i32
      %dma_start3A_12 = tpu.memref_slice %arg6[%add3A_3, %dma_start3A, %dma_start3A_11] : memref<2x10240x128xf32, #tpu.memory_space<hbm>> -> memref<1x10240x128xf32, #tpu.memory_space<hbm>>
      %dma_start3A_13 = tpu.memref_squeeze %dma_start3A_12 : memref<1x10240x128xf32, #tpu.memory_space<hbm>> -> memref<10240x128xf32, #tpu.memory_space<hbm>>
      %dma_start3A_14 = arith.constant 0 : i32
      %dma_start3A_15 = tpu.memref_slice %dma_start3A_13[%mul3A_0, %dma_start3A_14] : memref<10240x128xf32, #tpu.memory_space<hbm>> -> memref<640x128xf32, #tpu.memory_space<hbm>>
      %dma_start3A_16 = arith.constant 0 : i32
      %dma_start3A_17 = tpu.memref_slice %arg7[%mul3A_0, %dma_start3A_16] : memref<10240x128xf32, #tpu.memory_space<vmem_shared>> -> memref<640x128xf32, #tpu.memory_space<vmem_shared>>
      tpu.enqueue_dma source(%dma_start3A_17 : memref<640x128xf32, #tpu.memory_space<vmem_shared>>) target(%dma_start3A_15 : memref<640x128xf32, #tpu.memory_space<hbm>>) target_semaphore(%run_scoped3A : memref<!tpu.dma_semaphore, #tpu.memory_space<semaphore_mem>>)
      %dma_wait3A = arith.constant 0 : i32
      %dma_wait3A_18 = arith.constant 0 : i32
      %dma_wait3A_19 = tpu.memref_slice %arg6[%add3A_3, %dma_wait3A, %dma_wait3A_18] : memref<2x10240x128xf32, #tpu.memory_space<hbm>> -> memref<1x10240x128xf32, #tpu.memory_space<hbm>>
      %dma_wait3A_20 = tpu.memref_squeeze %dma_wait3A_19 : memref<1x10240x128xf32, #tpu.memory_space<hbm>> -> memref<10240x128xf32, #tpu.memory_space<hbm>>
      %dma_wait3A_21 = arith.constant 0 : i32
      %dma_wait3A_22 = tpu.memref_slice %dma_wait3A_20[%mul3A_0, %dma_wait3A_21] : memref<10240x128xf32, #tpu.memory_space<hbm>> -> memref<640x128xf32, #tpu.memory_space<hbm>>
      %dma_wait3A_23 = arith.constant 0 : i32
      %dma_wait3A_24 = tpu.memref_slice %arg7[%mul3A_0, %dma_wait3A_23] : memref<10240x128xf32, #tpu.memory_space<vmem_shared>> -> memref<640x128xf32, #tpu.memory_space<vmem_shared>>
      tpu.wait_dma2 semaphore(%run_scoped3A : memref<!tpu.dma_semaphore, #tpu.memory_space<semaphore_mem>>) src(%dma_wait3A_24 : memref<640x128xf32, #tpu.memory_space<vmem_shared>>) dst(%dma_wait3A_22 : memref<640x128xf32, #tpu.memory_space<hbm>>)
      tpu.yield
    }) : () -> ()
    return
  }
}

module attributes {stable_mosaic.version = 14 : i64} {
  func.func @_tc_a_body(%arg0: i32, %arg1: memref<2000x256xf32, #tpu.memory_space<vmem>>, %arg2: memref<256x512xf32, #tpu.memory_space<vmem>>, %arg3: memref<1x512xf32, #tpu.memory_space<vmem>>, %arg4: memref<512x512xf32, #tpu.memory_space<vmem>>, %arg5: memref<2000x128xf32, #tpu.memory_space<vmem>>, %arg6: memref<4x2000x128xf32, #tpu.memory_space<vmem>>) attributes {dimension_semantics = [#tpu.dimension_semantics<arbitrary>], iteration_bounds = array<i64: 5>, scalar_prefetch = 0 : i64, scratch_operands = 0 : i64, tpu.core_type = #tpu.core_type<tc>, window_params = [{transform_indices = @transform_0, window_bounds = array<i64: 2000, 256>}, {pipeline_mode = #tpu.pipeline_mode<synchronous>, transform_indices = @transform_1, window_bounds = array<i64: 256, 512>}, {pipeline_mode = #tpu.pipeline_mode<synchronous>, transform_indices = @transform_2, window_bounds = array<i64: 1, 512>}, {pipeline_mode = #tpu.pipeline_mode<synchronous>, transform_indices = @transform_3, window_bounds = array<i64: 512, 512>}, {transform_indices = @transform_4, window_bounds = array<i64: 2000, 128>}, {transform_indices = @transform_5, window_bounds = array<i64: 4, 2000, 128>}]} {
    %get3A = arith.constant 0 : index
    %get3A_0 = arith.constant 0 : index
    %get3A_1 = vector.load %arg1[%get3A, %get3A_0] : memref<2000x256xf32, #tpu.memory_space<vmem>>, vector<2000x256xf32>
    %get3A_2 = arith.constant 0 : index
    %get3A_3 = arith.constant 0 : index
    %get3A_4 = vector.load %arg2[%get3A_2, %get3A_3] : memref<256x512xf32, #tpu.memory_space<vmem>>, vector<256x512xf32>
    %dot_general3A = arith.constant dense<0.000000e+00> : vector<2000x512xf32>
    %dot_general3A_5 = tpu.matmul %get3A_1, %get3A_4, %dot_general3A {dimension_numbers = #tpu.dot_dimension_numbers<[1], [0], [0], [1], [0, 0, 1, 1], [], []>, transpose_lhs_hint = false} : vector<2000x256xf32>, vector<256x512xf32>, vector<2000x512xf32> -> vector<2000x512xf32>
    %get3A_6 = arith.constant 0 : index
    %get3A_7 = arith.constant 0 : index
    %get3A_8 = vector.load %arg3[%get3A_6, %get3A_7] : memref<1x512xf32, #tpu.memory_space<vmem>>, vector<1x512xf32>
    %add3A = vector.broadcast %get3A_8 : vector<1x512xf32> to vector<2000x512xf32>
    %add3A_9 = arith.addf %dot_general3A_5, %add3A : vector<2000x512xf32>
    %get3A_10 = arith.constant 0 : index
    %get3A_11 = arith.constant 0 : index
    %get3A_12 = vector.load %arg4[%get3A_10, %get3A_11] : memref<512x512xf32, #tpu.memory_space<vmem>>, vector<512x512xf32>
    %dot_general3A_13 = arith.constant dense<0.000000e+00> : vector<2000x512xf32>
    %dot_general3A_14 = tpu.matmul %add3A_9, %get3A_12, %dot_general3A_13 {dimension_numbers = #tpu.dot_dimension_numbers<[1], [0], [0], [1], [0, 0, 1, 1], [], []>, transpose_lhs_hint = false} : vector<2000x512xf32>, vector<512x512xf32>, vector<2000x512xf32> -> vector<2000x512xf32>
    %get3A_15 = arith.constant 0 : index
    %get3A_16 = arith.constant 0 : index
    %get3A_17 = vector.load %arg5[%get3A_15, %get3A_16] : memref<2000x128xf32, #tpu.memory_space<vmem>>, vector<2000x128xf32>
    %add3A_18 = arith.constant 1.000000e+00 : f32
    %add3A_19 = vector.broadcast %add3A_18 : f32 to vector<2000x128xf32>
    %add3A_20 = arith.addf %get3A_17, %add3A_19 : vector<2000x128xf32>
    %rsqrt3A = math.rsqrt %add3A_20 : vector<2000x128xf32>
    %slice3A = vector.extract_strided_slice %dot_general3A_14 {offsets = [0, 0], sizes = [2000, 128], strides = [1, 1]} : vector<2000x512xf32> to vector<2000x128xf32>
    %mul3A = arith.mulf %slice3A, %rsqrt3A : vector<2000x128xf32>
    %swap3A = arith.constant 0 : index
    %swap3A_21 = arith.constant 0 : index
    %swap3A_22 = arith.constant 0 : index
    %swap3A_23 = vector.load %arg6[%swap3A, %swap3A_21, %swap3A_22] : memref<4x2000x128xf32, #tpu.memory_space<vmem>>, vector<1x2000x128xf32>
    %swap3A_24 = vector.shape_cast %swap3A_23 : vector<1x2000x128xf32> to vector<2000x128xf32>
    %swap3A_25 = vector.shape_cast %mul3A : vector<2000x128xf32> to vector<1x2000x128xf32>
    tpu.vector_store %arg6[%swap3A, %swap3A_21, %swap3A_22], %swap3A_25 {strides = array<i32>} : memref<4x2000x128xf32, #tpu.memory_space<vmem>>, vector<1x2000x128xf32>,
    %slice3A_26 = vector.extract_strided_slice %dot_general3A_14 {offsets = [0, 128], sizes = [2000, 128], strides = [1, 1]} : vector<2000x512xf32> to vector<2000x128xf32>
    %mul3A_27 = arith.mulf %slice3A_26, %rsqrt3A : vector<2000x128xf32>
    %swap3A_28 = arith.constant 1 : index
    %swap3A_29 = arith.constant 0 : index
    %swap3A_30 = arith.constant 0 : index
    %swap3A_31 = vector.load %arg6[%swap3A_28, %swap3A_29, %swap3A_30] : memref<4x2000x128xf32, #tpu.memory_space<vmem>>, vector<1x2000x128xf32>
    %swap3A_32 = vector.shape_cast %swap3A_31 : vector<1x2000x128xf32> to vector<2000x128xf32>
    %swap3A_33 = vector.shape_cast %mul3A_27 : vector<2000x128xf32> to vector<1x2000x128xf32>
    tpu.vector_store %arg6[%swap3A_28, %swap3A_29, %swap3A_30], %swap3A_33 {strides = array<i32>} : memref<4x2000x128xf32, #tpu.memory_space<vmem>>, vector<1x2000x128xf32>,
    %slice3A_34 = vector.extract_strided_slice %dot_general3A_14 {offsets = [0, 256], sizes = [2000, 128], strides = [1, 1]} : vector<2000x512xf32> to vector<2000x128xf32>
    %mul3A_35 = arith.mulf %slice3A_34, %rsqrt3A : vector<2000x128xf32>
    %swap3A_36 = arith.constant 2 : index
    %swap3A_37 = arith.constant 0 : index
    %swap3A_38 = arith.constant 0 : index
    %swap3A_39 = vector.load %arg6[%swap3A_36, %swap3A_37, %swap3A_38] : memref<4x2000x128xf32, #tpu.memory_space<vmem>>, vector<1x2000x128xf32>
    %swap3A_40 = vector.shape_cast %swap3A_39 : vector<1x2000x128xf32> to vector<2000x128xf32>
    %swap3A_41 = vector.shape_cast %mul3A_35 : vector<2000x128xf32> to vector<1x2000x128xf32>
    tpu.vector_store %arg6[%swap3A_36, %swap3A_37, %swap3A_38], %swap3A_41 {strides = array<i32>} : memref<4x2000x128xf32, #tpu.memory_space<vmem>>, vector<1x2000x128xf32>,
    %slice3A_42 = vector.extract_strided_slice %dot_general3A_14 {offsets = [0, 384], sizes = [2000, 128], strides = [1, 1]} : vector<2000x512xf32> to vector<2000x128xf32>
    %mul3A_43 = arith.mulf %slice3A_42, %rsqrt3A : vector<2000x128xf32>
    %swap3A_44 = arith.constant 3 : index
    %swap3A_45 = arith.constant 0 : index
    %swap3A_46 = arith.constant 0 : index
    %swap3A_47 = vector.load %arg6[%swap3A_44, %swap3A_45, %swap3A_46] : memref<4x2000x128xf32, #tpu.memory_space<vmem>>, vector<1x2000x128xf32>
    %swap3A_48 = vector.shape_cast %swap3A_47 : vector<1x2000x128xf32> to vector<2000x128xf32>
    %swap3A_49 = vector.shape_cast %mul3A_43 : vector<2000x128xf32> to vector<1x2000x128xf32>
    tpu.vector_store %arg6[%swap3A_44, %swap3A_45, %swap3A_46], %swap3A_49 {strides = array<i32>} : memref<4x2000x128xf32, #tpu.memory_space<vmem>>, vector<1x2000x128xf32>,
    return
  }
  func.func @transform_0(%arg0: i32) -> (i32, i32) {
    %c0_i32 = arith.constant 0 : i32
    %c0_i32_0 = arith.constant 0 : i32
    return %arg0, %c0_i32 : i32, i32
  }
  func.func @transform_1(%arg0: i32) -> (i32, i32) {
    %c0_i32 = arith.constant 0 : i32
    %c0_i32_0 = arith.constant 0 : i32
    %c0_i32_1 = arith.constant 0 : i32
    return %c0_i32, %c0_i32_0 : i32, i32
  }
  func.func @transform_2(%arg0: i32) -> (i32, i32) {
    %c0_i32 = arith.constant 0 : i32
    %c0_i32_0 = arith.constant 0 : i32
    %c0_i32_1 = arith.constant 0 : i32
    return %c0_i32, %c0_i32_0 : i32, i32
  }
  func.func @transform_3(%arg0: i32) -> (i32, i32) {
    %c0_i32 = arith.constant 0 : i32
    %c0_i32_0 = arith.constant 0 : i32
    %c0_i32_1 = arith.constant 0 : i32
    return %c0_i32, %c0_i32_0 : i32, i32
  }
  func.func @transform_4(%arg0: i32) -> (i32, i32) {
    %c0_i32 = arith.constant 0 : i32
    %c0_i32_0 = arith.constant 0 : i32
    return %arg0, %c0_i32 : i32, i32
  }
  func.func @transform_5(%arg0: i32) -> (i32, i32, i32) {
    %c0_i32 = arith.constant 0 : i32
    %c0_i32_0 = arith.constant 0 : i32
    %c0_i32_1 = arith.constant 0 : i32
    return %c0_i32, %arg0, %c0_i32_0 : i32, i32, i32
  }
}

module attributes {stable_mosaic.version = 14 : i64} {
  func.func @_tc_d_body(%arg0: i32, %arg1: memref<4x2000x128xf32, #tpu.memory_space<vmem>>, %arg2: memref<4x2000x128xf32, #tpu.memory_space<vmem>>, %arg3: memref<2000x128xf32, #tpu.memory_space<vmem>>, %arg4: memref<4x128xf32, #tpu.memory_space<vmem>>, %arg5: memref<4x128xf32, #tpu.memory_space<vmem>>, %arg6: memref<4x128xf32, #tpu.memory_space<vmem>>, %arg7: memref<4x128x256xf32, #tpu.memory_space<vmem>>, %arg8: memref<2x2000x128xf32, #tpu.memory_space<vmem>>) attributes {dimension_semantics = [#tpu.dimension_semantics<arbitrary>], iteration_bounds = array<i64: 5>, scalar_prefetch = 0 : i64, scratch_operands = 0 : i64, tpu.core_type = #tpu.core_type<tc>, window_params = [{transform_indices = @transform_0, window_bounds = array<i64: 4, 2000, 128>}, {transform_indices = @transform_1, window_bounds = array<i64: 4, 2000, 128>}, {transform_indices = @transform_2, window_bounds = array<i64: 2000, 128>}, {pipeline_mode = #tpu.pipeline_mode<synchronous>, transform_indices = @transform_3, window_bounds = array<i64: 4, 128>}, {pipeline_mode = #tpu.pipeline_mode<synchronous>, transform_indices = @transform_4, window_bounds = array<i64: 4, 128>}, {pipeline_mode = #tpu.pipeline_mode<synchronous>, transform_indices = @transform_5, window_bounds = array<i64: 4, 128>}, {pipeline_mode = #tpu.pipeline_mode<synchronous>, transform_indices = @transform_6, window_bounds = array<i64: 4, 128, 256>}, {transform_indices = @transform_7, window_bounds = array<i64: 2, 2000, 128>}]} {
    %get3A = arith.constant 0 : index
    %get3A_0 = arith.constant 0 : index
    %get3A_1 = vector.load %arg3[%get3A, %get3A_0] : memref<2000x128xf32, #tpu.memory_space<vmem>>, vector<2000x128xf32>
    %add3A = arith.constant 1.000000e+00 : f32
    %add3A_2 = vector.broadcast %add3A : f32 to vector<2000x128xf32>
    %add3A_3 = arith.addf %get3A_1, %add3A_2 : vector<2000x128xf32>
    %rsqrt3A = math.rsqrt %add3A_3 : vector<2000x128xf32>
    %get3A_4 = arith.constant 0 : index
    %get3A_5 = arith.constant 0 : index
    %get3A_6 = vector.load %arg4[%get3A_4, %get3A_5] : memref<4x128xf32, #tpu.memory_space<vmem>>, vector<4x128xf32>
    %get3A_7 = arith.constant 0 : index
    %get3A_8 = arith.constant 0 : index
    %get3A_9 = vector.load %arg5[%get3A_7, %get3A_8] : memref<4x128xf32, #tpu.memory_space<vmem>>, vector<4x128xf32>
    %get3A_10 = arith.constant 0 : index
    %get3A_11 = arith.constant 0 : index
    %get3A_12 = vector.load %arg6[%get3A_10, %get3A_11] : memref<4x128xf32, #tpu.memory_space<vmem>>, vector<4x128xf32>
    %get3A_13 = arith.constant 0 : index
    %get3A_14 = arith.constant 0 : index
    %get3A_15 = arith.constant 0 : index
    %get3A_16 = vector.load %arg1[%get3A_13, %get3A_14, %get3A_15] : memref<4x2000x128xf32, #tpu.memory_space<vmem>>, vector<4x2000x128xf32>
    %get3A_17 = arith.constant 0 : index
    %get3A_18 = arith.constant 0 : index
    %get3A_19 = arith.constant 0 : index
    %get3A_20 = vector.load %arg2[%get3A_17, %get3A_18, %get3A_19] : memref<4x2000x128xf32, #tpu.memory_space<vmem>>, vector<4x2000x128xf32>
    %add3A_21 = arith.addf %get3A_16, %get3A_20 : vector<4x2000x128xf32>
    %broadcast_in_dim3A = vector.shape_cast %rsqrt3A : vector<2000x128xf32> to vector<1x2000x128xf32>
    %mul3A = vector.broadcast %broadcast_in_dim3A : vector<1x2000x128xf32> to vector<4x2000x128xf32>
    %mul3A_22 = arith.mulf %add3A_21, %mul3A : vector<4x2000x128xf32>
    %broadcast_in_dim3A_23 = vector.shape_cast %get3A_6 : vector<4x128xf32> to vector<4x1x128xf32>
    %add3A_24 = vector.broadcast %broadcast_in_dim3A_23 : vector<4x1x128xf32> to vector<4x2000x128xf32>
    %add3A_25 = arith.addf %mul3A_22, %add3A_24 : vector<4x2000x128xf32>
    %broadcast_in_dim3A_26 = arith.constant 0.000000e+00 : f32
    %broadcast_in_dim3A_27 = vector.broadcast %broadcast_in_dim3A_26 : f32 to vector<2000x1xf32>
    %slice3A = vector.extract_strided_slice %add3A_25 {offsets = [0, 0, 0], sizes = [1, 2000, 128], strides = [1, 1, 1]} : vector<4x2000x128xf32> to vector<1x2000x128xf32>
    %squeeze3A = vector.shape_cast %slice3A : vector<1x2000x128xf32> to vector<2000x128xf32>
    %reduce_sum3A = arith.constant dense<0.000000e+00> : vector<2000xf32>
    %reduce_sum3A_28 = vector.multi_reduction <add>, %squeeze3A, %reduce_sum3A [1] : vector<2000x128xf32> to vector<2000xf32>
    %broadcast_in_dim3A_29 = vector.shape_cast %reduce_sum3A_28 : vector<2000xf32> to vector<2000x1xf32>
    %add3A_30 = arith.addf %broadcast_in_dim3A_27, %broadcast_in_dim3A_29 : vector<2000x1xf32>
    %slice3A_31 = vector.extract_strided_slice %add3A_25 {offsets = [1, 0, 0], sizes = [1, 2000, 128], strides = [1, 1, 1]} : vector<4x2000x128xf32> to vector<1x2000x128xf32>
    %squeeze3A_32 = vector.shape_cast %slice3A_31 : vector<1x2000x128xf32> to vector<2000x128xf32>
    %reduce_sum3A_33 = arith.constant dense<0.000000e+00> : vector<2000xf32>
    %reduce_sum3A_34 = vector.multi_reduction <add>, %squeeze3A_32, %reduce_sum3A_33 [1] : vector<2000x128xf32> to vector<2000xf32>
    %broadcast_in_dim3A_35 = vector.shape_cast %reduce_sum3A_34 : vector<2000xf32> to vector<2000x1xf32>
    %add3A_36 = arith.addf %add3A_30, %broadcast_in_dim3A_35 : vector<2000x1xf32>
    %slice3A_37 = vector.extract_strided_slice %add3A_25 {offsets = [2, 0, 0], sizes = [1, 2000, 128], strides = [1, 1, 1]} : vector<4x2000x128xf32> to vector<1x2000x128xf32>
    %squeeze3A_38 = vector.shape_cast %slice3A_37 : vector<1x2000x128xf32> to vector<2000x128xf32>
    %reduce_sum3A_39 = arith.constant dense<0.000000e+00> : vector<2000xf32>
    %reduce_sum3A_40 = vector.multi_reduction <add>, %squeeze3A_38, %reduce_sum3A_39 [1] : vector<2000x128xf32> to vector<2000xf32>
    %broadcast_in_dim3A_41 = vector.shape_cast %reduce_sum3A_40 : vector<2000xf32> to vector<2000x1xf32>
    %add3A_42 = arith.addf %add3A_36, %broadcast_in_dim3A_41 : vector<2000x1xf32>
    %slice3A_43 = vector.extract_strided_slice %add3A_25 {offsets = [3, 0, 0], sizes = [1, 2000, 128], strides = [1, 1, 1]} : vector<4x2000x128xf32> to vector<1x2000x128xf32>
    %squeeze3A_44 = vector.shape_cast %slice3A_43 : vector<1x2000x128xf32> to vector<2000x128xf32>
    %reduce_sum3A_45 = arith.constant dense<0.000000e+00> : vector<2000xf32>
    %reduce_sum3A_46 = vector.multi_reduction <add>, %squeeze3A_44, %reduce_sum3A_45 [1] : vector<2000x128xf32> to vector<2000xf32>
    %broadcast_in_dim3A_47 = vector.shape_cast %reduce_sum3A_46 : vector<2000xf32> to vector<2000x1xf32>
    %add3A_48 = arith.addf %add3A_42, %broadcast_in_dim3A_47 : vector<2000x1xf32>
    %div3A = arith.constant 5.120000e+02 : f32
    %div3A_49 = vector.broadcast %div3A : f32 to vector<2000x1xf32>
    %div3A_50 = arith.divf %add3A_48, %div3A_49 : vector<2000x1xf32>
    %broadcast_in_dim3A_51 = arith.constant 0.000000e+00 : f32
    %broadcast_in_dim3A_52 = vector.broadcast %broadcast_in_dim3A_51 : f32 to vector<2000x1xf32>
    %slice3A_53 = vector.extract_strided_slice %add3A_25 {offsets = [0, 0, 0], sizes = [1, 2000, 128], strides = [1, 1, 1]} : vector<4x2000x128xf32> to vector<1x2000x128xf32>
    %squeeze3A_54 = vector.shape_cast %slice3A_53 : vector<1x2000x128xf32> to vector<2000x128xf32>
    %sub3A = vector.broadcast %div3A_50 : vector<2000x1xf32> to vector<2000x128xf32>
    %sub3A_55 = arith.subf %squeeze3A_54, %sub3A : vector<2000x128xf32>
    %mul3A_56 = arith.mulf %sub3A_55, %sub3A_55 : vector<2000x128xf32>
    %reduce_sum3A_57 = arith.constant dense<0.000000e+00> : vector<2000xf32>
    %reduce_sum3A_58 = vector.multi_reduction <add>, %mul3A_56, %reduce_sum3A_57 [1] : vector<2000x128xf32> to vector<2000xf32>
    %broadcast_in_dim3A_59 = vector.shape_cast %reduce_sum3A_58 : vector<2000xf32> to vector<2000x1xf32>
    %add3A_60 = arith.addf %broadcast_in_dim3A_52, %broadcast_in_dim3A_59 : vector<2000x1xf32>
    %slice3A_61 = vector.extract_strided_slice %add3A_25 {offsets = [1, 0, 0], sizes = [1, 2000, 128], strides = [1, 1, 1]} : vector<4x2000x128xf32> to vector<1x2000x128xf32>
    %squeeze3A_62 = vector.shape_cast %slice3A_61 : vector<1x2000x128xf32> to vector<2000x128xf32>
    %sub3A_63 = vector.broadcast %div3A_50 : vector<2000x1xf32> to vector<2000x128xf32>
    %sub3A_64 = arith.subf %squeeze3A_62, %sub3A_63 : vector<2000x128xf32>
    %mul3A_65 = arith.mulf %sub3A_64, %sub3A_64 : vector<2000x128xf32>
    %reduce_sum3A_66 = arith.constant dense<0.000000e+00> : vector<2000xf32>
    %reduce_sum3A_67 = vector.multi_reduction <add>, %mul3A_65, %reduce_sum3A_66 [1] : vector<2000x128xf32> to vector<2000xf32>
    %broadcast_in_dim3A_68 = vector.shape_cast %reduce_sum3A_67 : vector<2000xf32> to vector<2000x1xf32>
    %add3A_69 = arith.addf %add3A_60, %broadcast_in_dim3A_68 : vector<2000x1xf32>
    %slice3A_70 = vector.extract_strided_slice %add3A_25 {offsets = [2, 0, 0], sizes = [1, 2000, 128], strides = [1, 1, 1]} : vector<4x2000x128xf32> to vector<1x2000x128xf32>
    %squeeze3A_71 = vector.shape_cast %slice3A_70 : vector<1x2000x128xf32> to vector<2000x128xf32>
    %sub3A_72 = vector.broadcast %div3A_50 : vector<2000x1xf32> to vector<2000x128xf32>
    %sub3A_73 = arith.subf %squeeze3A_71, %sub3A_72 : vector<2000x128xf32>
    %mul3A_74 = arith.mulf %sub3A_73, %sub3A_73 : vector<2000x128xf32>
    %reduce_sum3A_75 = arith.constant dense<0.000000e+00> : vector<2000xf32>
    %reduce_sum3A_76 = vector.multi_reduction <add>, %mul3A_74, %reduce_sum3A_75 [1] : vector<2000x128xf32> to vector<2000xf32>
    %broadcast_in_dim3A_77 = vector.shape_cast %reduce_sum3A_76 : vector<2000xf32> to vector<2000x1xf32>
    %add3A_78 = arith.addf %add3A_69, %broadcast_in_dim3A_77 : vector<2000x1xf32>
    %slice3A_79 = vector.extract_strided_slice %add3A_25 {offsets = [3, 0, 0], sizes = [1, 2000, 128], strides = [1, 1, 1]} : vector<4x2000x128xf32> to vector<1x2000x128xf32>
    %squeeze3A_80 = vector.shape_cast %slice3A_79 : vector<1x2000x128xf32> to vector<2000x128xf32>
    %sub3A_81 = vector.broadcast %div3A_50 : vector<2000x1xf32> to vector<2000x128xf32>
    %sub3A_82 = arith.subf %squeeze3A_80, %sub3A_81 : vector<2000x128xf32>
    %mul3A_83 = arith.mulf %sub3A_82, %sub3A_82 : vector<2000x128xf32>
    %reduce_sum3A_84 = arith.constant dense<0.000000e+00> : vector<2000xf32>
    %reduce_sum3A_85 = vector.multi_reduction <add>, %mul3A_83, %reduce_sum3A_84 [1] : vector<2000x128xf32> to vector<2000xf32>
    %broadcast_in_dim3A_86 = vector.shape_cast %reduce_sum3A_85 : vector<2000xf32> to vector<2000x1xf32>
    %add3A_87 = arith.addf %add3A_78, %broadcast_in_dim3A_86 : vector<2000x1xf32>
    %div3A_88 = arith.constant 5.120000e+02 : f32
    %div3A_89 = vector.broadcast %div3A_88 : f32 to vector<2000x1xf32>
    %div3A_90 = arith.divf %add3A_87, %div3A_89 : vector<2000x1xf32>
    %add3A_91 = arith.constant 9.99999974E-6 : f32
    %add3A_92 = vector.broadcast %add3A_91 : f32 to vector<2000x1xf32>
    %add3A_93 = arith.addf %div3A_90, %add3A_92 : vector<2000x1xf32>
    %rsqrt3A_94 = math.rsqrt %add3A_93 : vector<2000x1xf32>
    %broadcast_in_dim3A_95 = vector.shape_cast %div3A_50 : vector<2000x1xf32> to vector<1x2000x1xf32>
    %sub3A_96 = vector.broadcast %broadcast_in_dim3A_95 : vector<1x2000x1xf32> to vector<4x2000x128xf32>
    %sub3A_97 = arith.subf %add3A_25, %sub3A_96 : vector<4x2000x128xf32>
    %broadcast_in_dim3A_98 = vector.shape_cast %rsqrt3A_94 : vector<2000x1xf32> to vector<1x2000x1xf32>
    %mul3A_99 = vector.broadcast %broadcast_in_dim3A_98 : vector<1x2000x1xf32> to vector<4x2000x128xf32>
    %mul3A_100 = arith.mulf %sub3A_97, %mul3A_99 : vector<4x2000x128xf32>
    %broadcast_in_dim3A_101 = vector.shape_cast %get3A_9 : vector<4x128xf32> to vector<4x1x128xf32>
    %mul3A_102 = vector.broadcast %broadcast_in_dim3A_101 : vector<4x1x128xf32> to vector<4x2000x128xf32>
    %mul3A_103 = arith.mulf %mul3A_100, %mul3A_102 : vector<4x2000x128xf32>
    %broadcast_in_dim3A_104 = vector.shape_cast %get3A_12 : vector<4x128xf32> to vector<4x1x128xf32>
    %add3A_105 = vector.broadcast %broadcast_in_dim3A_104 : vector<4x1x128xf32> to vector<4x2000x128xf32>
    %add3A_106 = arith.addf %mul3A_103, %add3A_105 : vector<4x2000x128xf32>
    %mul3A_107 = arith.constant 5.000000e-01 : f32
    %mul3A_108 = vector.broadcast %mul3A_107 : f32 to vector<4x2000x128xf32>
    %mul3A_109 = arith.mulf %mul3A_108, %add3A_106 : vector<4x2000x128xf32>
    %mul3A_110 = arith.constant 0.707106769 : f32
    %mul3A_111 = vector.broadcast %mul3A_110 : f32 to vector<4x2000x128xf32>
    %mul3A_112 = arith.mulf %add3A_106, %mul3A_111 : vector<4x2000x128xf32>
    %erf3A = math.erf %mul3A_112 : vector<4x2000x128xf32>
    %add3A_113 = arith.constant 1.000000e+00 : f32
    %add3A_114 = vector.broadcast %add3A_113 : f32 to vector<4x2000x128xf32>
    %add3A_115 = arith.addf %add3A_114, %erf3A : vector<4x2000x128xf32>
    %mul3A_116 = arith.mulf %mul3A_109, %add3A_115 : vector<4x2000x128xf32>
    %broadcast_in_dim3A_117 = arith.constant 0.000000e+00 : f32
    %broadcast_in_dim3A_118 = vector.broadcast %broadcast_in_dim3A_117 : f32 to vector<2000x256xf32>
    %slice3A_119 = vector.extract_strided_slice %mul3A_116 {offsets = [0, 0, 0], sizes = [1, 2000, 128], strides = [1, 1, 1]} : vector<4x2000x128xf32> to vector<1x2000x128xf32>
    %squeeze3A_120 = vector.shape_cast %slice3A_119 : vector<1x2000x128xf32> to vector<2000x128xf32>
    %get3A_121 = arith.constant 0 : index
    %get3A_122 = arith.constant 0 : index
    %get3A_123 = arith.constant 0 : index
    %get3A_124 = vector.load %arg7[%get3A_121, %get3A_122, %get3A_123] : memref<4x128x256xf32, #tpu.memory_space<vmem>>, vector<1x128x256xf32>
    %get3A_125 = vector.shape_cast %get3A_124 : vector<1x128x256xf32> to vector<128x256xf32>
    %dot_general3A = arith.constant dense<0.000000e+00> : vector<2000x256xf32>
    %dot_general3A_126 = tpu.matmul %squeeze3A_120, %get3A_125, %dot_general3A {dimension_numbers = #tpu.dot_dimension_numbers<[1], [0], [0], [1], [0, 0, 1, 1], [], []>, transpose_lhs_hint = false} : vector<2000x128xf32>, vector<128x256xf32>, vector<2000x256xf32> -> vector<2000x256xf32>
    %add3A_127 = arith.addf %broadcast_in_dim3A_118, %dot_general3A_126 : vector<2000x256xf32>
    %slice3A_128 = vector.extract_strided_slice %mul3A_116 {offsets = [1, 0, 0], sizes = [1, 2000, 128], strides = [1, 1, 1]} : vector<4x2000x128xf32> to vector<1x2000x128xf32>
    %squeeze3A_129 = vector.shape_cast %slice3A_128 : vector<1x2000x128xf32> to vector<2000x128xf32>
    %get3A_130 = arith.constant 1 : index
    %get3A_131 = arith.constant 0 : index
    %get3A_132 = arith.constant 0 : index
    %get3A_133 = vector.load %arg7[%get3A_130, %get3A_131, %get3A_132] : memref<4x128x256xf32, #tpu.memory_space<vmem>>, vector<1x128x256xf32>
    %get3A_134 = vector.shape_cast %get3A_133 : vector<1x128x256xf32> to vector<128x256xf32>
    %dot_general3A_135 = arith.constant dense<0.000000e+00> : vector<2000x256xf32>
    %dot_general3A_136 = tpu.matmul %squeeze3A_129, %get3A_134, %dot_general3A_135 {dimension_numbers = #tpu.dot_dimension_numbers<[1], [0], [0], [1], [0, 0, 1, 1], [], []>, transpose_lhs_hint = false} : vector<2000x128xf32>, vector<128x256xf32>, vector<2000x256xf32> -> vector<2000x256xf32>
    %add3A_137 = arith.addf %add3A_127, %dot_general3A_136 : vector<2000x256xf32>
    %slice3A_138 = vector.extract_strided_slice %mul3A_116 {offsets = [2, 0, 0], sizes = [1, 2000, 128], strides = [1, 1, 1]} : vector<4x2000x128xf32> to vector<1x2000x128xf32>
    %squeeze3A_139 = vector.shape_cast %slice3A_138 : vector<1x2000x128xf32> to vector<2000x128xf32>
    %get3A_140 = arith.constant 2 : index
    %get3A_141 = arith.constant 0 : index
    %get3A_142 = arith.constant 0 : index
    %get3A_143 = vector.load %arg7[%get3A_140, %get3A_141, %get3A_142] : memref<4x128x256xf32, #tpu.memory_space<vmem>>, vector<1x128x256xf32>
    %get3A_144 = vector.shape_cast %get3A_143 : vector<1x128x256xf32> to vector<128x256xf32>
    %dot_general3A_145 = arith.constant dense<0.000000e+00> : vector<2000x256xf32>
    %dot_general3A_146 = tpu.matmul %squeeze3A_139, %get3A_144, %dot_general3A_145 {dimension_numbers = #tpu.dot_dimension_numbers<[1], [0], [0], [1], [0, 0, 1, 1], [], []>, transpose_lhs_hint = false} : vector<2000x128xf32>, vector<128x256xf32>, vector<2000x256xf32> -> vector<2000x256xf32>
    %add3A_147 = arith.addf %add3A_137, %dot_general3A_146 : vector<2000x256xf32>
    %slice3A_148 = vector.extract_strided_slice %mul3A_116 {offsets = [3, 0, 0], sizes = [1, 2000, 128], strides = [1, 1, 1]} : vector<4x2000x128xf32> to vector<1x2000x128xf32>
    %squeeze3A_149 = vector.shape_cast %slice3A_148 : vector<1x2000x128xf32> to vector<2000x128xf32>
    %get3A_150 = arith.constant 3 : index
    %get3A_151 = arith.constant 0 : index
    %get3A_152 = arith.constant 0 : index
    %get3A_153 = vector.load %arg7[%get3A_150, %get3A_151, %get3A_152] : memref<4x128x256xf32, #tpu.memory_space<vmem>>, vector<1x128x256xf32>
    %get3A_154 = vector.shape_cast %get3A_153 : vector<1x128x256xf32> to vector<128x256xf32>
    %dot_general3A_155 = arith.constant dense<0.000000e+00> : vector<2000x256xf32>
    %dot_general3A_156 = tpu.matmul %squeeze3A_149, %get3A_154, %dot_general3A_155 {dimension_numbers = #tpu.dot_dimension_numbers<[1], [0], [0], [1], [0, 0, 1, 1], [], []>, transpose_lhs_hint = false} : vector<2000x128xf32>, vector<128x256xf32>, vector<2000x256xf32> -> vector<2000x256xf32>
    %add3A_157 = arith.addf %add3A_147, %dot_general3A_156 : vector<2000x256xf32>
    %slice3A_158 = vector.extract_strided_slice %add3A_157 {offsets = [0, 0], sizes = [2000, 128], strides = [1, 1]} : vector<2000x256xf32> to vector<2000x128xf32>
    %mul3A_159 = arith.mulf %slice3A_158, %rsqrt3A : vector<2000x128xf32>
    %swap3A = arith.constant 0 : index
    %swap3A_160 = arith.constant 0 : index
    %swap3A_161 = arith.constant 0 : index
    %swap3A_162 = vector.load %arg8[%swap3A, %swap3A_160, %swap3A_161] : memref<2x2000x128xf32, #tpu.memory_space<vmem>>, vector<1x2000x128xf32>
    %swap3A_163 = vector.shape_cast %swap3A_162 : vector<1x2000x128xf32> to vector<2000x128xf32>
    %swap3A_164 = vector.shape_cast %mul3A_159 : vector<2000x128xf32> to vector<1x2000x128xf32>
    tpu.vector_store %arg8[%swap3A, %swap3A_160, %swap3A_161], %swap3A_164 {strides = array<i32>} : memref<2x2000x128xf32, #tpu.memory_space<vmem>>, vector<1x2000x128xf32>,
    %slice3A_165 = vector.extract_strided_slice %add3A_157 {offsets = [0, 128], sizes = [2000, 128], strides = [1, 1]} : vector<2000x256xf32> to vector<2000x128xf32>
    %mul3A_166 = arith.mulf %slice3A_165, %rsqrt3A : vector<2000x128xf32>
    %swap3A_167 = arith.constant 1 : index
    %swap3A_168 = arith.constant 0 : index
    %swap3A_169 = arith.constant 0 : index
    %swap3A_170 = vector.load %arg8[%swap3A_167, %swap3A_168, %swap3A_169] : memref<2x2000x128xf32, #tpu.memory_space<vmem>>, vector<1x2000x128xf32>
    %swap3A_171 = vector.shape_cast %swap3A_170 : vector<1x2000x128xf32> to vector<2000x128xf32>
    %swap3A_172 = vector.shape_cast %mul3A_166 : vector<2000x128xf32> to vector<1x2000x128xf32>
    tpu.vector_store %arg8[%swap3A_167, %swap3A_168, %swap3A_169], %swap3A_172 {strides = array<i32>} : memref<2x2000x128xf32, #tpu.memory_space<vmem>>, vector<1x2000x128xf32>,
    return
  }
  func.func @transform_0(%arg0: i32) -> (i32, i32, i32) {
    %c0_i32 = arith.constant 0 : i32
    %c0_i32_0 = arith.constant 0 : i32
    %c0_i32_1 = arith.constant 0 : i32
    return %c0_i32, %arg0, %c0_i32_0 : i32, i32, i32
  }
  func.func @transform_1(%arg0: i32) -> (i32, i32, i32) {
    %c0_i32 = arith.constant 0 : i32
    %c0_i32_0 = arith.constant 0 : i32
    %c0_i32_1 = arith.constant 0 : i32
    return %c0_i32, %arg0, %c0_i32_0 : i32, i32, i32
  }
  func.func @transform_2(%arg0: i32) -> (i32, i32) {
    %c0_i32 = arith.constant 0 : i32
    %c0_i32_0 = arith.constant 0 : i32
    return %arg0, %c0_i32 : i32, i32
  }
  func.func @transform_3(%arg0: i32) -> (i32, i32) {
    %c0_i32 = arith.constant 0 : i32
    %c0_i32_0 = arith.constant 0 : i32
    %c0_i32_1 = arith.constant 0 : i32
    return %c0_i32, %c0_i32_0 : i32, i32
  }
  func.func @transform_4(%arg0: i32) -> (i32, i32) {
    %c0_i32 = arith.constant 0 : i32
    %c0_i32_0 = arith.constant 0 : i32
    %c0_i32_1 = arith.constant 0 : i32
    return %c0_i32, %c0_i32_0 : i32, i32
  }
  func.func @transform_5(%arg0: i32) -> (i32, i32) {
    %c0_i32 = arith.constant 0 : i32
    %c0_i32_0 = arith.constant 0 : i32
    %c0_i32_1 = arith.constant 0 : i32
    return %c0_i32, %c0_i32_0 : i32, i32
  }
  func.func @transform_6(%arg0: i32) -> (i32, i32, i32) {
    %c0_i32 = arith.constant 0 : i32
    %c0_i32_0 = arith.constant 0 : i32
    %c0_i32_1 = arith.constant 0 : i32
    %c0_i32_2 = arith.constant 0 : i32
    return %c0_i32, %c0_i32_0, %c0_i32_1 : i32, i32, i32
  }
  func.func @transform_7(%arg0: i32) -> (i32, i32, i32) {
    %c0_i32 = arith.constant 0 : i32
    %c0_i32_0 = arith.constant 0 : i32
    %c0_i32_1 = arith.constant 0 : i32
    return %c0_i32, %arg0, %c0_i32_0 : i32, i32, i32
  }
}

module attributes {stable_mosaic.version = 14 : i64} {
  func.func @_tc_f_body(%arg0: i32, %arg1: memref<2x2000x128xf32, #tpu.memory_space<vmem>>, %arg2: memref<2x2000x128xf32, #tpu.memory_space<vmem>>, %arg3: memref<2000x128xf32, #tpu.memory_space<vmem>>, %arg4: memref<9xi32, #tpu.memory_space<smem>>, %arg5: memref<2x128xf32, #tpu.memory_space<vmem>>, %arg6: memref<2x128xf32, #tpu.memory_space<vmem>>, %arg7: memref<2x128xf32, #tpu.memory_space<vmem>>, %arg8: memref<8x256xf32, #tpu.memory_space<vmem>>, %arg9: memref<8x256xf32, #tpu.memory_space<vmem>>, %arg10: memref<8x256xf32, #tpu.memory_space<vmem>>) attributes {dimension_semantics = [#tpu.dimension_semantics<arbitrary>], iteration_bounds = array<i64: 5>, scalar_prefetch = 0 : i64, scratch_operands = 2 : i64, tpu.core_type = #tpu.core_type<tc>, window_params = [{transform_indices = @transform_0, window_bounds = array<i64: 2, 2000, 128>}, {transform_indices = @transform_1, window_bounds = array<i64: 2, 2000, 128>}, {transform_indices = @transform_2, window_bounds = array<i64: 2000, 128>}, {transform_indices = @transform_3, window_bounds = array<i64: 9>}, {pipeline_mode = #tpu.pipeline_mode<synchronous>, transform_indices = @transform_4, window_bounds = array<i64: 2, 128>}, {pipeline_mode = #tpu.pipeline_mode<synchronous>, transform_indices = @transform_5, window_bounds = array<i64: 2, 128>}, {pipeline_mode = #tpu.pipeline_mode<synchronous>, transform_indices = @transform_6, window_bounds = array<i64: 2, 128>}, {pipeline_mode = #tpu.pipeline_mode<synchronous>, transform_indices = @transform_7, window_bounds = array<i64: 8, 256>}]} {
    %get3A = arith.constant 0 : index
    %get3A_0 = arith.constant 0 : index
    %get3A_1 = vector.load %arg3[%get3A, %get3A_0] : memref<2000x128xf32, #tpu.memory_space<vmem>>, vector<2000x128xf32>
    %add3A = arith.constant 1.000000e+00 : f32
    %add3A_2 = vector.broadcast %add3A : f32 to vector<2000x128xf32>
    %add3A_3 = arith.addf %get3A_1, %add3A_2 : vector<2000x128xf32>
    %rsqrt3A = math.rsqrt %add3A_3 : vector<2000x128xf32>
    %get3A_4 = arith.constant 0 : index
    %get3A_5 = arith.constant 0 : index
    %get3A_6 = vector.load %arg5[%get3A_4, %get3A_5] : memref<2x128xf32, #tpu.memory_space<vmem>>, vector<2x128xf32>
    %get3A_7 = arith.constant 0 : index
    %get3A_8 = arith.constant 0 : index
    %get3A_9 = vector.load %arg6[%get3A_7, %get3A_8] : memref<2x128xf32, #tpu.memory_space<vmem>>, vector<2x128xf32>
    %get3A_10 = arith.constant 0 : index
    %get3A_11 = arith.constant 0 : index
    %get3A_12 = vector.load %arg7[%get3A_10, %get3A_11] : memref<2x128xf32, #tpu.memory_space<vmem>>, vector<2x128xf32>
    %get3A_13 = arith.constant 0 : index
    %get3A_14 = arith.constant 0 : index
    %get3A_15 = arith.constant 0 : index
    %get3A_16 = vector.load %arg1[%get3A_13, %get3A_14, %get3A_15] : memref<2x2000x128xf32, #tpu.memory_space<vmem>>, vector<2x2000x128xf32>
    %get3A_17 = arith.constant 0 : index
    %get3A_18 = arith.constant 0 : index
    %get3A_19 = arith.constant 0 : index
    %get3A_20 = vector.load %arg2[%get3A_17, %get3A_18, %get3A_19] : memref<2x2000x128xf32, #tpu.memory_space<vmem>>, vector<2x2000x128xf32>
    %add3A_21 = arith.addf %get3A_16, %get3A_20 : vector<2x2000x128xf32>
    %broadcast_in_dim3A = vector.shape_cast %rsqrt3A : vector<2000x128xf32> to vector<1x2000x128xf32>
    %mul3A = vector.broadcast %broadcast_in_dim3A : vector<1x2000x128xf32> to vector<2x2000x128xf32>
    %mul3A_22 = arith.mulf %add3A_21, %mul3A : vector<2x2000x128xf32>
    %broadcast_in_dim3A_23 = vector.shape_cast %get3A_6 : vector<2x128xf32> to vector<2x1x128xf32>
    %add3A_24 = vector.broadcast %broadcast_in_dim3A_23 : vector<2x1x128xf32> to vector<2x2000x128xf32>
    %add3A_25 = arith.addf %mul3A_22, %add3A_24 : vector<2x2000x128xf32>
    %broadcast_in_dim3A_26 = arith.constant 0.000000e+00 : f32
    %broadcast_in_dim3A_27 = vector.broadcast %broadcast_in_dim3A_26 : f32 to vector<2000x1xf32>
    %slice3A = vector.extract_strided_slice %add3A_25 {offsets = [0, 0, 0], sizes = [1, 2000, 128], strides = [1, 1, 1]} : vector<2x2000x128xf32> to vector<1x2000x128xf32>
    %squeeze3A = vector.shape_cast %slice3A : vector<1x2000x128xf32> to vector<2000x128xf32>
    %reduce_sum3A = arith.constant dense<0.000000e+00> : vector<2000xf32>
    %reduce_sum3A_28 = vector.multi_reduction <add>, %squeeze3A, %reduce_sum3A [1] : vector<2000x128xf32> to vector<2000xf32>
    %broadcast_in_dim3A_29 = vector.shape_cast %reduce_sum3A_28 : vector<2000xf32> to vector<2000x1xf32>
    %add3A_30 = arith.addf %broadcast_in_dim3A_27, %broadcast_in_dim3A_29 : vector<2000x1xf32>
    %slice3A_31 = vector.extract_strided_slice %add3A_25 {offsets = [1, 0, 0], sizes = [1, 2000, 128], strides = [1, 1, 1]} : vector<2x2000x128xf32> to vector<1x2000x128xf32>
    %squeeze3A_32 = vector.shape_cast %slice3A_31 : vector<1x2000x128xf32> to vector<2000x128xf32>
    %reduce_sum3A_33 = arith.constant dense<0.000000e+00> : vector<2000xf32>
    %reduce_sum3A_34 = vector.multi_reduction <add>, %squeeze3A_32, %reduce_sum3A_33 [1] : vector<2000x128xf32> to vector<2000xf32>
    %broadcast_in_dim3A_35 = vector.shape_cast %reduce_sum3A_34 : vector<2000xf32> to vector<2000x1xf32>
    %add3A_36 = arith.addf %add3A_30, %broadcast_in_dim3A_35 : vector<2000x1xf32>
    %div3A = arith.constant 2.560000e+02 : f32
    %div3A_37 = vector.broadcast %div3A : f32 to vector<2000x1xf32>
    %div3A_38 = arith.divf %add3A_36, %div3A_37 : vector<2000x1xf32>
    %broadcast_in_dim3A_39 = arith.constant 0.000000e+00 : f32
    %broadcast_in_dim3A_40 = vector.broadcast %broadcast_in_dim3A_39 : f32 to vector<2000x1xf32>
    %slice3A_41 = vector.extract_strided_slice %add3A_25 {offsets = [0, 0, 0], sizes = [1, 2000, 128], strides = [1, 1, 1]} : vector<2x2000x128xf32> to vector<1x2000x128xf32>
    %squeeze3A_42 = vector.shape_cast %slice3A_41 : vector<1x2000x128xf32> to vector<2000x128xf32>
    %sub3A = vector.broadcast %div3A_38 : vector<2000x1xf32> to vector<2000x128xf32>
    %sub3A_43 = arith.subf %squeeze3A_42, %sub3A : vector<2000x128xf32>
    %mul3A_44 = arith.mulf %sub3A_43, %sub3A_43 : vector<2000x128xf32>
    %reduce_sum3A_45 = arith.constant dense<0.000000e+00> : vector<2000xf32>
    %reduce_sum3A_46 = vector.multi_reduction <add>, %mul3A_44, %reduce_sum3A_45 [1] : vector<2000x128xf32> to vector<2000xf32>
    %broadcast_in_dim3A_47 = vector.shape_cast %reduce_sum3A_46 : vector<2000xf32> to vector<2000x1xf32>
    %add3A_48 = arith.addf %broadcast_in_dim3A_40, %broadcast_in_dim3A_47 : vector<2000x1xf32>
    %slice3A_49 = vector.extract_strided_slice %add3A_25 {offsets = [1, 0, 0], sizes = [1, 2000, 128], strides = [1, 1, 1]} : vector<2x2000x128xf32> to vector<1x2000x128xf32>
    %squeeze3A_50 = vector.shape_cast %slice3A_49 : vector<1x2000x128xf32> to vector<2000x128xf32>
    %sub3A_51 = vector.broadcast %div3A_38 : vector<2000x1xf32> to vector<2000x128xf32>
    %sub3A_52 = arith.subf %squeeze3A_50, %sub3A_51 : vector<2000x128xf32>
    %mul3A_53 = arith.mulf %sub3A_52, %sub3A_52 : vector<2000x128xf32>
    %reduce_sum3A_54 = arith.constant dense<0.000000e+00> : vector<2000xf32>
    %reduce_sum3A_55 = vector.multi_reduction <add>, %mul3A_53, %reduce_sum3A_54 [1] : vector<2000x128xf32> to vector<2000xf32>
    %broadcast_in_dim3A_56 = vector.shape_cast %reduce_sum3A_55 : vector<2000xf32> to vector<2000x1xf32>
    %add3A_57 = arith.addf %add3A_48, %broadcast_in_dim3A_56 : vector<2000x1xf32>
    %div3A_58 = arith.constant 2.560000e+02 : f32
    %div3A_59 = vector.broadcast %div3A_58 : f32 to vector<2000x1xf32>
    %div3A_60 = arith.divf %add3A_57, %div3A_59 : vector<2000x1xf32>
    %add3A_61 = arith.constant 9.99999974E-6 : f32
    %add3A_62 = vector.broadcast %add3A_61 : f32 to vector<2000x1xf32>
    %add3A_63 = arith.addf %div3A_60, %add3A_62 : vector<2000x1xf32>
    %rsqrt3A_64 = math.rsqrt %add3A_63 : vector<2000x1xf32>
    %broadcast_in_dim3A_65 = vector.shape_cast %div3A_38 : vector<2000x1xf32> to vector<1x2000x1xf32>
    %sub3A_66 = vector.broadcast %broadcast_in_dim3A_65 : vector<1x2000x1xf32> to vector<2x2000x128xf32>
    %sub3A_67 = arith.subf %add3A_25, %sub3A_66 : vector<2x2000x128xf32>
    %broadcast_in_dim3A_68 = vector.shape_cast %rsqrt3A_64 : vector<2000x1xf32> to vector<1x2000x1xf32>
    %mul3A_69 = vector.broadcast %broadcast_in_dim3A_68 : vector<1x2000x1xf32> to vector<2x2000x128xf32>
    %mul3A_70 = arith.mulf %sub3A_67, %mul3A_69 : vector<2x2000x128xf32>
    %broadcast_in_dim3A_71 = vector.shape_cast %get3A_9 : vector<2x128xf32> to vector<2x1x128xf32>
    %mul3A_72 = vector.broadcast %broadcast_in_dim3A_71 : vector<2x1x128xf32> to vector<2x2000x128xf32>
    %mul3A_73 = arith.mulf %mul3A_70, %mul3A_72 : vector<2x2000x128xf32>
    %broadcast_in_dim3A_74 = vector.shape_cast %get3A_12 : vector<2x128xf32> to vector<2x1x128xf32>
    %add3A_75 = vector.broadcast %broadcast_in_dim3A_74 : vector<2x1x128xf32> to vector<2x2000x128xf32>
    %add3A_76 = arith.addf %mul3A_73, %add3A_75 : vector<2x2000x128xf32>
    %mul3A_77 = arith.constant 5.000000e-01 : f32
    %mul3A_78 = vector.broadcast %mul3A_77 : f32 to vector<2x2000x128xf32>
    %mul3A_79 = arith.mulf %mul3A_78, %add3A_76 : vector<2x2000x128xf32>
    %mul3A_80 = arith.constant 0.707106769 : f32
    %mul3A_81 = vector.broadcast %mul3A_80 : f32 to vector<2x2000x128xf32>
    %mul3A_82 = arith.mulf %add3A_76, %mul3A_81 : vector<2x2000x128xf32>
    %erf3A = math.erf %mul3A_82 : vector<2x2000x128xf32>
    %add3A_83 = arith.constant 1.000000e+00 : f32
    %add3A_84 = vector.broadcast %add3A_83 : f32 to vector<2x2000x128xf32>
    %add3A_85 = arith.addf %add3A_84, %erf3A : vector<2x2000x128xf32>
    %mul3A_86 = arith.mulf %mul3A_79, %add3A_85 : vector<2x2000x128xf32>
    %slice3A_87 = vector.extract_strided_slice %mul3A_86 {offsets = [0, 0, 0], sizes = [1, 2000, 128], strides = [1, 1, 1]} : vector<2x2000x128xf32> to vector<1x2000x128xf32>
    %squeeze3A_88 = vector.shape_cast %slice3A_87 : vector<1x2000x128xf32> to vector<2000x128xf32>
    %slice3A_89 = vector.extract_strided_slice %mul3A_86 {offsets = [1, 0, 0], sizes = [1, 2000, 128], strides = [1, 1, 1]} : vector<2x2000x128xf32> to vector<1x2000x128xf32>
    %squeeze3A_90 = vector.shape_cast %slice3A_89 : vector<1x2000x128xf32> to vector<2000x128xf32>
    %concatenate3A = tpu.concatenate %squeeze3A_88, %squeeze3A_90 in 1 : vector<2000x128xf32>, vector<2000x128xf32> -> vector<2000x256xf32>
    %iota3A = tpu.iota {dimensions = array<i32: 0>} : vector<2000x256xi32>
    %mul3A_91 = arith.constant 2000 : i32
    %mul3A_92 = arith.muli %arg0, %mul3A_91 : i32
    %add3A_93 = vector.broadcast %mul3A_92 : i32 to vector<2000x256xi32>
    %add3A_94 = arith.addi %iota3A, %add3A_93 : vector<2000x256xi32>
    %eq3A = arith.constant 0 : i32
    %eq3A_95 = arith.cmpi eq, %arg0, %eq3A : i32
    %convert_element_type3A = arith.extui %eq3A_95 : i1 to i32
    %cond3A = arith.constant 0 : i32
    %cond3A_96 = arith.cmpi ne, %convert_element_type3A, %cond3A : i32
    scf.if %cond3A_96 {
      %broadcast_in_dim3A_406 = arith.constant 0.000000e+00 : f32
      %broadcast_in_dim3A_407 = vector.broadcast %broadcast_in_dim3A_406 : f32 to vector<8x256xf32>
      %swap3A_408 = arith.constant 0 : index
      %swap3A_409 = arith.constant 0 : index
      %swap3A_410 = vector.load %arg9[%swap3A_408, %swap3A_409] : memref<8x256xf32, #tpu.memory_space<vmem>>, vector<8x256xf32>
      tpu.vector_store %arg9[%swap3A_408, %swap3A_409], %broadcast_in_dim3A_407 {strides = array<i32>} : memref<8x256xf32, #tpu.memory_space<vmem>>, vector<8x256xf32>,
      %broadcast_in_dim3A_411 = arith.constant 0xFF800000 : f32
      %broadcast_in_dim3A_412 = vector.broadcast %broadcast_in_dim3A_411 : f32 to vector<8x256xf32>
      %swap3A_413 = arith.constant 0 : index
      %swap3A_414 = arith.constant 0 : index
      %swap3A_415 = vector.load %arg10[%swap3A_413, %swap3A_414] : memref<8x256xf32, #tpu.memory_space<vmem>>, vector<8x256xf32>
      tpu.vector_store %arg10[%swap3A_413, %swap3A_414], %broadcast_in_dim3A_412 {strides = array<i32>} : memref<8x256xf32, #tpu.memory_space<vmem>>, vector<8x256xf32>,
    } else {
    }
    %get3A_97 = arith.constant 0 : index
    %get3A_98 = memref.load %arg4[%get3A_97] : memref<9xi32, #tpu.memory_space<smem>>
    %ge3A = vector.broadcast %get3A_98 : i32 to vector<2000x256xi32>
    %ge3A_99 = arith.cmpi sge, %add3A_94, %ge3A : vector<2000x256xi32>
    %get3A_100 = arith.constant 1 : index
    %get3A_101 = memref.load %arg4[%get3A_100] : memref<9xi32, #tpu.memory_space<smem>>
    %lt3A = vector.broadcast %get3A_101 : i32 to vector<2000x256xi32>
    %lt3A_102 = arith.cmpi slt, %add3A_94, %lt3A : vector<2000x256xi32>
    %and3A = arith.andi %ge3A_99, %lt3A_102 : vector<2000x256xi1>
    %get3A_103 = arith.constant 0 : index
    %get3A_104 = arith.constant 0 : index
    %get3A_105 = vector.load %arg9[%get3A_103, %get3A_104] : memref<8x256xf32, #tpu.memory_space<vmem>>, vector<1x256xf32>
    %get3A_106 = vector.shape_cast %get3A_105 : vector<1x256xf32> to vector<256xf32>
    %jit3A = arith.constant 0.000000e+00 : f32
    %broadcast_in_dim3A_107 = vector.broadcast %jit3A : f32 to vector<2000x256xf32>
    %select_n3A = arith.select %and3A, %concatenate3A, %broadcast_in_dim3A_107 : vector<2000x256xi1>, vector<2000x256xf32>
    %reduce_sum3A_108 = arith.constant dense<0.000000e+00> : vector<256xf32>
    %reduce_sum3A_109 = vector.multi_reduction <add>, %select_n3A, %reduce_sum3A_108 [0] : vector<2000x256xf32> to vector<256xf32>
    %add3A_110 = arith.addf %get3A_106, %reduce_sum3A_109 : vector<256xf32>
    %swap3A = arith.constant 0 : index
    %swap3A_111 = arith.constant 0 : index
    %swap3A_112 = vector.load %arg9[%swap3A, %swap3A_111] : memref<8x256xf32, #tpu.memory_space<vmem>>, vector<1x256xf32>
    %swap3A_113 = vector.shape_cast %swap3A_112 : vector<1x256xf32> to vector<256xf32>
    %swap3A_114 = vector.shape_cast %add3A_110 : vector<256xf32> to vector<1x256xf32>
    tpu.vector_store %arg9[%swap3A, %swap3A_111], %swap3A_114 {strides = array<i32>} : memref<8x256xf32, #tpu.memory_space<vmem>>, vector<1x256xf32>,
    %get3A_115 = arith.constant 0 : index
    %get3A_116 = arith.constant 0 : index
    %get3A_117 = vector.load %arg10[%get3A_115, %get3A_116] : memref<8x256xf32, #tpu.memory_space<vmem>>, vector<1x256xf32>
    %get3A_118 = vector.shape_cast %get3A_117 : vector<1x256xf32> to vector<256xf32>
    %jit3A_119 = arith.constant 0xFF800000 : f32
    %broadcast_in_dim3A_120 = vector.broadcast %jit3A_119 : f32 to vector<2000x256xf32>
    %select_n3A_121 = arith.select %and3A, %concatenate3A, %broadcast_in_dim3A_120 : vector<2000x256xi1>, vector<2000x256xf32>
    %reduce_max3A = arith.constant dense<0xFF800000> : vector<256xf32>
    %reduce_max3A_122 = vector.multi_reduction <maximumf>, %select_n3A_121, %reduce_max3A [0] : vector<2000x256xf32> to vector<256xf32>
    %max3A = arith.maximumf %get3A_118, %reduce_max3A_122 : vector<256xf32>
    %swap3A_123 = arith.constant 0 : index
    %swap3A_124 = arith.constant 0 : index
    %swap3A_125 = vector.load %arg10[%swap3A_123, %swap3A_124] : memref<8x256xf32, #tpu.memory_space<vmem>>, vector<1x256xf32>
    %swap3A_126 = vector.shape_cast %swap3A_125 : vector<1x256xf32> to vector<256xf32>
    %swap3A_127 = vector.shape_cast %max3A : vector<256xf32> to vector<1x256xf32>
    tpu.vector_store %arg10[%swap3A_123, %swap3A_124], %swap3A_127 {strides = array<i32>} : memref<8x256xf32, #tpu.memory_space<vmem>>, vector<1x256xf32>,
    %get3A_128 = arith.constant 1 : index
    %get3A_129 = memref.load %arg4[%get3A_128] : memref<9xi32, #tpu.memory_space<smem>>
    %ge3A_130 = vector.broadcast %get3A_129 : i32 to vector<2000x256xi32>
    %ge3A_131 = arith.cmpi sge, %add3A_94, %ge3A_130 : vector<2000x256xi32>
    %get3A_132 = arith.constant 2 : index
    %get3A_133 = memref.load %arg4[%get3A_132] : memref<9xi32, #tpu.memory_space<smem>>
    %lt3A_134 = vector.broadcast %get3A_133 : i32 to vector<2000x256xi32>
    %lt3A_135 = arith.cmpi slt, %add3A_94, %lt3A_134 : vector<2000x256xi32>
    %and3A_136 = arith.andi %ge3A_131, %lt3A_135 : vector<2000x256xi1>
    %get3A_137 = arith.constant 1 : index
    %get3A_138 = arith.constant 0 : index
    %get3A_139 = vector.load %arg9[%get3A_137, %get3A_138] : memref<8x256xf32, #tpu.memory_space<vmem>>, vector<1x256xf32>
    %get3A_140 = vector.shape_cast %get3A_139 : vector<1x256xf32> to vector<256xf32>
    %jit3A_141 = arith.constant 0.000000e+00 : f32
    %broadcast_in_dim3A_142 = vector.broadcast %jit3A_141 : f32 to vector<2000x256xf32>
    %select_n3A_143 = arith.select %and3A_136, %concatenate3A, %broadcast_in_dim3A_142 : vector<2000x256xi1>, vector<2000x256xf32>
    %reduce_sum3A_144 = arith.constant dense<0.000000e+00> : vector<256xf32>
    %reduce_sum3A_145 = vector.multi_reduction <add>, %select_n3A_143, %reduce_sum3A_144 [0] : vector<2000x256xf32> to vector<256xf32>
    %add3A_146 = arith.addf %get3A_140, %reduce_sum3A_145 : vector<256xf32>
    %swap3A_147 = arith.constant 1 : index
    %swap3A_148 = arith.constant 0 : index
    %swap3A_149 = vector.load %arg9[%swap3A_147, %swap3A_148] : memref<8x256xf32, #tpu.memory_space<vmem>>, vector<1x256xf32>
    %swap3A_150 = vector.shape_cast %swap3A_149 : vector<1x256xf32> to vector<256xf32>
    %swap3A_151 = vector.shape_cast %add3A_146 : vector<256xf32> to vector<1x256xf32>
    tpu.vector_store %arg9[%swap3A_147, %swap3A_148], %swap3A_151 {strides = array<i32>} : memref<8x256xf32, #tpu.memory_space<vmem>>, vector<1x256xf32>,
    %get3A_152 = arith.constant 1 : index
    %get3A_153 = arith.constant 0 : index
    %get3A_154 = vector.load %arg10[%get3A_152, %get3A_153] : memref<8x256xf32, #tpu.memory_space<vmem>>, vector<1x256xf32>
    %get3A_155 = vector.shape_cast %get3A_154 : vector<1x256xf32> to vector<256xf32>
    %jit3A_156 = arith.constant 0xFF800000 : f32
    %broadcast_in_dim3A_157 = vector.broadcast %jit3A_156 : f32 to vector<2000x256xf32>
    %select_n3A_158 = arith.select %and3A_136, %concatenate3A, %broadcast_in_dim3A_157 : vector<2000x256xi1>, vector<2000x256xf32>
    %reduce_max3A_159 = arith.constant dense<0xFF800000> : vector<256xf32>
    %reduce_max3A_160 = vector.multi_reduction <maximumf>, %select_n3A_158, %reduce_max3A_159 [0] : vector<2000x256xf32> to vector<256xf32>
    %max3A_161 = arith.maximumf %get3A_155, %reduce_max3A_160 : vector<256xf32>
    %swap3A_162 = arith.constant 1 : index
    %swap3A_163 = arith.constant 0 : index
    %swap3A_164 = vector.load %arg10[%swap3A_162, %swap3A_163] : memref<8x256xf32, #tpu.memory_space<vmem>>, vector<1x256xf32>
    %swap3A_165 = vector.shape_cast %swap3A_164 : vector<1x256xf32> to vector<256xf32>
    %swap3A_166 = vector.shape_cast %max3A_161 : vector<256xf32> to vector<1x256xf32>
    tpu.vector_store %arg10[%swap3A_162, %swap3A_163], %swap3A_166 {strides = array<i32>} : memref<8x256xf32, #tpu.memory_space<vmem>>, vector<1x256xf32>,
    %get3A_167 = arith.constant 2 : index
    %get3A_168 = memref.load %arg4[%get3A_167] : memref<9xi32, #tpu.memory_space<smem>>
    %ge3A_169 = vector.broadcast %get3A_168 : i32 to vector<2000x256xi32>
    %ge3A_170 = arith.cmpi sge, %add3A_94, %ge3A_169 : vector<2000x256xi32>
    %get3A_171 = arith.constant 3 : index
    %get3A_172 = memref.load %arg4[%get3A_171] : memref<9xi32, #tpu.memory_space<smem>>
    %lt3A_173 = vector.broadcast %get3A_172 : i32 to vector<2000x256xi32>
    %lt3A_174 = arith.cmpi slt, %add3A_94, %lt3A_173 : vector<2000x256xi32>
    %and3A_175 = arith.andi %ge3A_170, %lt3A_174 : vector<2000x256xi1>
    %get3A_176 = arith.constant 2 : index
    %get3A_177 = arith.constant 0 : index
    %get3A_178 = vector.load %arg9[%get3A_176, %get3A_177] : memref<8x256xf32, #tpu.memory_space<vmem>>, vector<1x256xf32>
    %get3A_179 = vector.shape_cast %get3A_178 : vector<1x256xf32> to vector<256xf32>
    %jit3A_180 = arith.constant 0.000000e+00 : f32
    %broadcast_in_dim3A_181 = vector.broadcast %jit3A_180 : f32 to vector<2000x256xf32>
    %select_n3A_182 = arith.select %and3A_175, %concatenate3A, %broadcast_in_dim3A_181 : vector<2000x256xi1>, vector<2000x256xf32>
    %reduce_sum3A_183 = arith.constant dense<0.000000e+00> : vector<256xf32>
    %reduce_sum3A_184 = vector.multi_reduction <add>, %select_n3A_182, %reduce_sum3A_183 [0] : vector<2000x256xf32> to vector<256xf32>
    %add3A_185 = arith.addf %get3A_179, %reduce_sum3A_184 : vector<256xf32>
    %swap3A_186 = arith.constant 2 : index
    %swap3A_187 = arith.constant 0 : index
    %swap3A_188 = vector.load %arg9[%swap3A_186, %swap3A_187] : memref<8x256xf32, #tpu.memory_space<vmem>>, vector<1x256xf32>
    %swap3A_189 = vector.shape_cast %swap3A_188 : vector<1x256xf32> to vector<256xf32>
    %swap3A_190 = vector.shape_cast %add3A_185 : vector<256xf32> to vector<1x256xf32>
    tpu.vector_store %arg9[%swap3A_186, %swap3A_187], %swap3A_190 {strides = array<i32>} : memref<8x256xf32, #tpu.memory_space<vmem>>, vector<1x256xf32>,
    %get3A_191 = arith.constant 2 : index
    %get3A_192 = arith.constant 0 : index
    %get3A_193 = vector.load %arg10[%get3A_191, %get3A_192] : memref<8x256xf32, #tpu.memory_space<vmem>>, vector<1x256xf32>
    %get3A_194 = vector.shape_cast %get3A_193 : vector<1x256xf32> to vector<256xf32>
    %jit3A_195 = arith.constant 0xFF800000 : f32
    %broadcast_in_dim3A_196 = vector.broadcast %jit3A_195 : f32 to vector<2000x256xf32>
    %select_n3A_197 = arith.select %and3A_175, %concatenate3A, %broadcast_in_dim3A_196 : vector<2000x256xi1>, vector<2000x256xf32>
    %reduce_max3A_198 = arith.constant dense<0xFF800000> : vector<256xf32>
    %reduce_max3A_199 = vector.multi_reduction <maximumf>, %select_n3A_197, %reduce_max3A_198 [0] : vector<2000x256xf32> to vector<256xf32>
    %max3A_200 = arith.maximumf %get3A_194, %reduce_max3A_199 : vector<256xf32>
    %swap3A_201 = arith.constant 2 : index
    %swap3A_202 = arith.constant 0 : index
    %swap3A_203 = vector.load %arg10[%swap3A_201, %swap3A_202] : memref<8x256xf32, #tpu.memory_space<vmem>>, vector<1x256xf32>
    %swap3A_204 = vector.shape_cast %swap3A_203 : vector<1x256xf32> to vector<256xf32>
    %swap3A_205 = vector.shape_cast %max3A_200 : vector<256xf32> to vector<1x256xf32>
    tpu.vector_store %arg10[%swap3A_201, %swap3A_202], %swap3A_205 {strides = array<i32>} : memref<8x256xf32, #tpu.memory_space<vmem>>, vector<1x256xf32>,
    %get3A_206 = arith.constant 3 : index
    %get3A_207 = memref.load %arg4[%get3A_206] : memref<9xi32, #tpu.memory_space<smem>>
    %ge3A_208 = vector.broadcast %get3A_207 : i32 to vector<2000x256xi32>
    %ge3A_209 = arith.cmpi sge, %add3A_94, %ge3A_208 : vector<2000x256xi32>
    %get3A_210 = arith.constant 4 : index
    %get3A_211 = memref.load %arg4[%get3A_210] : memref<9xi32, #tpu.memory_space<smem>>
    %lt3A_212 = vector.broadcast %get3A_211 : i32 to vector<2000x256xi32>
    %lt3A_213 = arith.cmpi slt, %add3A_94, %lt3A_212 : vector<2000x256xi32>
    %and3A_214 = arith.andi %ge3A_209, %lt3A_213 : vector<2000x256xi1>
    %get3A_215 = arith.constant 3 : index
    %get3A_216 = arith.constant 0 : index
    %get3A_217 = vector.load %arg9[%get3A_215, %get3A_216] : memref<8x256xf32, #tpu.memory_space<vmem>>, vector<1x256xf32>
    %get3A_218 = vector.shape_cast %get3A_217 : vector<1x256xf32> to vector<256xf32>
    %jit3A_219 = arith.constant 0.000000e+00 : f32
    %broadcast_in_dim3A_220 = vector.broadcast %jit3A_219 : f32 to vector<2000x256xf32>
    %select_n3A_221 = arith.select %and3A_214, %concatenate3A, %broadcast_in_dim3A_220 : vector<2000x256xi1>, vector<2000x256xf32>
    %reduce_sum3A_222 = arith.constant dense<0.000000e+00> : vector<256xf32>
    %reduce_sum3A_223 = vector.multi_reduction <add>, %select_n3A_221, %reduce_sum3A_222 [0] : vector<2000x256xf32> to vector<256xf32>
    %add3A_224 = arith.addf %get3A_218, %reduce_sum3A_223 : vector<256xf32>
    %swap3A_225 = arith.constant 3 : index
    %swap3A_226 = arith.constant 0 : index
    %swap3A_227 = vector.load %arg9[%swap3A_225, %swap3A_226] : memref<8x256xf32, #tpu.memory_space<vmem>>, vector<1x256xf32>
    %swap3A_228 = vector.shape_cast %swap3A_227 : vector<1x256xf32> to vector<256xf32>
    %swap3A_229 = vector.shape_cast %add3A_224 : vector<256xf32> to vector<1x256xf32>
    tpu.vector_store %arg9[%swap3A_225, %swap3A_226], %swap3A_229 {strides = array<i32>} : memref<8x256xf32, #tpu.memory_space<vmem>>, vector<1x256xf32>,
    %get3A_230 = arith.constant 3 : index
    %get3A_231 = arith.constant 0 : index
    %get3A_232 = vector.load %arg10[%get3A_230, %get3A_231] : memref<8x256xf32, #tpu.memory_space<vmem>>, vector<1x256xf32>
    %get3A_233 = vector.shape_cast %get3A_232 : vector<1x256xf32> to vector<256xf32>
    %jit3A_234 = arith.constant 0xFF800000 : f32
    %broadcast_in_dim3A_235 = vector.broadcast %jit3A_234 : f32 to vector<2000x256xf32>
    %select_n3A_236 = arith.select %and3A_214, %concatenate3A, %broadcast_in_dim3A_235 : vector<2000x256xi1>, vector<2000x256xf32>
    %reduce_max3A_237 = arith.constant dense<0xFF800000> : vector<256xf32>
    %reduce_max3A_238 = vector.multi_reduction <maximumf>, %select_n3A_236, %reduce_max3A_237 [0] : vector<2000x256xf32> to vector<256xf32>
    %max3A_239 = arith.maximumf %get3A_233, %reduce_max3A_238 : vector<256xf32>
    %swap3A_240 = arith.constant 3 : index
    %swap3A_241 = arith.constant 0 : index
    %swap3A_242 = vector.load %arg10[%swap3A_240, %swap3A_241] : memref<8x256xf32, #tpu.memory_space<vmem>>, vector<1x256xf32>
    %swap3A_243 = vector.shape_cast %swap3A_242 : vector<1x256xf32> to vector<256xf32>
    %swap3A_244 = vector.shape_cast %max3A_239 : vector<256xf32> to vector<1x256xf32>
    tpu.vector_store %arg10[%swap3A_240, %swap3A_241], %swap3A_244 {strides = array<i32>} : memref<8x256xf32, #tpu.memory_space<vmem>>, vector<1x256xf32>,
    %get3A_245 = arith.constant 4 : index
    %get3A_246 = memref.load %arg4[%get3A_245] : memref<9xi32, #tpu.memory_space<smem>>
    %ge3A_247 = vector.broadcast %get3A_246 : i32 to vector<2000x256xi32>
    %ge3A_248 = arith.cmpi sge, %add3A_94, %ge3A_247 : vector<2000x256xi32>
    %get3A_249 = arith.constant 5 : index
    %get3A_250 = memref.load %arg4[%get3A_249] : memref<9xi32, #tpu.memory_space<smem>>
    %lt3A_251 = vector.broadcast %get3A_250 : i32 to vector<2000x256xi32>
    %lt3A_252 = arith.cmpi slt, %add3A_94, %lt3A_251 : vector<2000x256xi32>
    %and3A_253 = arith.andi %ge3A_248, %lt3A_252 : vector<2000x256xi1>
    %get3A_254 = arith.constant 4 : index
    %get3A_255 = arith.constant 0 : index
    %get3A_256 = vector.load %arg9[%get3A_254, %get3A_255] : memref<8x256xf32, #tpu.memory_space<vmem>>, vector<1x256xf32>
    %get3A_257 = vector.shape_cast %get3A_256 : vector<1x256xf32> to vector<256xf32>
    %jit3A_258 = arith.constant 0.000000e+00 : f32
    %broadcast_in_dim3A_259 = vector.broadcast %jit3A_258 : f32 to vector<2000x256xf32>
    %select_n3A_260 = arith.select %and3A_253, %concatenate3A, %broadcast_in_dim3A_259 : vector<2000x256xi1>, vector<2000x256xf32>
    %reduce_sum3A_261 = arith.constant dense<0.000000e+00> : vector<256xf32>
    %reduce_sum3A_262 = vector.multi_reduction <add>, %select_n3A_260, %reduce_sum3A_261 [0] : vector<2000x256xf32> to vector<256xf32>
    %add3A_263 = arith.addf %get3A_257, %reduce_sum3A_262 : vector<256xf32>
    %swap3A_264 = arith.constant 4 : index
    %swap3A_265 = arith.constant 0 : index
    %swap3A_266 = vector.load %arg9[%swap3A_264, %swap3A_265] : memref<8x256xf32, #tpu.memory_space<vmem>>, vector<1x256xf32>
    %swap3A_267 = vector.shape_cast %swap3A_266 : vector<1x256xf32> to vector<256xf32>
    %swap3A_268 = vector.shape_cast %add3A_263 : vector<256xf32> to vector<1x256xf32>
    tpu.vector_store %arg9[%swap3A_264, %swap3A_265], %swap3A_268 {strides = array<i32>} : memref<8x256xf32, #tpu.memory_space<vmem>>, vector<1x256xf32>,
    %get3A_269 = arith.constant 4 : index
    %get3A_270 = arith.constant 0 : index
    %get3A_271 = vector.load %arg10[%get3A_269, %get3A_270] : memref<8x256xf32, #tpu.memory_space<vmem>>, vector<1x256xf32>
    %get3A_272 = vector.shape_cast %get3A_271 : vector<1x256xf32> to vector<256xf32>
    %jit3A_273 = arith.constant 0xFF800000 : f32
    %broadcast_in_dim3A_274 = vector.broadcast %jit3A_273 : f32 to vector<2000x256xf32>
    %select_n3A_275 = arith.select %and3A_253, %concatenate3A, %broadcast_in_dim3A_274 : vector<2000x256xi1>, vector<2000x256xf32>
    %reduce_max3A_276 = arith.constant dense<0xFF800000> : vector<256xf32>
    %reduce_max3A_277 = vector.multi_reduction <maximumf>, %select_n3A_275, %reduce_max3A_276 [0] : vector<2000x256xf32> to vector<256xf32>
    %max3A_278 = arith.maximumf %get3A_272, %reduce_max3A_277 : vector<256xf32>
    %swap3A_279 = arith.constant 4 : index
    %swap3A_280 = arith.constant 0 : index
    %swap3A_281 = vector.load %arg10[%swap3A_279, %swap3A_280] : memref<8x256xf32, #tpu.memory_space<vmem>>, vector<1x256xf32>
    %swap3A_282 = vector.shape_cast %swap3A_281 : vector<1x256xf32> to vector<256xf32>
    %swap3A_283 = vector.shape_cast %max3A_278 : vector<256xf32> to vector<1x256xf32>
    tpu.vector_store %arg10[%swap3A_279, %swap3A_280], %swap3A_283 {strides = array<i32>} : memref<8x256xf32, #tpu.memory_space<vmem>>, vector<1x256xf32>,
    %get3A_284 = arith.constant 5 : index
    %get3A_285 = memref.load %arg4[%get3A_284] : memref<9xi32, #tpu.memory_space<smem>>
    %ge3A_286 = vector.broadcast %get3A_285 : i32 to vector<2000x256xi32>
    %ge3A_287 = arith.cmpi sge, %add3A_94, %ge3A_286 : vector<2000x256xi32>
    %get3A_288 = arith.constant 6 : index
    %get3A_289 = memref.load %arg4[%get3A_288] : memref<9xi32, #tpu.memory_space<smem>>
    %lt3A_290 = vector.broadcast %get3A_289 : i32 to vector<2000x256xi32>
    %lt3A_291 = arith.cmpi slt, %add3A_94, %lt3A_290 : vector<2000x256xi32>
    %and3A_292 = arith.andi %ge3A_287, %lt3A_291 : vector<2000x256xi1>
    %get3A_293 = arith.constant 5 : index
    %get3A_294 = arith.constant 0 : index
    %get3A_295 = vector.load %arg9[%get3A_293, %get3A_294] : memref<8x256xf32, #tpu.memory_space<vmem>>, vector<1x256xf32>
    %get3A_296 = vector.shape_cast %get3A_295 : vector<1x256xf32> to vector<256xf32>
    %jit3A_297 = arith.constant 0.000000e+00 : f32
    %broadcast_in_dim3A_298 = vector.broadcast %jit3A_297 : f32 to vector<2000x256xf32>
    %select_n3A_299 = arith.select %and3A_292, %concatenate3A, %broadcast_in_dim3A_298 : vector<2000x256xi1>, vector<2000x256xf32>
    %reduce_sum3A_300 = arith.constant dense<0.000000e+00> : vector<256xf32>
    %reduce_sum3A_301 = vector.multi_reduction <add>, %select_n3A_299, %reduce_sum3A_300 [0] : vector<2000x256xf32> to vector<256xf32>
    %add3A_302 = arith.addf %get3A_296, %reduce_sum3A_301 : vector<256xf32>
    %swap3A_303 = arith.constant 5 : index
    %swap3A_304 = arith.constant 0 : index
    %swap3A_305 = vector.load %arg9[%swap3A_303, %swap3A_304] : memref<8x256xf32, #tpu.memory_space<vmem>>, vector<1x256xf32>
    %swap3A_306 = vector.shape_cast %swap3A_305 : vector<1x256xf32> to vector<256xf32>
    %swap3A_307 = vector.shape_cast %add3A_302 : vector<256xf32> to vector<1x256xf32>
    tpu.vector_store %arg9[%swap3A_303, %swap3A_304], %swap3A_307 {strides = array<i32>} : memref<8x256xf32, #tpu.memory_space<vmem>>, vector<1x256xf32>,
    %get3A_308 = arith.constant 5 : index
    %get3A_309 = arith.constant 0 : index
    %get3A_310 = vector.load %arg10[%get3A_308, %get3A_309] : memref<8x256xf32, #tpu.memory_space<vmem>>, vector<1x256xf32>
    %get3A_311 = vector.shape_cast %get3A_310 : vector<1x256xf32> to vector<256xf32>
    %jit3A_312 = arith.constant 0xFF800000 : f32
    %broadcast_in_dim3A_313 = vector.broadcast %jit3A_312 : f32 to vector<2000x256xf32>
    %select_n3A_314 = arith.select %and3A_292, %concatenate3A, %broadcast_in_dim3A_313 : vector<2000x256xi1>, vector<2000x256xf32>
    %reduce_max3A_315 = arith.constant dense<0xFF800000> : vector<256xf32>
    %reduce_max3A_316 = vector.multi_reduction <maximumf>, %select_n3A_314, %reduce_max3A_315 [0] : vector<2000x256xf32> to vector<256xf32>
    %max3A_317 = arith.maximumf %get3A_311, %reduce_max3A_316 : vector<256xf32>
    %swap3A_318 = arith.constant 5 : index
    %swap3A_319 = arith.constant 0 : index
    %swap3A_320 = vector.load %arg10[%swap3A_318, %swap3A_319] : memref<8x256xf32, #tpu.memory_space<vmem>>, vector<1x256xf32>
    %swap3A_321 = vector.shape_cast %swap3A_320 : vector<1x256xf32> to vector<256xf32>
    %swap3A_322 = vector.shape_cast %max3A_317 : vector<256xf32> to vector<1x256xf32>
    tpu.vector_store %arg10[%swap3A_318, %swap3A_319], %swap3A_322 {strides = array<i32>} : memref<8x256xf32, #tpu.memory_space<vmem>>, vector<1x256xf32>,
    %get3A_323 = arith.constant 6 : index
    %get3A_324 = memref.load %arg4[%get3A_323] : memref<9xi32, #tpu.memory_space<smem>>
    %ge3A_325 = vector.broadcast %get3A_324 : i32 to vector<2000x256xi32>
    %ge3A_326 = arith.cmpi sge, %add3A_94, %ge3A_325 : vector<2000x256xi32>
    %get3A_327 = arith.constant 7 : index
    %get3A_328 = memref.load %arg4[%get3A_327] : memref<9xi32, #tpu.memory_space<smem>>
    %lt3A_329 = vector.broadcast %get3A_328 : i32 to vector<2000x256xi32>
    %lt3A_330 = arith.cmpi slt, %add3A_94, %lt3A_329 : vector<2000x256xi32>
    %and3A_331 = arith.andi %ge3A_326, %lt3A_330 : vector<2000x256xi1>
    %get3A_332 = arith.constant 6 : index
    %get3A_333 = arith.constant 0 : index
    %get3A_334 = vector.load %arg9[%get3A_332, %get3A_333] : memref<8x256xf32, #tpu.memory_space<vmem>>, vector<1x256xf32>
    %get3A_335 = vector.shape_cast %get3A_334 : vector<1x256xf32> to vector<256xf32>
    %jit3A_336 = arith.constant 0.000000e+00 : f32
    %broadcast_in_dim3A_337 = vector.broadcast %jit3A_336 : f32 to vector<2000x256xf32>
    %select_n3A_338 = arith.select %and3A_331, %concatenate3A, %broadcast_in_dim3A_337 : vector<2000x256xi1>, vector<2000x256xf32>
    %reduce_sum3A_339 = arith.constant dense<0.000000e+00> : vector<256xf32>
    %reduce_sum3A_340 = vector.multi_reduction <add>, %select_n3A_338, %reduce_sum3A_339 [0] : vector<2000x256xf32> to vector<256xf32>
    %add3A_341 = arith.addf %get3A_335, %reduce_sum3A_340 : vector<256xf32>
    %swap3A_342 = arith.constant 6 : index
    %swap3A_343 = arith.constant 0 : index
    %swap3A_344 = vector.load %arg9[%swap3A_342, %swap3A_343] : memref<8x256xf32, #tpu.memory_space<vmem>>, vector<1x256xf32>
    %swap3A_345 = vector.shape_cast %swap3A_344 : vector<1x256xf32> to vector<256xf32>
    %swap3A_346 = vector.shape_cast %add3A_341 : vector<256xf32> to vector<1x256xf32>
    tpu.vector_store %arg9[%swap3A_342, %swap3A_343], %swap3A_346 {strides = array<i32>} : memref<8x256xf32, #tpu.memory_space<vmem>>, vector<1x256xf32>,
    %get3A_347 = arith.constant 6 : index
    %get3A_348 = arith.constant 0 : index
    %get3A_349 = vector.load %arg10[%get3A_347, %get3A_348] : memref<8x256xf32, #tpu.memory_space<vmem>>, vector<1x256xf32>
    %get3A_350 = vector.shape_cast %get3A_349 : vector<1x256xf32> to vector<256xf32>
    %jit3A_351 = arith.constant 0xFF800000 : f32
    %broadcast_in_dim3A_352 = vector.broadcast %jit3A_351 : f32 to vector<2000x256xf32>
    %select_n3A_353 = arith.select %and3A_331, %concatenate3A, %broadcast_in_dim3A_352 : vector<2000x256xi1>, vector<2000x256xf32>
    %reduce_max3A_354 = arith.constant dense<0xFF800000> : vector<256xf32>
    %reduce_max3A_355 = vector.multi_reduction <maximumf>, %select_n3A_353, %reduce_max3A_354 [0] : vector<2000x256xf32> to vector<256xf32>
    %max3A_356 = arith.maximumf %get3A_350, %reduce_max3A_355 : vector<256xf32>
    %swap3A_357 = arith.constant 6 : index
    %swap3A_358 = arith.constant 0 : index
    %swap3A_359 = vector.load %arg10[%swap3A_357, %swap3A_358] : memref<8x256xf32, #tpu.memory_space<vmem>>, vector<1x256xf32>
    %swap3A_360 = vector.shape_cast %swap3A_359 : vector<1x256xf32> to vector<256xf32>
    %swap3A_361 = vector.shape_cast %max3A_356 : vector<256xf32> to vector<1x256xf32>
    tpu.vector_store %arg10[%swap3A_357, %swap3A_358], %swap3A_361 {strides = array<i32>} : memref<8x256xf32, #tpu.memory_space<vmem>>, vector<1x256xf32>,
    %get3A_362 = arith.constant 7 : index
    %get3A_363 = memref.load %arg4[%get3A_362] : memref<9xi32, #tpu.memory_space<smem>>
    %ge3A_364 = vector.broadcast %get3A_363 : i32 to vector<2000x256xi32>
    %ge3A_365 = arith.cmpi sge, %add3A_94, %ge3A_364 : vector<2000x256xi32>
    %get3A_366 = arith.constant 8 : index
    %get3A_367 = memref.load %arg4[%get3A_366] : memref<9xi32, #tpu.memory_space<smem>>
    %lt3A_368 = vector.broadcast %get3A_367 : i32 to vector<2000x256xi32>
    %lt3A_369 = arith.cmpi slt, %add3A_94, %lt3A_368 : vector<2000x256xi32>
    %and3A_370 = arith.andi %ge3A_365, %lt3A_369 : vector<2000x256xi1>
    %get3A_371 = arith.constant 7 : index
    %get3A_372 = arith.constant 0 : index
    %get3A_373 = vector.load %arg9[%get3A_371, %get3A_372] : memref<8x256xf32, #tpu.memory_space<vmem>>, vector<1x256xf32>
    %get3A_374 = vector.shape_cast %get3A_373 : vector<1x256xf32> to vector<256xf32>
    %jit3A_375 = arith.constant 0.000000e+00 : f32
    %broadcast_in_dim3A_376 = vector.broadcast %jit3A_375 : f32 to vector<2000x256xf32>
    %select_n3A_377 = arith.select %and3A_370, %concatenate3A, %broadcast_in_dim3A_376 : vector<2000x256xi1>, vector<2000x256xf32>
    %reduce_sum3A_378 = arith.constant dense<0.000000e+00> : vector<256xf32>
    %reduce_sum3A_379 = vector.multi_reduction <add>, %select_n3A_377, %reduce_sum3A_378 [0] : vector<2000x256xf32> to vector<256xf32>
    %add3A_380 = arith.addf %get3A_374, %reduce_sum3A_379 : vector<256xf32>
    %swap3A_381 = arith.constant 7 : index
    %swap3A_382 = arith.constant 0 : index
    %swap3A_383 = vector.load %arg9[%swap3A_381, %swap3A_382] : memref<8x256xf32, #tpu.memory_space<vmem>>, vector<1x256xf32>
    %swap3A_384 = vector.shape_cast %swap3A_383 : vector<1x256xf32> to vector<256xf32>
    %swap3A_385 = vector.shape_cast %add3A_380 : vector<256xf32> to vector<1x256xf32>
    tpu.vector_store %arg9[%swap3A_381, %swap3A_382], %swap3A_385 {strides = array<i32>} : memref<8x256xf32, #tpu.memory_space<vmem>>, vector<1x256xf32>,
    %get3A_386 = arith.constant 7 : index
    %get3A_387 = arith.constant 0 : index
    %get3A_388 = vector.load %arg10[%get3A_386, %get3A_387] : memref<8x256xf32, #tpu.memory_space<vmem>>, vector<1x256xf32>
    %get3A_389 = vector.shape_cast %get3A_388 : vector<1x256xf32> to vector<256xf32>
    %jit3A_390 = arith.constant 0xFF800000 : f32
    %broadcast_in_dim3A_391 = vector.broadcast %jit3A_390 : f32 to vector<2000x256xf32>
    %select_n3A_392 = arith.select %and3A_370, %concatenate3A, %broadcast_in_dim3A_391 : vector<2000x256xi1>, vector<2000x256xf32>
    %reduce_max3A_393 = arith.constant dense<0xFF800000> : vector<256xf32>
    %reduce_max3A_394 = vector.multi_reduction <maximumf>, %select_n3A_392, %reduce_max3A_393 [0] : vector<2000x256xf32> to vector<256xf32>
    %max3A_395 = arith.maximumf %get3A_389, %reduce_max3A_394 : vector<256xf32>
    %swap3A_396 = arith.constant 7 : index
    %swap3A_397 = arith.constant 0 : index
    %swap3A_398 = vector.load %arg10[%swap3A_396, %swap3A_397] : memref<8x256xf32, #tpu.memory_space<vmem>>, vector<1x256xf32>
    %swap3A_399 = vector.shape_cast %swap3A_398 : vector<1x256xf32> to vector<256xf32>
    %swap3A_400 = vector.shape_cast %max3A_395 : vector<256xf32> to vector<1x256xf32>
    tpu.vector_store %arg10[%swap3A_396, %swap3A_397], %swap3A_400 {strides = array<i32>} : memref<8x256xf32, #tpu.memory_space<vmem>>, vector<1x256xf32>,
    %eq3A_401 = arith.constant 4 : i32
    %eq3A_402 = arith.cmpi eq, %arg0, %eq3A_401 : i32
    %convert_element_type3A_403 = arith.extui %eq3A_402 : i1 to i32
    %cond3A_404 = arith.constant 0 : i32
    %cond3A_405 = arith.cmpi ne, %convert_element_type3A_403, %cond3A_404 : i32
    scf.if %cond3A_405 {
      %get3A_406 = arith.constant 1 : index
      %get3A_407 = memref.load %arg4[%get3A_406] : memref<9xi32, #tpu.memory_space<smem>>
      %get3A_408 = arith.constant 0 : index
      %get3A_409 = memref.load %arg4[%get3A_408] : memref<9xi32, #tpu.memory_space<smem>>
      %sub3A_410 = arith.subi %get3A_407, %get3A_409 : i32
      %convert_element_type3A_411 = arith.sitofp %sub3A_410 : i32 to f32
      %get3A_412 = arith.constant 0 : index
      %get3A_413 = arith.constant 0 : index
      %get3A_414 = vector.load %arg9[%get3A_412, %get3A_413] : memref<8x256xf32, #tpu.memory_space<vmem>>, vector<1x256xf32>
      %get3A_415 = vector.shape_cast %get3A_414 : vector<1x256xf32> to vector<256xf32>
      %max3A_416 = arith.constant 1.000000e+00 : f32
      %max3A_417 = arith.maximumf %convert_element_type3A_411, %max3A_416 : f32
      %div3A_418 = vector.broadcast %max3A_417 : f32 to vector<256xf32>
      %div3A_419 = arith.divf %get3A_415, %div3A_418 : vector<256xf32>
      %get3A_420 = arith.constant 0 : index
      %get3A_421 = arith.constant 0 : index
      %get3A_422 = vector.load %arg10[%get3A_420, %get3A_421] : memref<8x256xf32, #tpu.memory_space<vmem>>, vector<1x256xf32>
      %get3A_423 = vector.shape_cast %get3A_422 : vector<1x256xf32> to vector<256xf32>
      %add3A_424 = arith.addf %div3A_419, %get3A_423 : vector<256xf32>
      %swap3A_425 = arith.constant 0 : index
      %swap3A_426 = arith.constant 0 : index
      %swap3A_427 = vector.load %arg8[%swap3A_425, %swap3A_426] : memref<8x256xf32, #tpu.memory_space<vmem>>, vector<1x256xf32>
      %swap3A_428 = vector.shape_cast %swap3A_427 : vector<1x256xf32> to vector<256xf32>
      %swap3A_429 = vector.shape_cast %add3A_424 : vector<256xf32> to vector<1x256xf32>
      tpu.vector_store %arg8[%swap3A_425, %swap3A_426], %swap3A_429 {strides = array<i32>} : memref<8x256xf32, #tpu.memory_space<vmem>>, vector<1x256xf32>,
      %get3A_430 = arith.constant 2 : index
      %get3A_431 = memref.load %arg4[%get3A_430] : memref<9xi32, #tpu.memory_space<smem>>
      %get3A_432 = arith.constant 1 : index
      %get3A_433 = memref.load %arg4[%get3A_432] : memref<9xi32, #tpu.memory_space<smem>>
      %sub3A_434 = arith.subi %get3A_431, %get3A_433 : i32
      %convert_element_type3A_435 = arith.sitofp %sub3A_434 : i32 to f32
      %get3A_436 = arith.constant 1 : index
      %get3A_437 = arith.constant 0 : index
      %get3A_438 = vector.load %arg9[%get3A_436, %get3A_437] : memref<8x256xf32, #tpu.memory_space<vmem>>, vector<1x256xf32>
      %get3A_439 = vector.shape_cast %get3A_438 : vector<1x256xf32> to vector<256xf32>
      %max3A_440 = arith.constant 1.000000e+00 : f32
      %max3A_441 = arith.maximumf %convert_element_type3A_435, %max3A_440 : f32
      %div3A_442 = vector.broadcast %max3A_441 : f32 to vector<256xf32>
      %div3A_443 = arith.divf %get3A_439, %div3A_442 : vector<256xf32>
      %get3A_444 = arith.constant 1 : index
      %get3A_445 = arith.constant 0 : index
      %get3A_446 = vector.load %arg10[%get3A_444, %get3A_445] : memref<8x256xf32, #tpu.memory_space<vmem>>, vector<1x256xf32>
      %get3A_447 = vector.shape_cast %get3A_446 : vector<1x256xf32> to vector<256xf32>
      %add3A_448 = arith.addf %div3A_443, %get3A_447 : vector<256xf32>
      %swap3A_449 = arith.constant 1 : index
      %swap3A_450 = arith.constant 0 : index
      %swap3A_451 = vector.load %arg8[%swap3A_449, %swap3A_450] : memref<8x256xf32, #tpu.memory_space<vmem>>, vector<1x256xf32>
      %swap3A_452 = vector.shape_cast %swap3A_451 : vector<1x256xf32> to vector<256xf32>
      %swap3A_453 = vector.shape_cast %add3A_448 : vector<256xf32> to vector<1x256xf32>
      tpu.vector_store %arg8[%swap3A_449, %swap3A_450], %swap3A_453 {strides = array<i32>} : memref<8x256xf32, #tpu.memory_space<vmem>>, vector<1x256xf32>,
      %get3A_454 = arith.constant 3 : index
      %get3A_455 = memref.load %arg4[%get3A_454] : memref<9xi32, #tpu.memory_space<smem>>
      %get3A_456 = arith.constant 2 : index
      %get3A_457 = memref.load %arg4[%get3A_456] : memref<9xi32, #tpu.memory_space<smem>>
      %sub3A_458 = arith.subi %get3A_455, %get3A_457 : i32
      %convert_element_type3A_459 = arith.sitofp %sub3A_458 : i32 to f32
      %get3A_460 = arith.constant 2 : index
      %get3A_461 = arith.constant 0 : index
      %get3A_462 = vector.load %arg9[%get3A_460, %get3A_461] : memref<8x256xf32, #tpu.memory_space<vmem>>, vector<1x256xf32>
      %get3A_463 = vector.shape_cast %get3A_462 : vector<1x256xf32> to vector<256xf32>
      %max3A_464 = arith.constant 1.000000e+00 : f32
      %max3A_465 = arith.maximumf %convert_element_type3A_459, %max3A_464 : f32
      %div3A_466 = vector.broadcast %max3A_465 : f32 to vector<256xf32>
      %div3A_467 = arith.divf %get3A_463, %div3A_466 : vector<256xf32>
      %get3A_468 = arith.constant 2 : index
      %get3A_469 = arith.constant 0 : index
      %get3A_470 = vector.load %arg10[%get3A_468, %get3A_469] : memref<8x256xf32, #tpu.memory_space<vmem>>, vector<1x256xf32>
      %get3A_471 = vector.shape_cast %get3A_470 : vector<1x256xf32> to vector<256xf32>
      %add3A_472 = arith.addf %div3A_467, %get3A_471 : vector<256xf32>
      %swap3A_473 = arith.constant 2 : index
      %swap3A_474 = arith.constant 0 : index
      %swap3A_475 = vector.load %arg8[%swap3A_473, %swap3A_474] : memref<8x256xf32, #tpu.memory_space<vmem>>, vector<1x256xf32>
      %swap3A_476 = vector.shape_cast %swap3A_475 : vector<1x256xf32> to vector<256xf32>
      %swap3A_477 = vector.shape_cast %add3A_472 : vector<256xf32> to vector<1x256xf32>
      tpu.vector_store %arg8[%swap3A_473, %swap3A_474], %swap3A_477 {strides = array<i32>} : memref<8x256xf32, #tpu.memory_space<vmem>>, vector<1x256xf32>,
      %get3A_478 = arith.constant 4 : index
      %get3A_479 = memref.load %arg4[%get3A_478] : memref<9xi32, #tpu.memory_space<smem>>
      %get3A_480 = arith.constant 3 : index
      %get3A_481 = memref.load %arg4[%get3A_480] : memref<9xi32, #tpu.memory_space<smem>>
      %sub3A_482 = arith.subi %get3A_479, %get3A_481 : i32
      %convert_element_type3A_483 = arith.sitofp %sub3A_482 : i32 to f32
      %get3A_484 = arith.constant 3 : index
      %get3A_485 = arith.constant 0 : index
      %get3A_486 = vector.load %arg9[%get3A_484, %get3A_485] : memref<8x256xf32, #tpu.memory_space<vmem>>, vector<1x256xf32>
      %get3A_487 = vector.shape_cast %get3A_486 : vector<1x256xf32> to vector<256xf32>
      %max3A_488 = arith.constant 1.000000e+00 : f32
      %max3A_489 = arith.maximumf %convert_element_type3A_483, %max3A_488 : f32
      %div3A_490 = vector.broadcast %max3A_489 : f32 to vector<256xf32>
      %div3A_491 = arith.divf %get3A_487, %div3A_490 : vector<256xf32>
      %get3A_492 = arith.constant 3 : index
      %get3A_493 = arith.constant 0 : index
      %get3A_494 = vector.load %arg10[%get3A_492, %get3A_493] : memref<8x256xf32, #tpu.memory_space<vmem>>, vector<1x256xf32>
      %get3A_495 = vector.shape_cast %get3A_494 : vector<1x256xf32> to vector<256xf32>
      %add3A_496 = arith.addf %div3A_491, %get3A_495 : vector<256xf32>
      %swap3A_497 = arith.constant 3 : index
      %swap3A_498 = arith.constant 0 : index
      %swap3A_499 = vector.load %arg8[%swap3A_497, %swap3A_498] : memref<8x256xf32, #tpu.memory_space<vmem>>, vector<1x256xf32>
      %swap3A_500 = vector.shape_cast %swap3A_499 : vector<1x256xf32> to vector<256xf32>
      %swap3A_501 = vector.shape_cast %add3A_496 : vector<256xf32> to vector<1x256xf32>
      tpu.vector_store %arg8[%swap3A_497, %swap3A_498], %swap3A_501 {strides = array<i32>} : memref<8x256xf32, #tpu.memory_space<vmem>>, vector<1x256xf32>,
      %get3A_502 = arith.constant 5 : index
      %get3A_503 = memref.load %arg4[%get3A_502] : memref<9xi32, #tpu.memory_space<smem>>
      %get3A_504 = arith.constant 4 : index
      %get3A_505 = memref.load %arg4[%get3A_504] : memref<9xi32, #tpu.memory_space<smem>>
      %sub3A_506 = arith.subi %get3A_503, %get3A_505 : i32
      %convert_element_type3A_507 = arith.sitofp %sub3A_506 : i32 to f32
      %get3A_508 = arith.constant 4 : index
      %get3A_509 = arith.constant 0 : index
      %get3A_510 = vector.load %arg9[%get3A_508, %get3A_509] : memref<8x256xf32, #tpu.memory_space<vmem>>, vector<1x256xf32>
      %get3A_511 = vector.shape_cast %get3A_510 : vector<1x256xf32> to vector<256xf32>
      %max3A_512 = arith.constant 1.000000e+00 : f32
      %max3A_513 = arith.maximumf %convert_element_type3A_507, %max3A_512 : f32
      %div3A_514 = vector.broadcast %max3A_513 : f32 to vector<256xf32>
      %div3A_515 = arith.divf %get3A_511, %div3A_514 : vector<256xf32>
      %get3A_516 = arith.constant 4 : index
      %get3A_517 = arith.constant 0 : index
      %get3A_518 = vector.load %arg10[%get3A_516, %get3A_517] : memref<8x256xf32, #tpu.memory_space<vmem>>, vector<1x256xf32>
      %get3A_519 = vector.shape_cast %get3A_518 : vector<1x256xf32> to vector<256xf32>
      %add3A_520 = arith.addf %div3A_515, %get3A_519 : vector<256xf32>
      %swap3A_521 = arith.constant 4 : index
      %swap3A_522 = arith.constant 0 : index
      %swap3A_523 = vector.load %arg8[%swap3A_521, %swap3A_522] : memref<8x256xf32, #tpu.memory_space<vmem>>, vector<1x256xf32>
      %swap3A_524 = vector.shape_cast %swap3A_523 : vector<1x256xf32> to vector<256xf32>
      %swap3A_525 = vector.shape_cast %add3A_520 : vector<256xf32> to vector<1x256xf32>
      tpu.vector_store %arg8[%swap3A_521, %swap3A_522], %swap3A_525 {strides = array<i32>} : memref<8x256xf32, #tpu.memory_space<vmem>>, vector<1x256xf32>,
      %get3A_526 = arith.constant 6 : index
      %get3A_527 = memref.load %arg4[%get3A_526] : memref<9xi32, #tpu.memory_space<smem>>
      %get3A_528 = arith.constant 5 : index
      %get3A_529 = memref.load %arg4[%get3A_528] : memref<9xi32, #tpu.memory_space<smem>>
      %sub3A_530 = arith.subi %get3A_527, %get3A_529 : i32
      %convert_element_type3A_531 = arith.sitofp %sub3A_530 : i32 to f32
      %get3A_532 = arith.constant 5 : index
      %get3A_533 = arith.constant 0 : index
      %get3A_534 = vector.load %arg9[%get3A_532, %get3A_533] : memref<8x256xf32, #tpu.memory_space<vmem>>, vector<1x256xf32>
      %get3A_535 = vector.shape_cast %get3A_534 : vector<1x256xf32> to vector<256xf32>
      %max3A_536 = arith.constant 1.000000e+00 : f32
      %max3A_537 = arith.maximumf %convert_element_type3A_531, %max3A_536 : f32
      %div3A_538 = vector.broadcast %max3A_537 : f32 to vector<256xf32>
      %div3A_539 = arith.divf %get3A_535, %div3A_538 : vector<256xf32>
      %get3A_540 = arith.constant 5 : index
      %get3A_541 = arith.constant 0 : index
      %get3A_542 = vector.load %arg10[%get3A_540, %get3A_541] : memref<8x256xf32, #tpu.memory_space<vmem>>, vector<1x256xf32>
      %get3A_543 = vector.shape_cast %get3A_542 : vector<1x256xf32> to vector<256xf32>
      %add3A_544 = arith.addf %div3A_539, %get3A_543 : vector<256xf32>
      %swap3A_545 = arith.constant 5 : index
      %swap3A_546 = arith.constant 0 : index
      %swap3A_547 = vector.load %arg8[%swap3A_545, %swap3A_546] : memref<8x256xf32, #tpu.memory_space<vmem>>, vector<1x256xf32>
      %swap3A_548 = vector.shape_cast %swap3A_547 : vector<1x256xf32> to vector<256xf32>
      %swap3A_549 = vector.shape_cast %add3A_544 : vector<256xf32> to vector<1x256xf32>
      tpu.vector_store %arg8[%swap3A_545, %swap3A_546], %swap3A_549 {strides = array<i32>} : memref<8x256xf32, #tpu.memory_space<vmem>>, vector<1x256xf32>,
      %get3A_550 = arith.constant 7 : index
      %get3A_551 = memref.load %arg4[%get3A_550] : memref<9xi32, #tpu.memory_space<smem>>
      %get3A_552 = arith.constant 6 : index
      %get3A_553 = memref.load %arg4[%get3A_552] : memref<9xi32, #tpu.memory_space<smem>>
      %sub3A_554 = arith.subi %get3A_551, %get3A_553 : i32
      %convert_element_type3A_555 = arith.sitofp %sub3A_554 : i32 to f32
      %get3A_556 = arith.constant 6 : index
      %get3A_557 = arith.constant 0 : index
      %get3A_558 = vector.load %arg9[%get3A_556, %get3A_557] : memref<8x256xf32, #tpu.memory_space<vmem>>, vector<1x256xf32>
      %get3A_559 = vector.shape_cast %get3A_558 : vector<1x256xf32> to vector<256xf32>
      %max3A_560 = arith.constant 1.000000e+00 : f32
      %max3A_561 = arith.maximumf %convert_element_type3A_555, %max3A_560 : f32
      %div3A_562 = vector.broadcast %max3A_561 : f32 to vector<256xf32>
      %div3A_563 = arith.divf %get3A_559, %div3A_562 : vector<256xf32>
      %get3A_564 = arith.constant 6 : index
      %get3A_565 = arith.constant 0 : index
      %get3A_566 = vector.load %arg10[%get3A_564, %get3A_565] : memref<8x256xf32, #tpu.memory_space<vmem>>, vector<1x256xf32>
      %get3A_567 = vector.shape_cast %get3A_566 : vector<1x256xf32> to vector<256xf32>
      %add3A_568 = arith.addf %div3A_563, %get3A_567 : vector<256xf32>
      %swap3A_569 = arith.constant 6 : index
      %swap3A_570 = arith.constant 0 : index
      %swap3A_571 = vector.load %arg8[%swap3A_569, %swap3A_570] : memref<8x256xf32, #tpu.memory_space<vmem>>, vector<1x256xf32>
      %swap3A_572 = vector.shape_cast %swap3A_571 : vector<1x256xf32> to vector<256xf32>
      %swap3A_573 = vector.shape_cast %add3A_568 : vector<256xf32> to vector<1x256xf32>
      tpu.vector_store %arg8[%swap3A_569, %swap3A_570], %swap3A_573 {strides = array<i32>} : memref<8x256xf32, #tpu.memory_space<vmem>>, vector<1x256xf32>,
      %get3A_574 = arith.constant 8 : index
      %get3A_575 = memref.load %arg4[%get3A_574] : memref<9xi32, #tpu.memory_space<smem>>
      %get3A_576 = arith.constant 7 : index
      %get3A_577 = memref.load %arg4[%get3A_576] : memref<9xi32, #tpu.memory_space<smem>>
      %sub3A_578 = arith.subi %get3A_575, %get3A_577 : i32
      %convert_element_type3A_579 = arith.sitofp %sub3A_578 : i32 to f32
      %get3A_580 = arith.constant 7 : index
      %get3A_581 = arith.constant 0 : index
      %get3A_582 = vector.load %arg9[%get3A_580, %get3A_581] : memref<8x256xf32, #tpu.memory_space<vmem>>, vector<1x256xf32>
      %get3A_583 = vector.shape_cast %get3A_582 : vector<1x256xf32> to vector<256xf32>
      %max3A_584 = arith.constant 1.000000e+00 : f32
      %max3A_585 = arith.maximumf %convert_element_type3A_579, %max3A_584 : f32
      %div3A_586 = vector.broadcast %max3A_585 : f32 to vector<256xf32>
      %div3A_587 = arith.divf %get3A_583, %div3A_586 : vector<256xf32>
      %get3A_588 = arith.constant 7 : index
      %get3A_589 = arith.constant 0 : index
      %get3A_590 = vector.load %arg10[%get3A_588, %get3A_589] : memref<8x256xf32, #tpu.memory_space<vmem>>, vector<1x256xf32>
      %get3A_591 = vector.shape_cast %get3A_590 : vector<1x256xf32> to vector<256xf32>
      %add3A_592 = arith.addf %div3A_587, %get3A_591 : vector<256xf32>
      %swap3A_593 = arith.constant 7 : index
      %swap3A_594 = arith.constant 0 : index
      %swap3A_595 = vector.load %arg8[%swap3A_593, %swap3A_594] : memref<8x256xf32, #tpu.memory_space<vmem>>, vector<1x256xf32>
      %swap3A_596 = vector.shape_cast %swap3A_595 : vector<1x256xf32> to vector<256xf32>
      %swap3A_597 = vector.shape_cast %add3A_592 : vector<256xf32> to vector<1x256xf32>
      tpu.vector_store %arg8[%swap3A_593, %swap3A_594], %swap3A_597 {strides = array<i32>} : memref<8x256xf32, #tpu.memory_space<vmem>>, vector<1x256xf32>,
    } else {
    }
    return
  }
  func.func @transform_0(%arg0: i32) -> (i32, i32, i32) {
    %c0_i32 = arith.constant 0 : i32
    %c0_i32_0 = arith.constant 0 : i32
    %c0_i32_1 = arith.constant 0 : i32
    return %c0_i32, %arg0, %c0_i32_0 : i32, i32, i32
  }
  func.func @transform_1(%arg0: i32) -> (i32, i32, i32) {
    %c0_i32 = arith.constant 0 : i32
    %c0_i32_0 = arith.constant 0 : i32
    %c0_i32_1 = arith.constant 0 : i32
    return %c0_i32, %arg0, %c0_i32_0 : i32, i32, i32
  }
  func.func @transform_2(%arg0: i32) -> (i32, i32) {
    %c0_i32 = arith.constant 0 : i32
    %c0_i32_0 = arith.constant 0 : i32
    return %arg0, %c0_i32 : i32, i32
  }
  func.func @transform_3(%arg0: i32) -> i32 {
    %c0_i32 = arith.constant 0 : i32
    %c0_i32_0 = arith.constant 0 : i32
    return %c0_i32 : i32
  }
  func.func @transform_4(%arg0: i32) -> (i32, i32) {
    %c0_i32 = arith.constant 0 : i32
    %c0_i32_0 = arith.constant 0 : i32
    %c0_i32_1 = arith.constant 0 : i32
    return %c0_i32, %c0_i32_0 : i32, i32
  }
  func.func @transform_5(%arg0: i32) -> (i32, i32) {
    %c0_i32 = arith.constant 0 : i32
    %c0_i32_0 = arith.constant 0 : i32
    %c0_i32_1 = arith.constant 0 : i32
    return %c0_i32, %c0_i32_0 : i32, i32
  }
  func.func @transform_6(%arg0: i32) -> (i32, i32) {
    %c0_i32 = arith.constant 0 : i32
    %c0_i32_0 = arith.constant 0 : i32
    %c0_i32_1 = arith.constant 0 : i32
    return %c0_i32, %c0_i32_0 : i32, i32
  }
  func.func @transform_7(%arg0: i32) -> (i32, i32) {
    %c0_i32 = arith.constant 0 : i32
    %c0_i32_0 = arith.constant 0 : i32
    %c0_i32_1 = arith.constant 0 : i32
    return %c0_i32, %c0_i32_0 : i32, i32
  }
}

</mosaic_0001>

<sc_bundles>
// kernel: kernel.11.cloned.1.call-start
scs
__scs_entry_jumppad:
0x0: {  	(pc) =	sbr.rel $0x88, $3  }
0x1: {  	(tag) =	ssettag $0x0;
	lr =	simm.s32 $0x1  }
0x2: {  	[smem:$0x3F94] =	sst lr;
	_ =	strace $0xD0000000  }
0x3: {  	_ = 	snop  }
0x4: {  	_ = 	snop  }
0x5: {  	_ = 	snop  }
0x6: {  	_ = 	snop  }
0x7: {  	_ = 	snop  }
__scs_overlays_trampoline_lowered:
0x8: {  	[smem:$0x3FA3] =	sst s0  }
0x9: {  	[smem:$0x3FA4] =	sst s1  }
0xa: {  	[smem:$0x3FA5] =	sst s2  }
0xb: {  	[smem:$0x3FA6] =	sst s3  }
0xc: {  	[smem:$0x3FA7] =	sst s4  }
0xd: {  	[smem:$0x3FA8] =	sst s5  }
0xe: {  	[smem:$0x3FA9] =	sst s6  }
0xf: {  	[smem:$0x3FAA] =	sst s7  }
0x10: {  	[smem:$0x3FAB] =	sst s8  }
0x11: {  	[smem:$0x3FAC] =	sst s9;
	s0 =	simm.s32 @!p0 $0x0  }
0x12: {  	s1 =	sld [smem:$0x3F92];
	s0 =	simm.s32 @p0 $0x1  }
0x13: {  	[smem:$0x3FAD] =	sst s0;
	s0 =	simm.s32 @!p1 $0x0  }
0x14: {  	s2 =	sld [smem:$0x3F91];
	s0 =	simm.s32 @p1 $0x1  }
0x15: {  	[smem:$0x3FAE] =	sst s0;
	s0 =	simm.s32 @!p2 $0x0  }
0x16: {  	s3 =	sld [smem:$0x3FDB];
	s0 =	simm.s32 @p2 $0x1  }
0x17: {  	s4 =	simm.s32 $0x1BF5;
	[smem:$0x3FB0] =	sst s0  }
0x18: {  	s0 =	sld [smem:$0x3F93];
	_ =	swait.ge [sflag:s4], $0x0  }
0x19: {  	s7 =	sld [smem:$0x3F94]  }
0x1a: {  	s8 =	sadd.s32 $0xFFFFE003, lr  }
0x1b: {  	s9 =	sadd.s32 $0xFFFFFEF7, lr;
	s5 =	simm.s32 $0xFFFFFFFF;
	p2 =	slt.u32 s8, $0xFFFFF086  }
0x1c: {  	p1 =	slt.u32 s9, $0xF7A;
	s5 =	simm.s32 @!p2 $0x0  }
0x1d: {  	s5 =	simm.s32 @p1 $0x1;
	p0 =	seq.s32 s7, s2  }
0x1e: {  	s7 =	smul.u32 @!p0 $0xF7A, s2;
	p2 =	seq.s32 @!p0 s5, $0x0  }
0x1f: {  	s9 =	smul.u32 $0xF7A, s1;
	s8 =	simm.s32 @!p0 $0x1BF5;
	p2 =	por !p2, p0  }
0x20: {  	[sflag:s8] =	ssyncset.s32 @!p0 $0xFFFFF086;
	s6 =	sadd.s32 @!p0 s3, s7;
	s7 =	simm.s32 @!p0 $0x108  }
0x21: {  	s3 =	sadd.s32 s3, s9;
	s6 =	sadd.s32 @!p0 $0x88, s6;
	s7 =	simm.s32 @p2 $0x1082  }
0x22: {  	[simem:s7], [sflag:s8] =	dma.local @!p0 [hbm:s6], $0xF7A  }
0x23: {  	s9 =	sor.u32 $0xD0000000, s2;
	s6 =	simm.s32 $0x108;
	_ =	swait.ge @!p0 [sflag:s8], $0x0  }
0x24: {  	s3 =	sadd.s32 $0x88, s3;
	s6 =	simm.s32 @!p1 $0x1082;
	[sflag:s4] =	ssyncset.s32 $0xFFFFF086  }
0x25: {  	[simem:s6], [sflag:s4] =	dma.local [hbm:s3], $0xF7A  }
0x26: {  	[smem:$0x3F94] =	sst s1;
	(tag) =	ssettag s2;
	_ =	strace s9  }
0x27: {  	s1 =	sld [smem:$0x3FA4]  }
0x28: {  	s2 =	sld [smem:$0x3FA5]  }
0x29: {  	s4 =	sld [smem:$0x3FA7]  }
0x2a: {  	p0 =	seq.s32 s5, $0x0;
	s5 =	sld [smem:$0x3FA8]  }
0x2b: {  	s6 =	sld [smem:$0x3FA9]  }
0x2c: {  	s7 =	sld [smem:$0x3FAA]  }
0x2d: {  	s3 =	simm.s32 $0x108;
	s8 =	sld [smem:$0x3FAB]  }
0x2e: {  	s3 =	simm.s32 @!p0 $0x1082;
	s9 =	sld [smem:$0x3FAC]  }
0x2f: {  	lr =	sadd.s32 s0, s3;
	s0 =	sld [smem:$0x3FA3]  }
0x30: {  	s3 =	sld [smem:$0x3FA6]  }
0x31: {  	[smem:$0x3FAF] =	sst s10  }
0x32: {  	s10 =	sld [smem:$0x3FAD];
	_ =	sdelay $0x3  }
0x33: {  	p0 =	seq.s32 s10, $0x1;
	s10 =	sld [smem:$0x3FAF];
	_ =	sdelay $0x3  }
0x34: {  	[smem:$0x3FAF] =	sst s10  }
0x35: {  	s10 =	sld [smem:$0x3FAE];
	_ =	sdelay $0x3  }
0x36: {  	p1 =	seq.s32 s10, $0x1;
	s10 =	sld [smem:$0x3FAF];
	_ =	sdelay $0x3  }
0x37: {  	[smem:$0x3FAF] =	sst s10  }
0x38: {  	s10 =	sld [smem:$0x3FB0]  }
0x39: {  	_ = 	snop;
	(pc) =	sbr.ind lr, $3  }
0x3a: {  	_ = 	snop  }
0x3b: {  	_ = 	snop  }
0x3c: {  	p2 =	seq.s32 s10, $0x1;
	s10 =	sld [smem:$0x3FAF]  }
0x3d: {  	_ =	shalt  }
0x3e: {  	_ =	shalt  }
0x3f: {  	_ =	shalt  }
0x40: {  	_ =	shalt  }
0x41: {  	_ =	shalt  }
0x42: {  	_ =	shalt  }
0x43: {  	_ =	shalt  }
0x44: {  	_ =	shalt  }
0x45: {  	_ =	shalt  }
0x46: {  	_ =	shalt  }
0x47: {  	_ =	shalt  }
0x48: {  	_ =	shalt  }
0x49: {  	_ =	shalt  }
0x4a: {  	_ =	shalt  }
0x4b: {  	_ =	shalt  }
0x4c: {  	_ =	shalt  }
0x4d: {  	_ =	shalt  }
0x4e: {  	_ =	shalt  }
0x4f: {  	_ =	shalt  }
0x50: {  	_ =	shalt  }
0x51: {  	_ =	shalt  }
0x52: {  	_ =	shalt  }
0x53: {  	_ =	shalt  }
0x54: {  	_ =	shalt  }
0x55: {  	_ =	shalt  }
0x56: {  	_ =	shalt  }
0x57: {  	_ =	shalt  }
0x58: {  	_ =	shalt  }
0x59: {  	_ =	shalt  }
0x5a: {  	_ =	shalt  }
0x5b: {  	_ =	shalt  }
0x5c: {  	_ =	shalt  }
0x5d: {  	_ =	shalt  }
0x5e: {  	_ =	shalt  }
0x5f: {  	_ =	shalt  }
0x60: {  	_ =	shalt  }
0x61: {  	_ =	shalt  }
0x62: {  	_ =	shalt  }
0x63: {  	_ =	shalt  }
0x64: {  	_ =	shalt  }
0x65: {  	_ =	shalt  }
0x66: {  	_ =	shalt  }
0x67: {  	_ =	shalt  }
0x68: {  	_ =	shalt  }
0x69: {  	_ =	shalt  }
0x6a: {  	_ =	shalt  }
0x6b: {  	_ =	shalt  }
0x6c: {  	_ =	shalt  }
0x6d: {  	_ =	shalt  }
0x6e: {  	_ =	shalt  }
0x6f: {  	_ =	shalt  }
0x70: {  	_ =	shalt  }
0x71: {  	_ =	shalt  }
0x72: {  	_ =	shalt  }
0x73: {  	_ =	shalt  }
0x74: {  	_ =	shalt  }
0x75: {  	_ =	shalt  }
0x76: {  	_ =	shalt  }
0x77: {  	_ =	shalt  }
0x78: {  	_ =	shalt  }
0x79: {  	_ =	shalt  }
0x7a: {  	_ =	shalt  }
0x7b: {  	_ =	shalt  }
0x7c: {  	_ =	shalt  }
0x7d: {  	_ =	shalt  }
0x7e: {  	_ =	shalt  }
0x7f: {  	_ =	shalt  }
0x80: {  	_ =	shalt  }
0x81: {  	_ =	shalt  }
0x82: {  	_ =	shalt  }
0x83: {  	_ =	shalt  }
0x84: {  	_ =	shalt  }
0x85: {  	_ =	shalt  }
0x86: {  	_ =	shalt  }
0x87: {  	_ =	shalt  }
.Lfunc_end0:
.L_simem_size_0:
called_computation.1_lowered:
.L_overlay_start_0:
0x88: {  	s2 =	sld [smem:$0x3FD9]  }
0x89: {  	s3 =	sld [smem:$0x3FFE];
	_ =	sdelay $0x1  }
0x8a: {  	s1 =	srdreg.scid  }
0x8b: {  	s0 =	sand.u32 $0x1, s1  }
0x8c: {  	s16 =	sshll.u32 s0, $0xA;
	s2 =	sadd.s32 s3, s2  }
0x8d: {  	s2 =	sadd.s32 s2, s16  }
0x8e: {  	[smem:$0x3FBB] =	sst s2  }
0x8f: {  	_ = 	snop  }
0x90: {  	(tm) =	ssettm $0x1  }
0x91: {  	s17 =	sld [smem:$0x3FFB];
	_ =	sdelay $0x3  }
0x92: {  	_ =	strace s17  }
0x93: {  	s2 =	sld [smem:$0x3FFC];
	_ =	sdelay $0x3  }
0x94: {  	_ =	strace s2  }
0x95: {  	s2 =	sld [smem:$0x3FFD];
	_ =	sdelay $0x3  }
0x96: {  	_ =	strace s2  }
0x97: {  	_ =	strace $0x8FFFFFFF  }
0x98: {  	s18 =	sld [smem:$0x3FDB];
	_ =	sdelay $0x1  }
0x99: {  	s19 =	simm.s32 $_scs_section_size  }
0x9a: {  	s4 =	simm.s32 $_size__tile_overlayer_lowered;
	s5 =	simm.s32 $_tile_overlayer_lowered  }
0x9b: {  	s22 =	simm.s32 $0x1BFF;
	s21 =	sshll.u32 s5, $0x1;
	s2 =	sadd.s32 s19, s18  }
0x9c: {  	s6 =	simm.s32 $0x0;
	s20 =	sshll.u32 s4, $0x1;
	s4 =	sadd.s32 s21, s2  }
0x9d: {  	[timem:s6], [sflag:s22] =	dma.local [hbm:s4], s20  }
0x9e: {  	_ =	swait.ge [sflag:s22], s20  }
0x9f: {  	s3 =	ssub.s32 $0x0, s20;
	[sflag:s22] =	ssyncset.done $0x0  }
0xa0: {  	[sflag:s22] =	ssyncadd.s32 s3;
	_ =	sdelay $0x1  }
0xa1: {  	s23 =	simm.s32 $0x1B8B  }
0xa2: {  	_ =	swait.ge [sflag:s23], $0x1  }
0xa3: {  	[sflag:s23] =	ssyncset.done $0x0  }
0xa4: {  	s25 =	simm.s32 $0x1B8E;
	s24 =	sld [smem:$0x3FFE];
	[sflag:s23] =	ssyncadd.s32 $0xFFFFFFFF  }
0xa5: {  	s26 =	simm.s32 $execute0_lowered;
	[smem:$0x3FD2] =	sst s25  }
0xa6: {  	s4 =	sshll.u32 s26, $0x1;
	_ =	strace $0x80000049;
	[dreg:$0x1] =	wrdreg $0xFFFFFFFF  }
0xa7: {  	s28 =	simm.s32 $_size_execute0_lowered;
	s2 =	sadd.s32 s2, s4;
	[dreg:$0x0] =	wrdreg $0x0  }
0xa8: {  	s4 =	sshll.u32 s28, $0x1;
	[dreg:$0x2] =	wrdreg s2  }
0xa9: {  	[dreg:$0x3] =	wrdreg s4  }
0xaa: {  	[dreg:$0x4] =	wrdreg $0xC0  }
0xab: {  	_ =	task [dreg:s6], $0x5FFFF  }
0xac: {  	[dreg:$0x1] =	wrdreg $0xFFFFFFFF  }
0xad: {  	[dreg:$0x0] =	wrdreg $0x60  }
0xae: {  	[dreg:$0x2] =	wrdreg s24  }
0xaf: {  	[dreg:$0x3] =	wrdreg $0x0  }
0xb0: {  	[dreg:$0x4] =	wrdreg $0x9  }
0xb1: {  	_ =	task.clear_ibuf [dreg:s6], $0x5FFFF;
	_ =	strace $0x90000049  }
0xb2: {  	s29 =	simm.s32 $0x9;
	_ =	strace $0x8000004B  }
0xb3: {  	_ =	swait.ge [sflag:s29], $0x1  }
0xb4: {  	[sflag:s29] =	ssyncadd.s32 $0xFFFFFFFF  }
0xb5: {  	_ =	strace $0x9000004B  }
0xb6: {  	_ =	sfence  }
0xb7: {  	s30 =	sld [smem:$0x0];
	_ =	sdelay $0x2  }
0xb8: {  	s31 =	sshll.u32 s1, $0xD;
	s1 =	sshrl.u32 s1, $0x2  }
0xb9: {  	s3 =	sand.u32 $0x4000, s31;
	s1 =	sadd.s32 s1, s30  }
0xba: {  	s0 =	sor.u32 s3, s0;
	s1 =	sshll.u32 s1, $0x11  }
0xbb: {  	s0 =	sor.u32 s1, s0  }
0xbc: {  	s0 =	sadd.s32 $0x8F2B, s0  }
0xbd: {  	[sflag:s0] =	ssyncadd.remote.s32 $0x1  }
0xbe: {  	_ =	sfence.sel $0xFFFF  }
0xbf: {  	[dreg:$0x0] =	wrdreg $0xFFFFFFFF;
	(pc) =	sbr.abs _section_cstart, $3  }
0xc0: {  	[dreg:$0x1] =	wrdreg $0xFFFFFFFF  }
0xc1: {  	_ =	task.clear_ibuf [dreg:s6], $0x2FFFF;
	_ =	strace $0x9FFFFFFF  }
0xc2: {  	(tm) =	ssettm $0x7FFFFFFF  }
0xc3: {  	_ =	shalt  }
tec
execute0_lowered:
.L_overlay_start_1:
0x0: {  	(tag) =	ssettag $0x1  }
0x1: {  	s6 =	rddreg [dreg:$0x0]  }
0x2: {  	s2 =	rddreg [dreg:$0x1]  }
0x3: {  	s1 =	simm.s32 $0x0;
	s0 =	stileid.u32;
	s7 =	srdreg.scid  }
0x4: {  	s16 =	simm.s32 $0x14000;
	s17 =	simm.s32 $0x15400;
	s18 =	simm.s32 $0x80  }
0x5: {  	s19 =	simm.s32 $0x16800;
	s20 =	simm.s32 $0x1A800;
	s21 =	simm.s32 $0x1  }
0x6: {  	s22 =	simm.s32 $0x2;
	s28 =	simm.s32 $0x16780;
	s29 =	simm.s32 $0x0  }
0x7: {  	[smem:$0x7FF] =	sst s1;
	s24 =	smul.u32 $0x2800, s0;
	s4 =	sadd.s32 $0x1C000, s6  }
0x8: {  	s10 =	sadd.s32 $0x8000, s6;
	s7 =	sand.u32 $0x1, s7;
	s8 =	smul.u32 $0x50000, s0  }
0x9: {  	s9 =	sadd.s32 $0xBAC00, s6;
	s26 =	sshll.u32 s0, $0x6;
	_ =	strace $0x8000004A  }
0xa: {  	s25 =	ssub.s32 $0x2, s7;
	s7 =	smul.u32 $0x50000, s7;
	s5 =	sshrl.u32 s24, $0x3  }
0xb: {  	s11 =	sshrl.u32 s25, $0x1;
	s8 =	sshrl.u32 s8, $0x2;
	s12 =	sadd.s32 s5, s6  }
0xc: {  	s5 =	sadd.s32 $0xB8400, s6;
	s11 =	ssub.s32 s25, s11;
	s14 =	sadd.s32 s8, s2  }
0xd: {  	s6 =	sor.u32 $0x1C03, s26;
	s30 =	sadd.s32 s7, s24;
	s13 =	sadd.s32 $0x28000, s7  }
0xe: {  	s23 =	sadd.s32 s9, s7;
	s26 =	simm.s32 $0x16700;
	s15 =	sadd.s32 s13, s24  }
0xf: {  	s25 =	sadd.s32 s9, s13;
	s7 =	smax.u32 s11, $0x1;
	s8 =	sshrl.u32 s30, $0x3  }
0x10: {  	s9 =	sadd.s32 $0x2800, s12;
	s12 =	sadd.s32 $0x2A80, s12;
	s14 =	sshrl.u32 s14, $0x3  }
0x11: {  	s23 =	sadd.s32 s24, s23;
	s31 =	sshrl.u32 s15, $0x3;
	s8 =	sadd.s32 s10, s8  }
0x12: {  	s15 =	simm.s32 $0x3;
	s24 =	sadd.s32 s24, s25;
	s10 =	sadd.s32 s10, s31  }
0x13: {  	s25 =	simm.s32 $0x15380;
	s11 =	sadd.s32 $0x280, s8;
	s13 =	sadd.s32 $0x280, s10  }
.LBB2_1:
0x14: {  	[spmem:s14], [sflag:s6] =	dma.local [hbm:s5], $0x2800  }
0x15: {  	_ =	swait.ge [sflag:s15], $0x2800  }
0x16: {  	[sflag:s15] =	ssyncset.done $0x0  }
0x17: {  	[sflag:s15] =	ssyncadd.s32 $0xFFFFD800  }
0x18: {  	s0 =	simm.s32 $0x0;
	[bflag:$0x0] =	sbarrier.arrive $0xFFFF  }
0x19: {  	[tilespmem:s16], [sflag:$0x3] =	stream.linear.gather [hbm4b:s8+s0], $0x1400, $0x38;
	[tilespmem:$0x1E800] =	vst v63  }
0x1a: {  	_ =	swait.ge [sflag:s15], $0x1400  }
0x1b: {  	[sflag:s15] =	ssyncset.done $0x0  }
0x1c: {  	[sflag:s15] =	ssyncadd.s32 $0xFFFFEC00  }
0x1d: {  	[tilespmem:s17], [sflag:$0x3] =	stream.linear.gather [hbm4b:s9+s0], $0x1400, $0x38;
	[tilespmem:$0x1E800] =	vst v63  }
0x1e: {  	_ =	swait.ge [sflag:s15], $0x1400  }
0x1f: {  	[sflag:s15] =	ssyncset.done $0x0  }
0x20: {  	[sflag:s15] =	ssyncadd.s32 $0xFFFFEC00  }
0x21: {  	[tilespmem:s19], [sflag:$0x1] =	stream.indirect.gather [hbm4b:s4+s18], $0x80, s16, s18, $0xb8;
	[tilespmem:$0x1E800] =	vst v63  }
0x22: {  	s30 =	simm.s32 $0x14080  }
0x23: {  	[tilespmem:s20], [sflag:$0x2] =	stream.indirect.gather [hbm4b:s4+s18], $0x80, s30, s18, $0xb8;
	[tilespmem:$0x1E800] =	vst v63  }
0x24: {  	_ =	swait.ge [sflag:s21], $0x4000  }
0x25: {  	[sflag:s21] =	ssyncset.done $0x0  }
0x26: {  	s30 =	simm.s32 $0x15400;
	[sflag:s21] =	ssyncadd.s32 $0xFFFFC000  }
0x27: {  	[spmem:s2] =	stream.indirect.scatter.add.f32 [tilespmem:s19], [sflag:$0x3], $0x80, s30, s18, $0xb8;
	[tilespmem:$0x1E800] =	vst v63  }
0x28: {  	_ =	swait.ge [sflag:s15], $0x4000  }
0x29: {  	[sflag:s15] =	ssyncset.done $0x0  }
0x2a: {  	s30 =	simm.s32 $0x14100;
	[sflag:s15] =	ssyncadd.s32 $0xFFFFC000  }
0x2b: {  	[tilespmem:s19], [sflag:$0x1] =	stream.indirect.gather [hbm4b:s4+s18], $0x80, s30, s18, $0xb8;
	[tilespmem:$0x1E800] =	vst v63  }
0x2c: {  	_ =	swait.ge [sflag:s22], $0x4000  }
0x2d: {  	[sflag:s22] =	ssyncset.done $0x0  }
0x2e: {  	s30 =	simm.s32 $0x15480;
	[sflag:s22] =	ssyncadd.s32 $0xFFFFC000  }
0x2f: {  	[spmem:s2] =	stream.indirect.scatter.add.f32 [tilespmem:s20], [sflag:$0x3], $0x80, s30, s18, $0xb8;
	[tilespmem:$0x1E800] =	vst v63  }
0x30: {  	_ =	swait.ge [sflag:s15], $0x4000  }
0x31: {  	s31 =	simm.s32 $0x800;
	s30 =	simm.s32 $0x100;
	[sflag:s15] =	ssyncset.done $0x0  }
.LBB2_2:
0x32: {  	s0 =	sadd.s32 $0x14080, s30  }
0x33: {  	[sflag:s15] =	ssyncadd.s32 $0xFFFFC000;
	s1 =	smov.u32 s31;
	s3 =	sadd.s32 $0x400, s31  }
0x34: {  	[tilespmem:s20], [sflag:$0x2] =	stream.indirect.gather [hbm4b:s4+s18], $0x80, s0, s18, $0xb8;
	[tilespmem:$0x1E800] =	vst v63  }
0x35: {  	p0 =	sne.s32 s31, $0x4800;
	_ =	swait.ge [sflag:s21], $0x4000  }
0x36: {  	[sflag:s21] =	ssyncset.done $0x0  }
0x37: {  	s0 =	sadd.s32 $0x15400, s30;
	[sflag:s21] =	ssyncadd.s32 $0xFFFFC000  }
0x38: {  	[spmem:s2] =	stream.indirect.scatter.add.f32 [tilespmem:s19], [sflag:$0x3], $0x80, s0, s18, $0xb8;
	[tilespmem:$0x1E800] =	vst v63  }
0x39: {  	_ =	swait.ge [sflag:s15], $0x4000  }
0x3a: {  	[sflag:s15] =	ssyncset.done $0x0  }
0x3b: {  	s0 =	sadd.s32 $0x14100, s30;
	[sflag:s15] =	ssyncadd.s32 $0xFFFFC000  }
0x3c: {  	[tilespmem:s19], [sflag:$0x1] =	stream.indirect.gather [hbm4b:s4+s18], $0x80, s0, s18, $0xb8;
	[tilespmem:$0x1E800] =	vst v63  }
0x3d: {  	_ =	swait.ge [sflag:s22], $0x4000  }
.Ltmp0:
0x3e: {  	[sflag:s22] =	ssyncset.done $0x0;
	(pc) =	sbr.rel @p0 .LBB2_2-.Ltmp0, $4  }
0x3f: {  	s0 =	sadd.s32 $0x15480, s30;
	[sflag:s22] =	ssyncadd.s32 $0xFFFFC000  }
0x40: {  	[spmem:s2] =	stream.indirect.scatter.add.f32 [tilespmem:s20], [sflag:$0x3], $0x80, s0, s18, $0xb8;
	[tilespmem:$0x1E800] =	vst v63  }
0x41: {  	_ =	swait.ge [sflag:s15], $0x4000  }
0x42: {  	s31 =	smov.u32 s3;
	s30 =	sshra.s32 s1, $0x2;
	[sflag:s15] =	ssyncset.done $0x0  }
0x43: {  	s0 =	sadd.s32 $0x14080, s30;
	[sflag:s15] =	ssyncadd.s32 $0xFFFFC000  }
0x44: {  	[tilespmem:s20], [sflag:$0x2] =	stream.indirect.gather [hbm4b:s4+s18], $0x80, s0, s18, $0xb8;
	[tilespmem:$0x1E800] =	vst v63  }
0x45: {  	_ =	swait.ge [sflag:s21], $0x4000  }
0x46: {  	[sflag:s21] =	ssyncset.done $0x0  }
0x47: {  	s1 =	sadd.s32 $0x15400, s30;
	[sflag:s21] =	ssyncadd.s32 $0xFFFFC000  }
0x48: {  	[spmem:s2] =	stream.indirect.scatter.add.f32 [tilespmem:s19], [sflag:$0x3], $0x80, s1, s18, $0xb8;
	[tilespmem:$0x1E800] =	vst v63  }
0x49: {  	_ =	swait.ge [sflag:s15], $0x4000  }
0x4a: {  	[sflag:s15] =	ssyncset.done $0x0  }
0x4b: {  	s3 =	sadd.s32 $0x14100, s30;
	[sflag:s15] =	ssyncadd.s32 $0xFFFFC000  }
0x4c: {  	[tilespmem:s19], [sflag:$0x1] =	stream.indirect.gather [hbm4b:s4+s18], $0x80, s3, s18, $0xb8;
	[tilespmem:$0x1E800] =	vst v63  }
0x4d: {  	_ =	swait.ge [sflag:s22], $0x4000  }
0x4e: {  	[sflag:s22] =	ssyncset.done $0x0  }
0x4f: {  	s1 =	sadd.s32 $0x15480, s30;
	[sflag:s22] =	ssyncadd.s32 $0xFFFFC000  }
0x50: {  	[spmem:s2] =	stream.indirect.scatter.add.f32 [tilespmem:s20], [sflag:$0x3], $0x80, s1, s18, $0xb8;
	[tilespmem:$0x1E800] =	vst v63  }
0x51: {  	_ =	swait.ge [sflag:s15], $0x4000  }
0x52: {  	[sflag:s15] =	ssyncset.done $0x0  }
0x53: {  	[sflag:s15] =	ssyncadd.s32 $0xFFFFC000  }
0x54: {  	[tilespmem:s20], [sflag:$0x2] =	stream.indirect.gather [hbm4b:s4+s18], $0x80, s25, s18, $0xb8;
	[tilespmem:$0x1E800] =	vst v63  }
0x55: {  	_ =	swait.ge [sflag:s21], $0x4000  }
0x56: {  	[sflag:s21] =	ssyncset.done $0x0  }
0x57: {  	[sflag:s21] =	ssyncadd.s32 $0xFFFFC000  }
0x58: {  	[spmem:s2] =	stream.indirect.scatter.add.f32 [tilespmem:s19], [sflag:$0x3], $0x80, s26, s18, $0xb8;
	[tilespmem:$0x1E800] =	vst v63  }
0x59: {  	_ =	swait.ge [sflag:s15], $0x4000  }
0x5a: {  	[sflag:s15] =	ssyncset.done $0x0  }
0x5b: {  	[sflag:s15] =	ssyncadd.s32 $0xFFFFC000  }
0x5c: {  	_ =	swait.ge [sflag:s22], $0x4000  }
0x5d: {  	[sflag:s22] =	ssyncset.done $0x0  }
0x5e: {  	[sflag:s22] =	ssyncadd.s32 $0xFFFFC000  }
0x5f: {  	[spmem:s2] =	stream.indirect.scatter.add.f32 [tilespmem:s20], [sflag:$0x3], $0x80, s28, s18, $0xb8;
	[tilespmem:$0x1E800] =	vst v63  }
0x60: {  	_ =	swait.ge [sflag:s15], $0x4000  }
0x61: {  	[sflag:s15] =	ssyncset.done $0x0  }
0x62: {  	s3 =	simm.s32 $0x0;
	[sflag:s15] =	ssyncadd.s32 $0xFFFFC000  }
0x63: {  	[tilespmem:s16], [sflag:$0x3] =	stream.linear.gather [hbm4b:s11+s3], $0x1400, $0x38;
	[tilespmem:$0x1E800] =	vst v63  }
0x64: {  	_ =	swait.ge [sflag:s15], $0x1400  }
0x65: {  	[sflag:s15] =	ssyncset.done $0x0  }
0x66: {  	[sflag:s15] =	ssyncadd.s32 $0xFFFFEC00  }
0x67: {  	[tilespmem:s17], [sflag:$0x3] =	stream.linear.gather [hbm4b:s12+s3], $0x1400, $0x38;
	[tilespmem:$0x1E800] =	vst v63  }
0x68: {  	_ =	swait.ge [sflag:s15], $0x1400  }
0x69: {  	[sflag:s15] =	ssyncset.done $0x0  }
0x6a: {  	[sflag:s15] =	ssyncadd.s32 $0xFFFFEC00  }
0x6b: {  	[tilespmem:s19], [sflag:$0x1] =	stream.indirect.gather [hbm4b:s4+s18], $0x80, s16, s18, $0xb8;
	[tilespmem:$0x1E800] =	vst v63  }
0x6c: {  	s1 =	simm.s32 $0x14080  }
0x6d: {  	[tilespmem:s20], [sflag:$0x2] =	stream.indirect.gather [hbm4b:s4+s18], $0x80, s1, s18, $0xb8;
	[tilespmem:$0x1E800] =	vst v63  }
0x6e: {  	_ =	swait.ge [sflag:s21], $0x4000  }
0x6f: {  	[sflag:s21] =	ssyncset.done $0x0  }
0x70: {  	s3 =	simm.s32 $0x15400;
	[sflag:s21] =	ssyncadd.s32 $0xFFFFC000  }
0x71: {  	[spmem:s2] =	stream.indirect.scatter.add.f32 [tilespmem:s19], [sflag:$0x3], $0x80, s3, s18, $0xb8;
	[tilespmem:$0x1E800] =	vst v63  }
0x72: {  	_ =	swait.ge [sflag:s15], $0x4000  }
0x73: {  	[sflag:s15] =	ssyncset.done $0x0  }
0x74: {  	s1 =	simm.s32 $0x14100;
	[sflag:s15] =	ssyncadd.s32 $0xFFFFC000  }
0x75: {  	[tilespmem:s19], [sflag:$0x1] =	stream.indirect.gather [hbm4b:s4+s18], $0x80, s1, s18, $0xb8;
	[tilespmem:$0x1E800] =	vst v63  }
0x76: {  	_ =	swait.ge [sflag:s22], $0x4000  }
0x77: {  	[sflag:s22] =	ssyncset.done $0x0  }
0x78: {  	s3 =	simm.s32 $0x15480;
	[sflag:s22] =	ssyncadd.s32 $0xFFFFC000  }
0x79: {  	[spmem:s2] =	stream.indirect.scatter.add.f32 [tilespmem:s20], [sflag:$0x3], $0x80, s3, s18, $0xb8;
	[tilespmem:$0x1E800] =	vst v63  }
0x7a: {  	_ =	swait.ge [sflag:s15], $0x4000  }
0x7b: {  	s31 =	simm.s32 $0x800;
	s30 =	simm.s32 $0x100;
	[sflag:s15] =	ssyncset.done $0x0  }
.LBB2_4:
0x7c: {  	s0 =	sadd.s32 $0x14080, s30  }
0x7d: {  	[sflag:s15] =	ssyncadd.s32 $0xFFFFC000;
	s1 =	smov.u32 s31;
	s3 =	sadd.s32 $0x400, s31  }
0x7e: {  	[tilespmem:s20], [sflag:$0x2] =	stream.indirect.gather [hbm4b:s4+s18], $0x80, s0, s18, $0xb8;
	[tilespmem:$0x1E800] =	vst v63  }
0x7f: {  	p0 =	sne.s32 s31, $0x4800;
	_ =	swait.ge [sflag:s21], $0x4000  }
0x80: {  	[sflag:s21] =	ssyncset.done $0x0  }
0x81: {  	s0 =	sadd.s32 $0x15400, s30;
	[sflag:s21] =	ssyncadd.s32 $0xFFFFC000  }
0x82: {  	[spmem:s2] =	stream.indirect.scatter.add.f32 [tilespmem:s19], [sflag:$0x3], $0x80, s0, s18, $0xb8;
	[tilespmem:$0x1E800] =	vst v63  }
0x83: {  	_ =	swait.ge [sflag:s15], $0x4000  }
0x84: {  	[sflag:s15] =	ssyncset.done $0x0  }
0x85: {  	s0 =	sadd.s32 $0x14100, s30;
	[sflag:s15] =	ssyncadd.s32 $0xFFFFC000  }
0x86: {  	[tilespmem:s19], [sflag:$0x1] =	stream.indirect.gather [hbm4b:s4+s18], $0x80, s0, s18, $0xb8;
	[tilespmem:$0x1E800] =	vst v63  }
0x87: {  	_ =	swait.ge [sflag:s22], $0x4000  }
.Ltmp1:
0x88: {  	[sflag:s22] =	ssyncset.done $0x0;
	(pc) =	sbr.rel @p0 .LBB2_4-.Ltmp1, $4  }
0x89: {  	s0 =	sadd.s32 $0x15480, s30;
	[sflag:s22] =	ssyncadd.s32 $0xFFFFC000  }
0x8a: {  	[spmem:s2] =	stream.indirect.scatter.add.f32 [tilespmem:s20], [sflag:$0x3], $0x80, s0, s18, $0xb8;
	[tilespmem:$0x1E800] =	vst v63  }
0x8b: {  	_ =	swait.ge [sflag:s15], $0x4000  }
0x8c: {  	s31 =	smov.u32 s3;
	s30 =	sshra.s32 s1, $0x2;
	[sflag:s15] =	ssyncset.done $0x0  }
0x8d: {  	s0 =	sadd.s32 $0x14080, s30;
	[sflag:s15] =	ssyncadd.s32 $0xFFFFC000  }
0x8e: {  	[tilespmem:s20], [sflag:$0x2] =	stream.indirect.gather [hbm4b:s4+s18], $0x80, s0, s18, $0xb8;
	[tilespmem:$0x1E800] =	vst v63  }
0x8f: {  	_ =	swait.ge [sflag:s21], $0x4000  }
0x90: {  	[sflag:s21] =	ssyncset.done $0x0  }
0x91: {  	s1 =	sadd.s32 $0x15400, s30;
	[sflag:s21] =	ssyncadd.s32 $0xFFFFC000  }
0x92: {  	[spmem:s2] =	stream.indirect.scatter.add.f32 [tilespmem:s19], [sflag:$0x3], $0x80, s1, s18, $0xb8;
	[tilespmem:$0x1E800] =	vst v63  }
0x93: {  	_ =	swait.ge [sflag:s15], $0x4000  }
0x94: {  	[sflag:s15] =	ssyncset.done $0x0  }
0x95: {  	s3 =	sadd.s32 $0x14100, s30;
	[sflag:s15] =	ssyncadd.s32 $0xFFFFC000  }
0x96: {  	[tilespmem:s19], [sflag:$0x1] =	stream.indirect.gather [hbm4b:s4+s18], $0x80, s3, s18, $0xb8;
	[tilespmem:$0x1E800] =	vst v63  }
0x97: {  	_ =	swait.ge [sflag:s22], $0x4000  }
0x98: {  	[sflag:s22] =	ssyncset.done $0x0  }
0x99: {  	s1 =	sadd.s32 $0x15480, s30;
	[sflag:s22] =	ssyncadd.s32 $0xFFFFC000  }
0x9a: {  	[spmem:s2] =	stream.indirect.scatter.add.f32 [tilespmem:s20], [sflag:$0x3], $0x80, s1, s18, $0xb8;
	[tilespmem:$0x1E800] =	vst v63  }
0x9b: {  	_ =	swait.ge [sflag:s15], $0x4000  }
0x9c: {  	[sflag:s15] =	ssyncset.done $0x0  }
0x9d: {  	[sflag:s15] =	ssyncadd.s32 $0xFFFFC000  }
0x9e: {  	[tilespmem:s20], [sflag:$0x2] =	stream.indirect.gather [hbm4b:s4+s18], $0x80, s25, s18, $0xb8;
	[tilespmem:$0x1E800] =	vst v63  }
0x9f: {  	_ =	swait.ge [sflag:s21], $0x4000  }
0xa0: {  	[sflag:s21] =	ssyncset.done $0x0  }
0xa1: {  	[sflag:s21] =	ssyncadd.s32 $0xFFFFC000  }
0xa2: {  	[spmem:s2] =	stream.indirect.scatter.add.f32 [tilespmem:s19], [sflag:$0x3], $0x80, s26, s18, $0xb8;
	[tilespmem:$0x1E800] =	vst v63  }
0xa3: {  	_ =	swait.ge [sflag:s15], $0x4000  }
0xa4: {  	[sflag:s15] =	ssyncset.done $0x0  }
0xa5: {  	[sflag:s15] =	ssyncadd.s32 $0xFFFFC000  }
0xa6: {  	_ =	swait.ge [sflag:s22], $0x4000  }
0xa7: {  	[sflag:s22] =	ssyncset.done $0x0  }
0xa8: {  	[sflag:s22] =	ssyncadd.s32 $0xFFFFC000  }
0xa9: {  	[spmem:s2] =	stream.indirect.scatter.add.f32 [tilespmem:s20], [sflag:$0x3], $0x80, s28, s18, $0xb8;
	[tilespmem:$0x1E800] =	vst v63  }
0xaa: {  	_ =	swait.ge [sflag:s15], $0x4000  }
0xab: {  	[sflag:s15] =	ssyncset.done $0x0  }
0xac: {  	[sflag:s15] =	ssyncadd.s32 $0xFFFFC000  }
0xad: {  	[bflag:$0x0] =	sbarrier.arrive $0xFFFF  }
0xae: {  	[hbm:s23], [sflag:s6] =	dma.local [spmem:s14], $0x2800  }
0xaf: {  	_ =	swait.ge [sflag:s15], $0x2800  }
0xb0: {  	[sflag:s15] =	ssyncset.done $0x0  }
0xb1: {  	[sflag:s15] =	ssyncadd.s32 $0xFFFFD800  }
0xb2: {  	[spmem:s14], [sflag:s6] =	dma.local [hbm:s5], $0x2800  }
0xb3: {  	_ =	swait.ge [sflag:s15], $0x2800  }
0xb4: {  	[sflag:s15] =	ssyncset.done $0x0  }
0xb5: {  	[sflag:s15] =	ssyncadd.s32 $0xFFFFD800  }
0xb6: {  	s3 =	simm.s32 $0x0;
	[bflag:$0x0] =	sbarrier.arrive $0xFFFF  }
0xb7: {  	[tilespmem:s16], [sflag:$0x3] =	stream.linear.gather [hbm4b:s10+s3], $0x1400, $0x38;
	[tilespmem:$0x1E800] =	vst v63  }
0xb8: {  	_ =	swait.ge [sflag:s15], $0x1400  }
0xb9: {  	[sflag:s15] =	ssyncset.done $0x0  }
0xba: {  	[sflag:s15] =	ssyncadd.s32 $0xFFFFEC00  }
0xbb: {  	[tilespmem:s17], [sflag:$0x3] =	stream.linear.gather [hbm4b:s9+s3], $0x1400, $0x38;
	[tilespmem:$0x1E800] =	vst v63  }
0xbc: {  	_ =	swait.ge [sflag:s15], $0x1400  }
0xbd: {  	[sflag:s15] =	ssyncset.done $0x0  }
0xbe: {  	[sflag:s15] =	ssyncadd.s32 $0xFFFFEC00  }
0xbf: {  	[tilespmem:s19], [sflag:$0x1] =	stream.indirect.gather [hbm4b:s4+s18], $0x80, s16, s18, $0xb8;
	[tilespmem:$0x1E800] =	vst v63  }
0xc0: {  	s1 =	simm.s32 $0x14080  }
0xc1: {  	[tilespmem:s20], [sflag:$0x2] =	stream.indirect.gather [hbm4b:s4+s18], $0x80, s1, s18, $0xb8;
	[tilespmem:$0x1E800] =	vst v63  }
0xc2: {  	_ =	swait.ge [sflag:s21], $0x4000  }
0xc3: {  	[sflag:s21] =	ssyncset.done $0x0  }
0xc4: {  	s3 =	simm.s32 $0x15400;
	[sflag:s21] =	ssyncadd.s32 $0xFFFFC000  }
0xc5: {  	[spmem:s2] =	stream.indirect.scatter.add.f32 [tilespmem:s19], [sflag:$0x3], $0x80, s3, s18, $0xb8;
	[tilespmem:$0x1E800] =	vst v63  }
0xc6: {  	_ =	swait.ge [sflag:s15], $0x4000  }
0xc7: {  	[sflag:s15] =	ssyncset.done $0x0  }
0xc8: {  	s1 =	simm.s32 $0x14100;
	[sflag:s15] =	ssyncadd.s32 $0xFFFFC000  }
0xc9: {  	[tilespmem:s19], [sflag:$0x1] =	stream.indirect.gather [hbm4b:s4+s18], $0x80, s1, s18, $0xb8;
	[tilespmem:$0x1E800] =	vst v63  }
0xca: {  	_ =	swait.ge [sflag:s22], $0x4000  }
0xcb: {  	[sflag:s22] =	ssyncset.done $0x0  }
0xcc: {  	s3 =	simm.s32 $0x15480;
	[sflag:s22] =	ssyncadd.s32 $0xFFFFC000  }
0xcd: {  	[spmem:s2] =	stream.indirect.scatter.add.f32 [tilespmem:s20], [sflag:$0x3], $0x80, s3, s18, $0xb8;
	[tilespmem:$0x1E800] =	vst v63  }
0xce: {  	_ =	swait.ge [sflag:s15], $0x4000  }
0xcf: {  	s31 =	simm.s32 $0x800;
	s30 =	simm.s32 $0x100;
	[sflag:s15] =	ssyncset.done $0x0  }
.LBB2_6:
0xd0: {  	s0 =	sadd.s32 $0x14080, s30  }
0xd1: {  	[sflag:s15] =	ssyncadd.s32 $0xFFFFC000;
	s1 =	smov.u32 s31;
	s3 =	sadd.s32 $0x400, s31  }
0xd2: {  	[tilespmem:s20], [sflag:$0x2] =	stream.indirect.gather [hbm4b:s4+s18], $0x80, s0, s18, $0xb8;
	[tilespmem:$0x1E800] =	vst v63  }
0xd3: {  	p0 =	sne.s32 s31, $0x4800;
	_ =	swait.ge [sflag:s21], $0x4000  }
0xd4: {  	[sflag:s21] =	ssyncset.done $0x0  }
0xd5: {  	s0 =	sadd.s32 $0x15400, s30;
	[sflag:s21] =	ssyncadd.s32 $0xFFFFC000  }
0xd6: {  	[spmem:s2] =	stream.indirect.scatter.add.f32 [tilespmem:s19], [sflag:$0x3], $0x80, s0, s18, $0xb8;
	[tilespmem:$0x1E800] =	vst v63  }
0xd7: {  	_ =	swait.ge [sflag:s15], $0x4000  }
0xd8: {  	[sflag:s15] =	ssyncset.done $0x0  }
0xd9: {  	s0 =	sadd.s32 $0x14100, s30;
	[sflag:s15] =	ssyncadd.s32 $0xFFFFC000  }
0xda: {  	[tilespmem:s19], [sflag:$0x1] =	stream.indirect.gather [hbm4b:s4+s18], $0x80, s0, s18, $0xb8;
	[tilespmem:$0x1E800] =	vst v63  }
0xdb: {  	_ =	swait.ge [sflag:s22], $0x4000  }
.Ltmp2:
0xdc: {  	[sflag:s22] =	ssyncset.done $0x0;
	(pc) =	sbr.rel @p0 .LBB2_6-.Ltmp2, $4  }
0xdd: {  	s0 =	sadd.s32 $0x15480, s30;
	[sflag:s22] =	ssyncadd.s32 $0xFFFFC000  }
0xde: {  	[spmem:s2] =	stream.indirect.scatter.add.f32 [tilespmem:s20], [sflag:$0x3], $0x80, s0, s18, $0xb8;
	[tilespmem:$0x1E800] =	vst v63  }
0xdf: {  	_ =	swait.ge [sflag:s15], $0x4000  }
0xe0: {  	s31 =	smov.u32 s3;
	s30 =	sshra.s32 s1, $0x2;
	[sflag:s15] =	ssyncset.done $0x0  }
0xe1: {  	s0 =	sadd.s32 $0x14080, s30;
	[sflag:s15] =	ssyncadd.s32 $0xFFFFC000  }
0xe2: {  	[tilespmem:s20], [sflag:$0x2] =	stream.indirect.gather [hbm4b:s4+s18], $0x80, s0, s18, $0xb8;
	[tilespmem:$0x1E800] =	vst v63  }
0xe3: {  	_ =	swait.ge [sflag:s21], $0x4000  }
0xe4: {  	[sflag:s21] =	ssyncset.done $0x0  }
0xe5: {  	s1 =	sadd.s32 $0x15400, s30;
	[sflag:s21] =	ssyncadd.s32 $0xFFFFC000  }
0xe6: {  	[spmem:s2] =	stream.indirect.scatter.add.f32 [tilespmem:s19], [sflag:$0x3], $0x80, s1, s18, $0xb8;
	[tilespmem:$0x1E800] =	vst v63  }
0xe7: {  	_ =	swait.ge [sflag:s15], $0x4000  }
0xe8: {  	[sflag:s15] =	ssyncset.done $0x0  }
0xe9: {  	s3 =	sadd.s32 $0x14100, s30;
	[sflag:s15] =	ssyncadd.s32 $0xFFFFC000  }
0xea: {  	[tilespmem:s19], [sflag:$0x1] =	stream.indirect.gather [hbm4b:s4+s18], $0x80, s3, s18, $0xb8;
	[tilespmem:$0x1E800] =	vst v63  }
0xeb: {  	_ =	swait.ge [sflag:s22], $0x4000  }
0xec: {  	[sflag:s22] =	ssyncset.done $0x0  }
0xed: {  	s1 =	sadd.s32 $0x15480, s30;
	[sflag:s22] =	ssyncadd.s32 $0xFFFFC000  }
0xee: {  	[spmem:s2] =	stream.indirect.scatter.add.f32 [tilespmem:s20], [sflag:$0x3], $0x80, s1, s18, $0xb8;
	[tilespmem:$0x1E800] =	vst v63  }
0xef: {  	_ =	swait.ge [sflag:s15], $0x4000  }
0xf0: {  	[sflag:s15] =	ssyncset.done $0x0  }
0xf1: {  	[sflag:s15] =	ssyncadd.s32 $0xFFFFC000  }
0xf2: {  	[tilespmem:s20], [sflag:$0x2] =	stream.indirect.gather [hbm4b:s4+s18], $0x80, s25, s18, $0xb8;
	[tilespmem:$0x1E800] =	vst v63  }
0xf3: {  	_ =	swait.ge [sflag:s21], $0x4000  }
0xf4: {  	[sflag:s21] =	ssyncset.done $0x0  }
0xf5: {  	[sflag:s21] =	ssyncadd.s32 $0xFFFFC000  }
0xf6: {  	[spmem:s2] =	stream.indirect.scatter.add.f32 [tilespmem:s19], [sflag:$0x3], $0x80, s26, s18, $0xb8;
	[tilespmem:$0x1E800] =	vst v63  }
0xf7: {  	_ =	swait.ge [sflag:s15], $0x4000  }
0xf8: {  	[sflag:s15] =	ssyncset.done $0x0  }
0xf9: {  	[sflag:s15] =	ssyncadd.s32 $0xFFFFC000  }
0xfa: {  	_ =	swait.ge [sflag:s22], $0x4000  }
0xfb: {  	[sflag:s22] =	ssyncset.done $0x0  }
0xfc: {  	[sflag:s22] =	ssyncadd.s32 $0xFFFFC000  }
0xfd: {  	[spmem:s2] =	stream.indirect.scatter.add.f32 [tilespmem:s20], [sflag:$0x3], $0x80, s28, s18, $0xb8;
	[tilespmem:$0x1E800] =	vst v63  }
0xfe: {  	_ =	swait.ge [sflag:s15], $0x4000  }
0xff: {  	[sflag:s15] =	ssyncset.done $0x0  }
0x100: {  	s3 =	simm.s32 $0x0;
	[sflag:s15] =	ssyncadd.s32 $0xFFFFC000  }
0x101: {  	[tilespmem:s16], [sflag:$0x3] =	stream.linear.gather [hbm4b:s13+s3], $0x1400, $0x38;
	[tilespmem:$0x1E800] =	vst v63  }
0x102: {  	_ =	swait.ge [sflag:s15], $0x1400  }
0x103: {  	[sflag:s15] =	ssyncset.done $0x0  }
0x104: {  	[sflag:s15] =	ssyncadd.s32 $0xFFFFEC00  }
0x105: {  	[tilespmem:s17], [sflag:$0x3] =	stream.linear.gather [hbm4b:s12+s3], $0x1400, $0x38;
	[tilespmem:$0x1E800] =	vst v63  }
0x106: {  	_ =	swait.ge [sflag:s15], $0x1400  }
0x107: {  	[sflag:s15] =	ssyncset.done $0x0  }
0x108: {  	[sflag:s15] =	ssyncadd.s32 $0xFFFFEC00  }
0x109: {  	[tilespmem:s19], [sflag:$0x1] =	stream.indirect.gather [hbm4b:s4+s18], $0x80, s16, s18, $0xb8;
	[tilespmem:$0x1E800] =	vst v63  }
0x10a: {  	s1 =	simm.s32 $0x14080  }
0x10b: {  	[tilespmem:s20], [sflag:$0x2] =	stream.indirect.gather [hbm4b:s4+s18], $0x80, s1, s18, $0xb8;
	[tilespmem:$0x1E800] =	vst v63  }
0x10c: {  	_ =	swait.ge [sflag:s21], $0x4000  }
0x10d: {  	[sflag:s21] =	ssyncset.done $0x0  }
0x10e: {  	s3 =	simm.s32 $0x15400;
	[sflag:s21] =	ssyncadd.s32 $0xFFFFC000  }
0x10f: {  	[spmem:s2] =	stream.indirect.scatter.add.f32 [tilespmem:s19], [sflag:$0x3], $0x80, s3, s18, $0xb8;
	[tilespmem:$0x1E800] =	vst v63  }
0x110: {  	_ =	swait.ge [sflag:s15], $0x4000  }
0x111: {  	[sflag:s15] =	ssyncset.done $0x0  }
0x112: {  	s1 =	simm.s32 $0x14100;
	[sflag:s15] =	ssyncadd.s32 $0xFFFFC000  }
0x113: {  	[tilespmem:s19], [sflag:$0x1] =	stream.indirect.gather [hbm4b:s4+s18], $0x80, s1, s18, $0xb8;
	[tilespmem:$0x1E800] =	vst v63  }
0x114: {  	_ =	swait.ge [sflag:s22], $0x4000  }
0x115: {  	[sflag:s22] =	ssyncset.done $0x0  }
0x116: {  	s3 =	simm.s32 $0x15480;
	[sflag:s22] =	ssyncadd.s32 $0xFFFFC000  }
0x117: {  	[spmem:s2] =	stream.indirect.scatter.add.f32 [tilespmem:s20], [sflag:$0x3], $0x80, s3, s18, $0xb8;
	[tilespmem:$0x1E800] =	vst v63  }
0x118: {  	_ =	swait.ge [sflag:s15], $0x4000  }
0x119: {  	s31 =	simm.s32 $0x800;
	s30 =	simm.s32 $0x100;
	[sflag:s15] =	ssyncset.done $0x0  }
.LBB2_8:
0x11a: {  	s0 =	sadd.s32 $0x14080, s30  }
0x11b: {  	[sflag:s15] =	ssyncadd.s32 $0xFFFFC000;
	s1 =	smov.u32 s31;
	s3 =	sadd.s32 $0x400, s31  }
0x11c: {  	[tilespmem:s20], [sflag:$0x2] =	stream.indirect.gather [hbm4b:s4+s18], $0x80, s0, s18, $0xb8;
	[tilespmem:$0x1E800] =	vst v63  }
0x11d: {  	p0 =	sne.s32 s31, $0x4800;
	_ =	swait.ge [sflag:s21], $0x4000  }
0x11e: {  	[sflag:s21] =	ssyncset.done $0x0  }
0x11f: {  	s0 =	sadd.s32 $0x15400, s30;
	[sflag:s21] =	ssyncadd.s32 $0xFFFFC000  }
0x120: {  	[spmem:s2] =	stream.indirect.scatter.add.f32 [tilespmem:s19], [sflag:$0x3], $0x80, s0, s18, $0xb8;
	[tilespmem:$0x1E800] =	vst v63  }
0x121: {  	_ =	swait.ge [sflag:s15], $0x4000  }
0x122: {  	[sflag:s15] =	ssyncset.done $0x0  }
0x123: {  	s0 =	sadd.s32 $0x14100, s30;
	[sflag:s15] =	ssyncadd.s32 $0xFFFFC000  }
0x124: {  	[tilespmem:s19], [sflag:$0x1] =	stream.indirect.gather [hbm4b:s4+s18], $0x80, s0, s18, $0xb8;
	[tilespmem:$0x1E800] =	vst v63  }
0x125: {  	_ =	swait.ge [sflag:s22], $0x4000  }
.Ltmp3:
0x126: {  	[sflag:s22] =	ssyncset.done $0x0;
	(pc) =	sbr.rel @p0 .LBB2_8-.Ltmp3, $4  }
0x127: {  	s0 =	sadd.s32 $0x15480, s30;
	[sflag:s22] =	ssyncadd.s32 $0xFFFFC000  }
0x128: {  	[spmem:s2] =	stream.indirect.scatter.add.f32 [tilespmem:s20], [sflag:$0x3], $0x80, s0, s18, $0xb8;
	[tilespmem:$0x1E800] =	vst v63  }
0x129: {  	_ =	swait.ge [sflag:s15], $0x4000  }
0x12a: {  	s31 =	smov.u32 s3;
	s30 =	sshra.s32 s1, $0x2;
	[sflag:s15] =	ssyncset.done $0x0  }
0x12b: {  	s0 =	sadd.s32 $0x14080, s30;
	[sflag:s15] =	ssyncadd.s32 $0xFFFFC000  }
0x12c: {  	[tilespmem:s20], [sflag:$0x2] =	stream.indirect.gather [hbm4b:s4+s18], $0x80, s0, s18, $0xb8;
	[tilespmem:$0x1E800] =	vst v63  }
0x12d: {  	_ =	swait.ge [sflag:s21], $0x4000  }
0x12e: {  	[sflag:s21] =	ssyncset.done $0x0  }
0x12f: {  	s1 =	sadd.s32 $0x15400, s30;
	[sflag:s21] =	ssyncadd.s32 $0xFFFFC000  }
0x130: {  	[spmem:s2] =	stream.indirect.scatter.add.f32 [tilespmem:s19], [sflag:$0x3], $0x80, s1, s18, $0xb8;
	[tilespmem:$0x1E800] =	vst v63  }
0x131: {  	_ =	swait.ge [sflag:s15], $0x4000  }
0x132: {  	[sflag:s15] =	ssyncset.done $0x0  }
0x133: {  	s3 =	sadd.s32 $0x14100, s30;
	[sflag:s15] =	ssyncadd.s32 $0xFFFFC000  }
0x134: {  	[tilespmem:s19], [sflag:$0x1] =	stream.indirect.gather [hbm4b:s4+s18], $0x80, s3, s18, $0xb8;
	[tilespmem:$0x1E800] =	vst v63  }
0x135: {  	_ =	swait.ge [sflag:s22], $0x4000  }
0x136: {  	[sflag:s22] =	ssyncset.done $0x0  }
0x137: {  	s31 =	sadd.s32 $0x15480, s30;
	[sflag:s22] =	ssyncadd.s32 $0xFFFFC000  }
0x138: {  	[spmem:s2] =	stream.indirect.scatter.add.f32 [tilespmem:s20], [sflag:$0x3], $0x80, s31, s18, $0xb8;
	[tilespmem:$0x1E800] =	vst v63  }
0x139: {  	_ =	swait.ge [sflag:s15], $0x4000  }
0x13a: {  	[sflag:s15] =	ssyncset.done $0x0  }
0x13b: {  	[sflag:s15] =	ssyncadd.s32 $0xFFFFC000  }
0x13c: {  	[tilespmem:s20], [sflag:$0x2] =	stream.indirect.gather [hbm4b:s4+s18], $0x80, s25, s18, $0xb8;
	[tilespmem:$0x1E800] =	vst v63  }
0x13d: {  	_ =	swait.ge [sflag:s21], $0x4000  }
0x13e: {  	[sflag:s21] =	ssyncset.done $0x0  }
0x13f: {  	[sflag:s21] =	ssyncadd.s32 $0xFFFFC000  }
0x140: {  	[spmem:s2] =	stream.indirect.scatter.add.f32 [tilespmem:s19], [sflag:$0x3], $0x80, s26, s18, $0xb8;
	[tilespmem:$0x1E800] =	vst v63  }
0x141: {  	_ =	swait.ge [sflag:s15], $0x4000  }
0x142: {  	[sflag:s15] =	ssyncset.done $0x0  }
0x143: {  	[sflag:s15] =	ssyncadd.s32 $0xFFFFC000  }
0x144: {  	_ =	swait.ge [sflag:s22], $0x4000  }
0x145: {  	[sflag:s22] =	ssyncset.done $0x0  }
0x146: {  	[sflag:s22] =	ssyncadd.s32 $0xFFFFC000  }
0x147: {  	[spmem:s2] =	stream.indirect.scatter.add.f32 [tilespmem:s20], [sflag:$0x3], $0x80, s28, s18, $0xb8;
	[tilespmem:$0x1E800] =	vst v63  }
0x148: {  	_ =	swait.ge [sflag:s15], $0x4000  }
0x149: {  	s29 =	sadd.s32 $0x1, s29;
	[sflag:s15] =	ssyncset.done $0x0  }
0x14a: {  	p0 =	sne.s32 s29, s7;
	[sflag:s15] =	ssyncadd.s32 $0xFFFFC000  }
.Ltmp4:
0x14b: {  	[bflag:$0x0] =	sbarrier.arrive $0xFFFF;
	(pc) =	sbr.rel @p0 .LBB2_1-.Ltmp4, $4  }
0x14c: {  	[hbm:s24], [sflag:s6] =	dma.local [spmem:s14], $0x2800  }
0x14d: {  	_ =	swait.ge [sflag:s15], $0x2800  }
0x14e: {  	[sflag:s15] =	ssyncset.done $0x0  }
0x14f: {  	[sflag:s15] =	ssyncadd.s32 $0xFFFFD800  }
0x150: {  	_ =	sfence.sel $0x180000  }
0x151: {  	[bflag:$0x0] =	sbarrier.arrive $0xFFFF  }
0x152: {  	_ =	strace $0x9000004A  }
0x153: {  	s0 =	stileid.u32;
	[bflag:$0x2] =	sbarrier.arrive $0xFFFF  }
0x154: {  	p0 =	sne.s32 s0, $0x0;
	s0 =	rddreg [dreg:$0x2]  }
0x155: {  	s0 =	sadd.s32 @!p0 $0x100000, s0  }
0x156: {  	[sflag:s0] =	ssyncadd.tile.s32 @!p0 $0x1;
	_ =	shalt  }
.Lfunc_end2:
_tile_overlayer_lowered:
.L_overlay_start_2:
0x157: {  	(tag) =	ssettag $0x2  }
0x158: {  	s0 =	rddreg [dreg:$0x0];
	s2 =	stileid.u32  }
0x159: {  	s1 =	rddreg [dreg:$0x1];
	p0 =	sne.s32 s2, $0x0  }
0x15a: {  	s3 =	rddreg [dreg:$0x2];
	[bflag:$0x3] =	sbarrier.arrive $0xFFFF;
	s2 =	simm.s32 @!p0 $0x1C03  }
0x15b: {  	[timem:s3], [sflag:s2] =	dma.local @!p0 [hbm:s0], s1  }
0x15c: {  	s0 =	simm.s32 @!p0 $0x3  }
0x15d: {  	_ =	swait.ge @!p0 [sflag:s0], s1  }
0x15e: {  	s1 =	ssub.s32 @!p0 $0x0, s1;
	[sflag:s0] =	ssyncset.done @!p0 $0x0  }
0x15f: {  	[sflag:s0] =	ssyncadd.s32 @!p0 s1  }
0x160: {  	[bflag:$0x3] =	sbarrier.arrive $0xFFFF  }
0x161: {  	_ =	shalt  }

// kernel: kernel.14.cloned.1.call-start
scs
__scs_entry_jumppad:
0x0: {  	(pc) =	sbr.rel $0x88, $3  }
0x1: {  	(tag) =	ssettag $0x0;
	lr =	simm.s32 $0x1  }
0x2: {  	[smem:$0x3F94] =	sst lr;
	_ =	strace $0xD0000000  }
0x3: {  	_ = 	snop  }
0x4: {  	_ = 	snop  }
0x5: {  	_ = 	snop  }
0x6: {  	_ = 	snop  }
0x7: {  	_ = 	snop  }
__scs_overlays_trampoline_lowered:
0x8: {  	[smem:$0x3FA3] =	sst s0  }
0x9: {  	[smem:$0x3FA4] =	sst s1  }
0xa: {  	[smem:$0x3FA5] =	sst s2  }
0xb: {  	[smem:$0x3FA6] =	sst s3  }
0xc: {  	[smem:$0x3FA7] =	sst s4  }
0xd: {  	[smem:$0x3FA8] =	sst s5  }
0xe: {  	[smem:$0x3FA9] =	sst s6  }
0xf: {  	[smem:$0x3FAA] =	sst s7  }
0x10: {  	[smem:$0x3FAB] =	sst s8  }
0x11: {  	[smem:$0x3FAC] =	sst s9;
	s0 =	simm.s32 @!p0 $0x0  }
0x12: {  	s1 =	sld [smem:$0x3F92];
	s0 =	simm.s32 @p0 $0x1  }
0x13: {  	[smem:$0x3FAD] =	sst s0;
	s0 =	simm.s32 @!p1 $0x0  }
0x14: {  	s2 =	sld [smem:$0x3F91];
	s0 =	simm.s32 @p1 $0x1  }
0x15: {  	[smem:$0x3FAE] =	sst s0;
	s0 =	simm.s32 @!p2 $0x0  }
0x16: {  	s3 =	sld [smem:$0x3FDB];
	s0 =	simm.s32 @p2 $0x1  }
0x17: {  	s4 =	simm.s32 $0x1BF5;
	[smem:$0x3FB0] =	sst s0  }
0x18: {  	s0 =	sld [smem:$0x3F93];
	_ =	swait.ge [sflag:s4], $0x0  }
0x19: {  	s7 =	sld [smem:$0x3F94]  }
0x1a: {  	s8 =	sadd.s32 $0xFFFFE003, lr  }
0x1b: {  	s9 =	sadd.s32 $0xFFFFFEF7, lr;
	s5 =	simm.s32 $0xFFFFFFFF;
	p2 =	slt.u32 s8, $0xFFFFF086  }
0x1c: {  	p1 =	slt.u32 s9, $0xF7A;
	s5 =	simm.s32 @!p2 $0x0  }
0x1d: {  	s5 =	simm.s32 @p1 $0x1;
	p0 =	seq.s32 s7, s2  }
0x1e: {  	s7 =	smul.u32 @!p0 $0xF7A, s2;
	p2 =	seq.s32 @!p0 s5, $0x0  }
0x1f: {  	s9 =	smul.u32 $0xF7A, s1;
	s8 =	simm.s32 @!p0 $0x1BF5;
	p2 =	por !p2, p0  }
0x20: {  	[sflag:s8] =	ssyncset.s32 @!p0 $0xFFFFF086;
	s6 =	sadd.s32 @!p0 s3, s7;
	s7 =	simm.s32 @!p0 $0x108  }
0x21: {  	s3 =	sadd.s32 s3, s9;
	s6 =	sadd.s32 @!p0 $0x88, s6;
	s7 =	simm.s32 @p2 $0x1082  }
0x22: {  	[simem:s7], [sflag:s8] =	dma.local @!p0 [hbm:s6], $0xF7A  }
0x23: {  	s9 =	sor.u32 $0xD0000000, s2;
	s6 =	simm.s32 $0x108;
	_ =	swait.ge @!p0 [sflag:s8], $0x0  }
0x24: {  	s3 =	sadd.s32 $0x88, s3;
	s6 =	simm.s32 @!p1 $0x1082;
	[sflag:s4] =	ssyncset.s32 $0xFFFFF086  }
0x25: {  	[simem:s6], [sflag:s4] =	dma.local [hbm:s3], $0xF7A  }
0x26: {  	[smem:$0x3F94] =	sst s1;
	(tag) =	ssettag s2;
	_ =	strace s9  }
0x27: {  	s1 =	sld [smem:$0x3FA4]  }
0x28: {  	s2 =	sld [smem:$0x3FA5]  }
0x29: {  	s4 =	sld [smem:$0x3FA7]  }
0x2a: {  	p0 =	seq.s32 s5, $0x0;
	s5 =	sld [smem:$0x3FA8]  }
0x2b: {  	s6 =	sld [smem:$0x3FA9]  }
0x2c: {  	s7 =	sld [smem:$0x3FAA]  }
0x2d: {  	s3 =	simm.s32 $0x108;
	s8 =	sld [smem:$0x3FAB]  }
0x2e: {  	s3 =	simm.s32 @!p0 $0x1082;
	s9 =	sld [smem:$0x3FAC]  }
0x2f: {  	lr =	sadd.s32 s0, s3;
	s0 =	sld [smem:$0x3FA3]  }
0x30: {  	s3 =	sld [smem:$0x3FA6]  }
0x31: {  	[smem:$0x3FAF] =	sst s10  }
0x32: {  	s10 =	sld [smem:$0x3FAD];
	_ =	sdelay $0x3  }
0x33: {  	p0 =	seq.s32 s10, $0x1;
	s10 =	sld [smem:$0x3FAF];
	_ =	sdelay $0x3  }
0x34: {  	[smem:$0x3FAF] =	sst s10  }
0x35: {  	s10 =	sld [smem:$0x3FAE];
	_ =	sdelay $0x3  }
0x36: {  	p1 =	seq.s32 s10, $0x1;
	s10 =	sld [smem:$0x3FAF];
	_ =	sdelay $0x3  }
0x37: {  	[smem:$0x3FAF] =	sst s10  }
0x38: {  	s10 =	sld [smem:$0x3FB0]  }
0x39: {  	_ = 	snop;
	(pc) =	sbr.ind lr, $3  }
0x3a: {  	_ = 	snop  }
0x3b: {  	_ = 	snop  }
0x3c: {  	p2 =	seq.s32 s10, $0x1;
	s10 =	sld [smem:$0x3FAF]  }
0x3d: {  	_ =	shalt  }
0x3e: {  	_ =	shalt  }
0x3f: {  	_ =	shalt  }
0x40: {  	_ =	shalt  }
0x41: {  	_ =	shalt  }
0x42: {  	_ =	shalt  }
0x43: {  	_ =	shalt  }
0x44: {  	_ =	shalt  }
0x45: {  	_ =	shalt  }
0x46: {  	_ =	shalt  }
0x47: {  	_ =	shalt  }
0x48: {  	_ =	shalt  }
0x49: {  	_ =	shalt  }
0x4a: {  	_ =	shalt  }
0x4b: {  	_ =	shalt  }
0x4c: {  	_ =	shalt  }
0x4d: {  	_ =	shalt  }
0x4e: {  	_ =	shalt  }
0x4f: {  	_ =	shalt  }
0x50: {  	_ =	shalt  }
0x51: {  	_ =	shalt  }
0x52: {  	_ =	shalt  }
0x53: {  	_ =	shalt  }
0x54: {  	_ =	shalt  }
0x55: {  	_ =	shalt  }
0x56: {  	_ =	shalt  }
0x57: {  	_ =	shalt  }
0x58: {  	_ =	shalt  }
0x59: {  	_ =	shalt  }
0x5a: {  	_ =	shalt  }
0x5b: {  	_ =	shalt  }
0x5c: {  	_ =	shalt  }
0x5d: {  	_ =	shalt  }
0x5e: {  	_ =	shalt  }
0x5f: {  	_ =	shalt  }
0x60: {  	_ =	shalt  }
0x61: {  	_ =	shalt  }
0x62: {  	_ =	shalt  }
0x63: {  	_ =	shalt  }
0x64: {  	_ =	shalt  }
0x65: {  	_ =	shalt  }
0x66: {  	_ =	shalt  }
0x67: {  	_ =	shalt  }
0x68: {  	_ =	shalt  }
0x69: {  	_ =	shalt  }
0x6a: {  	_ =	shalt  }
0x6b: {  	_ =	shalt  }
0x6c: {  	_ =	shalt  }
0x6d: {  	_ =	shalt  }
0x6e: {  	_ =	shalt  }
0x6f: {  	_ =	shalt  }
0x70: {  	_ =	shalt  }
0x71: {  	_ =	shalt  }
0x72: {  	_ =	shalt  }
0x73: {  	_ =	shalt  }
0x74: {  	_ =	shalt  }
0x75: {  	_ =	shalt  }
0x76: {  	_ =	shalt  }
0x77: {  	_ =	shalt  }
0x78: {  	_ =	shalt  }
0x79: {  	_ =	shalt  }
0x7a: {  	_ =	shalt  }
0x7b: {  	_ =	shalt  }
0x7c: {  	_ =	shalt  }
0x7d: {  	_ =	shalt  }
0x7e: {  	_ =	shalt  }
0x7f: {  	_ =	shalt  }
0x80: {  	_ =	shalt  }
0x81: {  	_ =	shalt  }
0x82: {  	_ =	shalt  }
0x83: {  	_ =	shalt  }
0x84: {  	_ =	shalt  }
0x85: {  	_ =	shalt  }
0x86: {  	_ =	shalt  }
0x87: {  	_ =	shalt  }
.Lfunc_end0:
.L_simem_size_0:
called_computation.2_lowered:
.L_overlay_start_0:
0x88: {  	s2 =	sld [smem:$0x3FD9]  }
0x89: {  	s3 =	sld [smem:$0x3FFE];
	_ =	sdelay $0x1  }
0x8a: {  	s1 =	srdreg.scid  }
0x8b: {  	s0 =	sand.u32 $0x1, s1  }
0x8c: {  	s16 =	sshll.u32 s0, $0xA;
	s2 =	sadd.s32 s3, s2  }
0x8d: {  	s2 =	sadd.s32 s2, s16  }
0x8e: {  	[smem:$0x3FBB] =	sst s2  }
0x8f: {  	_ = 	snop  }
0x90: {  	(tm) =	ssettm $0x1  }
0x91: {  	s17 =	sld [smem:$0x3FFB];
	_ =	sdelay $0x3  }
0x92: {  	_ =	strace s17  }
0x93: {  	s2 =	sld [smem:$0x3FFC];
	_ =	sdelay $0x3  }
0x94: {  	_ =	strace s2  }
0x95: {  	s2 =	sld [smem:$0x3FFD];
	_ =	sdelay $0x3  }
0x96: {  	_ =	strace s2  }
0x97: {  	_ =	strace $0x8FFFFFFF  }
0x98: {  	s18 =	sld [smem:$0x3FDB];
	_ =	sdelay $0x1  }
0x99: {  	s19 =	simm.s32 $_scs_section_size  }
0x9a: {  	s4 =	simm.s32 $_size__tile_overlayer_lowered;
	s5 =	simm.s32 $_tile_overlayer_lowered  }
0x9b: {  	s22 =	simm.s32 $0x1BFF;
	s21 =	sshll.u32 s5, $0x1;
	s2 =	sadd.s32 s19, s18  }
0x9c: {  	s6 =	simm.s32 $0x0;
	s20 =	sshll.u32 s4, $0x1;
	s4 =	sadd.s32 s21, s2  }
0x9d: {  	[timem:s6], [sflag:s22] =	dma.local [hbm:s4], s20  }
0x9e: {  	_ =	swait.ge [sflag:s22], s20  }
0x9f: {  	s3 =	ssub.s32 $0x0, s20;
	[sflag:s22] =	ssyncset.done $0x0  }
0xa0: {  	[sflag:s22] =	ssyncadd.s32 s3;
	_ =	sdelay $0x1  }
0xa1: {  	s23 =	simm.s32 $0x1B8B  }
0xa2: {  	_ =	swait.ge [sflag:s23], $0x1  }
0xa3: {  	[sflag:s23] =	ssyncset.done $0x0  }
0xa4: {  	s25 =	simm.s32 $0x1B8E;
	s24 =	sld [smem:$0x3FFE];
	[sflag:s23] =	ssyncadd.s32 $0xFFFFFFFF  }
0xa5: {  	s26 =	simm.s32 $execute0_lowered;
	[smem:$0x3FD2] =	sst s25  }
0xa6: {  	s4 =	sshll.u32 s26, $0x1;
	_ =	strace $0x8000004C;
	[dreg:$0x1] =	wrdreg $0xFFFFFFFF  }
0xa7: {  	s28 =	simm.s32 $_size_execute0_lowered;
	s2 =	sadd.s32 s2, s4;
	[dreg:$0x0] =	wrdreg $0x0  }
0xa8: {  	s4 =	sshll.u32 s28, $0x1;
	[dreg:$0x2] =	wrdreg s2  }
0xa9: {  	[dreg:$0x3] =	wrdreg s4  }
0xaa: {  	[dreg:$0x4] =	wrdreg $0xC0  }
0xab: {  	_ =	task [dreg:s6], $0x5FFFF  }
0xac: {  	[dreg:$0x1] =	wrdreg $0xFFFFFFFF  }
0xad: {  	[dreg:$0x0] =	wrdreg $0x60  }
0xae: {  	[dreg:$0x2] =	wrdreg s24  }
0xaf: {  	[dreg:$0x3] =	wrdreg $0x0  }
0xb0: {  	[dreg:$0x4] =	wrdreg $0x9  }
0xb1: {  	_ =	task.clear_ibuf [dreg:s6], $0x5FFFF;
	_ =	strace $0x9000004C  }
0xb2: {  	s29 =	simm.s32 $0x9;
	_ =	strace $0x8000004E  }
0xb3: {  	_ =	swait.ge [sflag:s29], $0x1  }
0xb4: {  	[sflag:s29] =	ssyncadd.s32 $0xFFFFFFFF  }
0xb5: {  	_ =	strace $0x9000004E  }
0xb6: {  	_ =	sfence  }
0xb7: {  	s30 =	sld [smem:$0x0];
	_ =	sdelay $0x2  }
0xb8: {  	s31 =	sshll.u32 s1, $0xD;
	s1 =	sshrl.u32 s1, $0x2  }
0xb9: {  	s3 =	sand.u32 $0x4000, s31;
	s1 =	sadd.s32 s1, s30  }
0xba: {  	s0 =	sor.u32 s3, s0;
	s1 =	sshll.u32 s1, $0x11  }
0xbb: {  	s0 =	sor.u32 s1, s0  }
0xbc: {  	s0 =	sadd.s32 $0x8F2B, s0  }
0xbd: {  	[sflag:s0] =	ssyncadd.remote.s32 $0x1  }
0xbe: {  	_ =	sfence.sel $0xFFFF  }
0xbf: {  	[dreg:$0x0] =	wrdreg $0xFFFFFFFF;
	(pc) =	sbr.abs _section_cstart, $3  }
0xc0: {  	[dreg:$0x1] =	wrdreg $0xFFFFFFFF  }
0xc1: {  	_ =	task.clear_ibuf [dreg:s6], $0x2FFFF;
	_ =	strace $0x9FFFFFFF  }
0xc2: {  	(tm) =	ssettm $0x7FFFFFFF  }
0xc3: {  	_ =	shalt  }
tec
execute0_lowered:
.L_overlay_start_1:
0x0: {  	(tag) =	ssettag $0x1  }
0x1: {  	s6 =	rddreg [dreg:$0x0]  }
0x2: {  	s2 =	rddreg [dreg:$0x1]  }
0x3: {  	s0 =	srdreg.scid;
	s1 =	rddreg [dreg:$0x2];
	s3 =	simm.s32 $0x0  }
0x4: {  	s14 =	simm.s32 $0x14000;
	s15 =	simm.s32 $0x15400;
	s16 =	simm.s32 $0x80  }
0x5: {  	s17 =	simm.s32 $0x16800;
	s18 =	simm.s32 $0x1A800;
	s19 =	simm.s32 $0x1  }
0x6: {  	s20 =	simm.s32 $0x2;
	s21 =	simm.s32 $0x15380;
	s7 =	sand.u32 $0x1, s0  }
0x7: {  	s22 =	simm.s32 $0x16700;
	s0 =	stileid.u32;
	s8 =	smul.u32 $0x28000, s7  }
0x8: {  	s23 =	simm.s32 $0x16780;
	[smem:$0x7FF] =	sst s3;
	s24 =	smul.u32 $0x2800, s0  }
0x9: {  	_ =	strace $0x8000004D;
	s7 =	ssub.s32 $0x2, s7;
	s28 =	smul.u32 $0x50000, s0  }
0xa: {  	s12 =	sshll.u32 s0, $0x6;
	s29 =	sshrl.u32 s7, $0x1;
	s4 =	sadd.s32 s8, s24  }
0xb: {  	s9 =	sshrl.u32 s24, $0x3;
	s8 =	sadd.s32 s8, s6;
	s13 =	ssub.s32 s7, s29  }
0xc: {  	s30 =	sshrl.u32 s28, $0x2;
	s5 =	sshrl.u32 s4, $0x3;
	s4 =	sadd.s32 $0xBAC00, s6  }
0xd: {  	s11 =	sadd.s32 s9, s6;
	s31 =	sadd.s32 s30, s2;
	s25 =	sadd.s32 $0x108E00, s8  }
0xe: {  	s8 =	smax.u32 s13, $0x1;
	s13 =	simm.s32 $0x3;
	s10 =	sadd.s32 s5, s6  }
0xf: {  	s5 =	sadd.s32 $0xB8400, s6;
	s6 =	sor.u32 $0x1C03, s12;
	s9 =	sadd.s32 $0x2800, s11  }
0x10: {  	s11 =	sadd.s32 $0x2A80, s11;
	s12 =	sshrl.u32 s31, $0x3;
	s24 =	sadd.s32 s24, s25  }
0x11: {  	s25 =	simm.s32 $0x0;
	s7 =	sadd.s32 $0x15AC00, s10;
	s10 =	sadd.s32 $0x15AE80, s10  }
.LBB2_1:
0x12: {  	[spmem:s12], [sflag:s6] =	dma.local [hbm:s5], $0x2800  }
0x13: {  	_ =	swait.ge [sflag:s13], $0x2800  }
0x14: {  	[sflag:s13] =	ssyncset.done $0x0  }
0x15: {  	[sflag:s13] =	ssyncadd.s32 $0xFFFFD800  }
0x16: {  	[bflag:$0x0] =	sbarrier.arrive $0xFFFF  }
0x17: {  	[tilespmem:s14], [sflag:$0x3] =	stream.linear.gather [hbm4b:s7+s3], $0x1400, $0x38;
	[tilespmem:$0x1E800] =	vst v63  }
0x18: {  	_ =	swait.ge [sflag:s13], $0x1400  }
0x19: {  	[sflag:s13] =	ssyncset.done $0x0  }
0x1a: {  	[sflag:s13] =	ssyncadd.s32 $0xFFFFEC00  }
0x1b: {  	[tilespmem:s15], [sflag:$0x3] =	stream.linear.gather [hbm4b:s9+s3], $0x1400, $0x38;
	[tilespmem:$0x1E800] =	vst v63  }
0x1c: {  	_ =	swait.ge [sflag:s13], $0x1400  }
0x1d: {  	[sflag:s13] =	ssyncset.done $0x0  }
0x1e: {  	[sflag:s13] =	ssyncadd.s32 $0xFFFFEC00  }
0x1f: {  	[tilespmem:s17], [sflag:$0x1] =	stream.indirect.gather [hbm4b:s4+s16], $0x80, s14, s16, $0xb8;
	[tilespmem:$0x1E800] =	vst v63  }
0x20: {  	s26 =	simm.s32 $0x14080  }
0x21: {  	[tilespmem:s18], [sflag:$0x2] =	stream.indirect.gather [hbm4b:s4+s16], $0x80, s26, s16, $0xb8;
	[tilespmem:$0x1E800] =	vst v63  }
0x22: {  	_ =	swait.ge [sflag:s19], $0x4000  }
0x23: {  	[sflag:s19] =	ssyncset.done $0x0  }
0x24: {  	s29 =	simm.s32 $0x15400;
	[sflag:s19] =	ssyncadd.s32 $0xFFFFC000  }
0x25: {  	[spmem:s2] =	stream.indirect.scatter.add.f32 [tilespmem:s17], [sflag:$0x3], $0x80, s29, s16, $0xb8;
	[tilespmem:$0x1E800] =	vst v63  }
0x26: {  	_ =	swait.ge [sflag:s13], $0x4000  }
0x27: {  	[sflag:s13] =	ssyncset.done $0x0  }
0x28: {  	s30 =	simm.s32 $0x14100;
	[sflag:s13] =	ssyncadd.s32 $0xFFFFC000  }
0x29: {  	[tilespmem:s17], [sflag:$0x1] =	stream.indirect.gather [hbm4b:s4+s16], $0x80, s30, s16, $0xb8;
	[tilespmem:$0x1E800] =	vst v63  }
0x2a: {  	_ =	swait.ge [sflag:s20], $0x4000  }
0x2b: {  	[sflag:s20] =	ssyncset.done $0x0  }
0x2c: {  	s31 =	simm.s32 $0x15480;
	[sflag:s20] =	ssyncadd.s32 $0xFFFFC000  }
0x2d: {  	[spmem:s2] =	stream.indirect.scatter.add.f32 [tilespmem:s18], [sflag:$0x3], $0x80, s31, s16, $0xb8;
	[tilespmem:$0x1E800] =	vst v63  }
0x2e: {  	_ =	swait.ge [sflag:s13], $0x4000  }
0x2f: {  	s28 =	simm.s32 $0x800;
	s26 =	simm.s32 $0x100;
	[sflag:s13] =	ssyncset.done $0x0  }
.LBB2_2:
0x30: {  	s29 =	sadd.s32 $0x14080, s26  }
0x31: {  	[sflag:s13] =	ssyncadd.s32 $0xFFFFC000;
	s30 =	smov.u32 s28;
	s31 =	sadd.s32 $0x400, s28  }
0x32: {  	[tilespmem:s18], [sflag:$0x2] =	stream.indirect.gather [hbm4b:s4+s16], $0x80, s29, s16, $0xb8;
	[tilespmem:$0x1E800] =	vst v63  }
0x33: {  	p0 =	sne.s32 s28, $0x4800;
	_ =	swait.ge [sflag:s19], $0x4000  }
0x34: {  	[sflag:s19] =	ssyncset.done $0x0  }
0x35: {  	s28 =	sadd.s32 $0x15400, s26;
	[sflag:s19] =	ssyncadd.s32 $0xFFFFC000  }
0x36: {  	[spmem:s2] =	stream.indirect.scatter.add.f32 [tilespmem:s17], [sflag:$0x3], $0x80, s28, s16, $0xb8;
	[tilespmem:$0x1E800] =	vst v63  }
0x37: {  	_ =	swait.ge [sflag:s13], $0x4000  }
0x38: {  	[sflag:s13] =	ssyncset.done $0x0  }
0x39: {  	s28 =	sadd.s32 $0x14100, s26;
	[sflag:s13] =	ssyncadd.s32 $0xFFFFC000  }
0x3a: {  	[tilespmem:s17], [sflag:$0x1] =	stream.indirect.gather [hbm4b:s4+s16], $0x80, s28, s16, $0xb8;
	[tilespmem:$0x1E800] =	vst v63  }
0x3b: {  	_ =	swait.ge [sflag:s20], $0x4000  }
.Ltmp0:
0x3c: {  	[sflag:s20] =	ssyncset.done $0x0;
	(pc) =	sbr.rel @p0 .LBB2_2-.Ltmp0, $4  }
0x3d: {  	s26 =	sadd.s32 $0x15480, s26;
	[sflag:s20] =	ssyncadd.s32 $0xFFFFC000  }
0x3e: {  	[spmem:s2] =	stream.indirect.scatter.add.f32 [tilespmem:s18], [sflag:$0x3], $0x80, s26, s16, $0xb8;
	[tilespmem:$0x1E800] =	vst v63  }
0x3f: {  	_ =	swait.ge [sflag:s13], $0x4000  }
0x40: {  	s28 =	smov.u32 s31;
	s26 =	sshra.s32 s30, $0x2;
	[sflag:s13] =	ssyncset.done $0x0  }
0x41: {  	s28 =	sadd.s32 $0x14080, s26;
	[sflag:s13] =	ssyncadd.s32 $0xFFFFC000  }
0x42: {  	[tilespmem:s18], [sflag:$0x2] =	stream.indirect.gather [hbm4b:s4+s16], $0x80, s28, s16, $0xb8;
	[tilespmem:$0x1E800] =	vst v63  }
0x43: {  	_ =	swait.ge [sflag:s19], $0x4000  }
0x44: {  	[sflag:s19] =	ssyncset.done $0x0  }
0x45: {  	s28 =	sadd.s32 $0x15400, s26;
	[sflag:s19] =	ssyncadd.s32 $0xFFFFC000  }
0x46: {  	[spmem:s2] =	stream.indirect.scatter.add.f32 [tilespmem:s17], [sflag:$0x3], $0x80, s28, s16, $0xb8;
	[tilespmem:$0x1E800] =	vst v63  }
0x47: {  	_ =	swait.ge [sflag:s13], $0x4000  }
0x48: {  	[sflag:s13] =	ssyncset.done $0x0  }
0x49: {  	s28 =	sadd.s32 $0x14100, s26;
	[sflag:s13] =	ssyncadd.s32 $0xFFFFC000  }
0x4a: {  	[tilespmem:s17], [sflag:$0x1] =	stream.indirect.gather [hbm4b:s4+s16], $0x80, s28, s16, $0xb8;
	[tilespmem:$0x1E800] =	vst v63  }
0x4b: {  	_ =	swait.ge [sflag:s20], $0x4000  }
0x4c: {  	[sflag:s20] =	ssyncset.done $0x0  }
0x4d: {  	s29 =	sadd.s32 $0x15480, s26;
	[sflag:s20] =	ssyncadd.s32 $0xFFFFC000  }
0x4e: {  	[spmem:s2] =	stream.indirect.scatter.add.f32 [tilespmem:s18], [sflag:$0x3], $0x80, s29, s16, $0xb8;
	[tilespmem:$0x1E800] =	vst v63  }
0x4f: {  	_ =	swait.ge [sflag:s13], $0x4000  }
0x50: {  	[sflag:s13] =	ssyncset.done $0x0  }
0x51: {  	[sflag:s13] =	ssyncadd.s32 $0xFFFFC000  }
0x52: {  	[tilespmem:s18], [sflag:$0x2] =	stream.indirect.gather [hbm4b:s4+s16], $0x80, s21, s16, $0xb8;
	[tilespmem:$0x1E800] =	vst v63  }
0x53: {  	_ =	swait.ge [sflag:s19], $0x4000  }
0x54: {  	[sflag:s19] =	ssyncset.done $0x0  }
0x55: {  	[sflag:s19] =	ssyncadd.s32 $0xFFFFC000  }
0x56: {  	[spmem:s2] =	stream.indirect.scatter.add.f32 [tilespmem:s17], [sflag:$0x3], $0x80, s22, s16, $0xb8;
	[tilespmem:$0x1E800] =	vst v63  }
0x57: {  	_ =	swait.ge [sflag:s13], $0x4000  }
0x58: {  	[sflag:s13] =	ssyncset.done $0x0  }
0x59: {  	[sflag:s13] =	ssyncadd.s32 $0xFFFFC000  }
0x5a: {  	_ =	swait.ge [sflag:s20], $0x4000  }
0x5b: {  	[sflag:s20] =	ssyncset.done $0x0  }
0x5c: {  	[sflag:s20] =	ssyncadd.s32 $0xFFFFC000  }
0x5d: {  	[spmem:s2] =	stream.indirect.scatter.add.f32 [tilespmem:s18], [sflag:$0x3], $0x80, s23, s16, $0xb8;
	[tilespmem:$0x1E800] =	vst v63  }
0x5e: {  	_ =	swait.ge [sflag:s13], $0x4000  }
0x5f: {  	[sflag:s13] =	ssyncset.done $0x0  }
0x60: {  	s30 =	simm.s32 $0x0;
	[sflag:s13] =	ssyncadd.s32 $0xFFFFC000  }
0x61: {  	[tilespmem:s14], [sflag:$0x3] =	stream.linear.gather [hbm4b:s10+s30], $0x1400, $0x38;
	[tilespmem:$0x1E800] =	vst v63  }
0x62: {  	_ =	swait.ge [sflag:s13], $0x1400  }
0x63: {  	[sflag:s13] =	ssyncset.done $0x0  }
0x64: {  	[sflag:s13] =	ssyncadd.s32 $0xFFFFEC00  }
0x65: {  	[tilespmem:s15], [sflag:$0x3] =	stream.linear.gather [hbm4b:s11+s30], $0x1400, $0x38;
	[tilespmem:$0x1E800] =	vst v63  }
0x66: {  	_ =	swait.ge [sflag:s13], $0x1400  }
0x67: {  	[sflag:s13] =	ssyncset.done $0x0  }
0x68: {  	[sflag:s13] =	ssyncadd.s32 $0xFFFFEC00  }
0x69: {  	[tilespmem:s17], [sflag:$0x1] =	stream.indirect.gather [hbm4b:s4+s16], $0x80, s14, s16, $0xb8;
	[tilespmem:$0x1E800] =	vst v63  }
0x6a: {  	s31 =	simm.s32 $0x14080  }
0x6b: {  	[tilespmem:s18], [sflag:$0x2] =	stream.indirect.gather [hbm4b:s4+s16], $0x80, s31, s16, $0xb8;
	[tilespmem:$0x1E800] =	vst v63  }
0x6c: {  	_ =	swait.ge [sflag:s19], $0x4000  }
0x6d: {  	[sflag:s19] =	ssyncset.done $0x0  }
0x6e: {  	s29 =	simm.s32 $0x15400;
	[sflag:s19] =	ssyncadd.s32 $0xFFFFC000  }
0x6f: {  	[spmem:s2] =	stream.indirect.scatter.add.f32 [tilespmem:s17], [sflag:$0x3], $0x80, s29, s16, $0xb8;
	[tilespmem:$0x1E800] =	vst v63  }
0x70: {  	_ =	swait.ge [sflag:s13], $0x4000  }
0x71: {  	[sflag:s13] =	ssyncset.done $0x0  }
0x72: {  	s30 =	simm.s32 $0x14100;
	[sflag:s13] =	ssyncadd.s32 $0xFFFFC000  }
0x73: {  	[tilespmem:s17], [sflag:$0x1] =	stream.indirect.gather [hbm4b:s4+s16], $0x80, s30, s16, $0xb8;
	[tilespmem:$0x1E800] =	vst v63  }
0x74: {  	_ =	swait.ge [sflag:s20], $0x4000  }
0x75: {  	[sflag:s20] =	ssyncset.done $0x0  }
0x76: {  	s31 =	simm.s32 $0x15480;
	[sflag:s20] =	ssyncadd.s32 $0xFFFFC000  }
0x77: {  	[spmem:s2] =	stream.indirect.scatter.add.f32 [tilespmem:s18], [sflag:$0x3], $0x80, s31, s16, $0xb8;
	[tilespmem:$0x1E800] =	vst v63  }
0x78: {  	_ =	swait.ge [sflag:s13], $0x4000  }
0x79: {  	s26 =	simm.s32 $0x100;
	s28 =	simm.s32 $0x800;
	[sflag:s13] =	ssyncset.done $0x0  }
.LBB2_4:
0x7a: {  	s29 =	sadd.s32 $0x14080, s26  }
0x7b: {  	[sflag:s13] =	ssyncadd.s32 $0xFFFFC000;
	s30 =	smov.u32 s28;
	s31 =	sadd.s32 $0x400, s28  }
0x7c: {  	[tilespmem:s18], [sflag:$0x2] =	stream.indirect.gather [hbm4b:s4+s16], $0x80, s29, s16, $0xb8;
	[tilespmem:$0x1E800] =	vst v63  }
0x7d: {  	p0 =	sne.s32 s28, $0x4800;
	_ =	swait.ge [sflag:s19], $0x4000  }
0x7e: {  	[sflag:s19] =	ssyncset.done $0x0  }
0x7f: {  	s28 =	sadd.s32 $0x15400, s26;
	[sflag:s19] =	ssyncadd.s32 $0xFFFFC000  }
0x80: {  	[spmem:s2] =	stream.indirect.scatter.add.f32 [tilespmem:s17], [sflag:$0x3], $0x80, s28, s16, $0xb8;
	[tilespmem:$0x1E800] =	vst v63  }
0x81: {  	_ =	swait.ge [sflag:s13], $0x4000  }
0x82: {  	[sflag:s13] =	ssyncset.done $0x0  }
0x83: {  	s28 =	sadd.s32 $0x14100, s26;
	[sflag:s13] =	ssyncadd.s32 $0xFFFFC000  }
0x84: {  	[tilespmem:s17], [sflag:$0x1] =	stream.indirect.gather [hbm4b:s4+s16], $0x80, s28, s16, $0xb8;
	[tilespmem:$0x1E800] =	vst v63  }
0x85: {  	_ =	swait.ge [sflag:s20], $0x4000  }
.Ltmp1:
0x86: {  	[sflag:s20] =	ssyncset.done $0x0;
	(pc) =	sbr.rel @p0 .LBB2_4-.Ltmp1, $4  }
0x87: {  	s26 =	sadd.s32 $0x15480, s26;
	[sflag:s20] =	ssyncadd.s32 $0xFFFFC000  }
0x88: {  	[spmem:s2] =	stream.indirect.scatter.add.f32 [tilespmem:s18], [sflag:$0x3], $0x80, s26, s16, $0xb8;
	[tilespmem:$0x1E800] =	vst v63  }
0x89: {  	_ =	swait.ge [sflag:s13], $0x4000  }
0x8a: {  	s28 =	smov.u32 s31;
	s26 =	sshra.s32 s30, $0x2;
	[sflag:s13] =	ssyncset.done $0x0  }
0x8b: {  	s28 =	sadd.s32 $0x14080, s26;
	[sflag:s13] =	ssyncadd.s32 $0xFFFFC000  }
0x8c: {  	[tilespmem:s18], [sflag:$0x2] =	stream.indirect.gather [hbm4b:s4+s16], $0x80, s28, s16, $0xb8;
	[tilespmem:$0x1E800] =	vst v63  }
0x8d: {  	_ =	swait.ge [sflag:s19], $0x4000  }
0x8e: {  	[sflag:s19] =	ssyncset.done $0x0  }
0x8f: {  	s29 =	sadd.s32 $0x15400, s26;
	[sflag:s19] =	ssyncadd.s32 $0xFFFFC000  }
0x90: {  	[spmem:s2] =	stream.indirect.scatter.add.f32 [tilespmem:s17], [sflag:$0x3], $0x80, s29, s16, $0xb8;
	[tilespmem:$0x1E800] =	vst v63  }
0x91: {  	_ =	swait.ge [sflag:s13], $0x4000  }
0x92: {  	[sflag:s13] =	ssyncset.done $0x0  }
0x93: {  	s30 =	sadd.s32 $0x14100, s26;
	[sflag:s13] =	ssyncadd.s32 $0xFFFFC000  }
0x94: {  	[tilespmem:s17], [sflag:$0x1] =	stream.indirect.gather [hbm4b:s4+s16], $0x80, s30, s16, $0xb8;
	[tilespmem:$0x1E800] =	vst v63  }
0x95: {  	_ =	swait.ge [sflag:s20], $0x4000  }
0x96: {  	[sflag:s20] =	ssyncset.done $0x0  }
0x97: {  	s31 =	sadd.s32 $0x15480, s26;
	[sflag:s20] =	ssyncadd.s32 $0xFFFFC000  }
0x98: {  	[spmem:s2] =	stream.indirect.scatter.add.f32 [tilespmem:s18], [sflag:$0x3], $0x80, s31, s16, $0xb8;
	[tilespmem:$0x1E800] =	vst v63  }
0x99: {  	_ =	swait.ge [sflag:s13], $0x4000  }
0x9a: {  	[sflag:s13] =	ssyncset.done $0x0  }
0x9b: {  	[sflag:s13] =	ssyncadd.s32 $0xFFFFC000  }
0x9c: {  	[tilespmem:s18], [sflag:$0x2] =	stream.indirect.gather [hbm4b:s4+s16], $0x80, s21, s16, $0xb8;
	[tilespmem:$0x1E800] =	vst v63  }
0x9d: {  	_ =	swait.ge [sflag:s19], $0x4000  }
0x9e: {  	[sflag:s19] =	ssyncset.done $0x0  }
0x9f: {  	[sflag:s19] =	ssyncadd.s32 $0xFFFFC000  }
0xa0: {  	[spmem:s2] =	stream.indirect.scatter.add.f32 [tilespmem:s17], [sflag:$0x3], $0x80, s22, s16, $0xb8;
	[tilespmem:$0x1E800] =	vst v63  }
0xa1: {  	_ =	swait.ge [sflag:s13], $0x4000  }
0xa2: {  	[sflag:s13] =	ssyncset.done $0x0  }
0xa3: {  	[sflag:s13] =	ssyncadd.s32 $0xFFFFC000  }
0xa4: {  	_ =	swait.ge [sflag:s20], $0x4000  }
0xa5: {  	[sflag:s20] =	ssyncset.done $0x0  }
0xa6: {  	[sflag:s20] =	ssyncadd.s32 $0xFFFFC000  }
0xa7: {  	[spmem:s2] =	stream.indirect.scatter.add.f32 [tilespmem:s18], [sflag:$0x3], $0x80, s23, s16, $0xb8;
	[tilespmem:$0x1E800] =	vst v63  }
0xa8: {  	_ =	swait.ge [sflag:s13], $0x4000  }
0xa9: {  	s25 =	sadd.s32 $0x1, s25;
	[sflag:s13] =	ssyncset.done $0x0  }
0xaa: {  	p0 =	sne.s32 s25, s8;
	[sflag:s13] =	ssyncadd.s32 $0xFFFFC000  }
.Ltmp2:
0xab: {  	[bflag:$0x0] =	sbarrier.arrive $0xFFFF;
	(pc) =	sbr.rel @p0 .LBB2_1-.Ltmp2, $4  }
0xac: {  	[hbm:s24], [sflag:s6] =	dma.local [spmem:s12], $0x2800  }
0xad: {  	_ =	swait.ge [sflag:s13], $0x2800  }
0xae: {  	[sflag:s13] =	ssyncset.done $0x0  }
0xaf: {  	[sflag:s13] =	ssyncadd.s32 $0xFFFFD800  }
0xb0: {  	_ =	sfence.sel $0x180000  }
0xb1: {  	[bflag:$0x0] =	sbarrier.arrive $0xFFFF  }
0xb2: {  	p0 =	sne.s32 s0, $0x0;
	_ =	strace $0x9000004D  }
0xb3: {  	s0 =	sadd.s32 @!p0 $0x100000, s1;
	[bflag:$0x2] =	sbarrier.arrive $0xFFFF  }
0xb4: {  	[sflag:s0] =	ssyncadd.tile.s32 @!p0 $0x1;
	_ =	shalt  }
.Lfunc_end2:
_tile_overlayer_lowered:
.L_overlay_start_2:
0xb5: {  	(tag) =	ssettag $0x2  }
0xb6: {  	s0 =	rddreg [dreg:$0x0];
	s2 =	stileid.u32  }
0xb7: {  	s1 =	rddreg [dreg:$0x1];
	p0 =	sne.s32 s2, $0x0  }
0xb8: {  	s3 =	rddreg [dreg:$0x2];
	[bflag:$0x3] =	sbarrier.arrive $0xFFFF;
	s2 =	simm.s32 @!p0 $0x1C03  }
0xb9: {  	[timem:s3], [sflag:s2] =	dma.local @!p0 [hbm:s0], s1  }
0xba: {  	s0 =	simm.s32 @!p0 $0x3  }
0xbb: {  	_ =	swait.ge @!p0 [sflag:s0], s1  }
0xbc: {  	s1 =	ssub.s32 @!p0 $0x0, s1;
	[sflag:s0] =	ssyncset.done @!p0 $0x0  }
0xbd: {  	[sflag:s0] =	ssyncadd.s32 @!p0 s1  }
0xbe: {  	[bflag:$0x3] =	sbarrier.arrive $0xFFFF  }
0xbf: {  	_ =	shalt  }

// kernel: kernel.8.cloned.1.call-start
scs
__scs_entry_jumppad:
0x0: {  	(pc) =	sbr.rel $0x88, $3  }
0x1: {  	(tag) =	ssettag $0x0;
	lr =	simm.s32 $0x1  }
0x2: {  	[smem:$0x3F94] =	sst lr;
	_ =	strace $0xD0000000  }
0x3: {  	_ = 	snop  }
0x4: {  	_ = 	snop  }
0x5: {  	_ = 	snop  }
0x6: {  	_ = 	snop  }
0x7: {  	_ = 	snop  }
__scs_overlays_trampoline_lowered:
0x8: {  	[smem:$0x3FA3] =	sst s0  }
0x9: {  	[smem:$0x3FA4] =	sst s1  }
0xa: {  	[smem:$0x3FA5] =	sst s2  }
0xb: {  	[smem:$0x3FA6] =	sst s3  }
0xc: {  	[smem:$0x3FA7] =	sst s4  }
0xd: {  	[smem:$0x3FA8] =	sst s5  }
0xe: {  	[smem:$0x3FA9] =	sst s6  }
0xf: {  	[smem:$0x3FAA] =	sst s7  }
0x10: {  	[smem:$0x3FAB] =	sst s8  }
0x11: {  	[smem:$0x3FAC] =	sst s9;
	s0 =	simm.s32 @!p0 $0x0  }
0x12: {  	s1 =	sld [smem:$0x3F92];
	s0 =	simm.s32 @p0 $0x1  }
0x13: {  	[smem:$0x3FAD] =	sst s0;
	s0 =	simm.s32 @!p1 $0x0  }
0x14: {  	s2 =	sld [smem:$0x3F91];
	s0 =	simm.s32 @p1 $0x1  }
0x15: {  	[smem:$0x3FAE] =	sst s0;
	s0 =	simm.s32 @!p2 $0x0  }
0x16: {  	s3 =	sld [smem:$0x3FDB];
	s0 =	simm.s32 @p2 $0x1  }
0x17: {  	s4 =	simm.s32 $0x1BF5;
	[smem:$0x3FB0] =	sst s0  }
0x18: {  	s0 =	sld [smem:$0x3F93];
	_ =	swait.ge [sflag:s4], $0x0  }
0x19: {  	s7 =	sld [smem:$0x3F94]  }
0x1a: {  	s8 =	sadd.s32 $0xFFFFE003, lr  }
0x1b: {  	s9 =	sadd.s32 $0xFFFFFEF7, lr;
	s5 =	simm.s32 $0xFFFFFFFF;
	p2 =	slt.u32 s8, $0xFFFFF086  }
0x1c: {  	p1 =	slt.u32 s9, $0xF7A;
	s5 =	simm.s32 @!p2 $0x0  }
0x1d: {  	s5 =	simm.s32 @p1 $0x1;
	p0 =	seq.s32 s7, s2  }
0x1e: {  	s7 =	smul.u32 @!p0 $0xF7A, s2;
	p2 =	seq.s32 @!p0 s5, $0x0  }
0x1f: {  	s9 =	smul.u32 $0xF7A, s1;
	s8 =	simm.s32 @!p0 $0x1BF5;
	p2 =	por !p2, p0  }
0x20: {  	[sflag:s8] =	ssyncset.s32 @!p0 $0xFFFFF086;
	s6 =	sadd.s32 @!p0 s3, s7;
	s7 =	simm.s32 @!p0 $0x108  }
0x21: {  	s3 =	sadd.s32 s3, s9;
	s6 =	sadd.s32 @!p0 $0x88, s6;
	s7 =	simm.s32 @p2 $0x1082  }
0x22: {  	[simem:s7], [sflag:s8] =	dma.local @!p0 [hbm:s6], $0xF7A  }
0x23: {  	s9 =	sor.u32 $0xD0000000, s2;
	s6 =	simm.s32 $0x108;
	_ =	swait.ge @!p0 [sflag:s8], $0x0  }
0x24: {  	s3 =	sadd.s32 $0x88, s3;
	s6 =	simm.s32 @!p1 $0x1082;
	[sflag:s4] =	ssyncset.s32 $0xFFFFF086  }
0x25: {  	[simem:s6], [sflag:s4] =	dma.local [hbm:s3], $0xF7A  }
0x26: {  	[smem:$0x3F94] =	sst s1;
	(tag) =	ssettag s2;
	_ =	strace s9  }
0x27: {  	s1 =	sld [smem:$0x3FA4]  }
0x28: {  	s2 =	sld [smem:$0x3FA5]  }
0x29: {  	s4 =	sld [smem:$0x3FA7]  }
0x2a: {  	p0 =	seq.s32 s5, $0x0;
	s5 =	sld [smem:$0x3FA8]  }
0x2b: {  	s6 =	sld [smem:$0x3FA9]  }
0x2c: {  	s7 =	sld [smem:$0x3FAA]  }
0x2d: {  	s3 =	simm.s32 $0x108;
	s8 =	sld [smem:$0x3FAB]  }
0x2e: {  	s3 =	simm.s32 @!p0 $0x1082;
	s9 =	sld [smem:$0x3FAC]  }
0x2f: {  	lr =	sadd.s32 s0, s3;
	s0 =	sld [smem:$0x3FA3]  }
0x30: {  	s3 =	sld [smem:$0x3FA6]  }
0x31: {  	[smem:$0x3FAF] =	sst s10  }
0x32: {  	s10 =	sld [smem:$0x3FAD];
	_ =	sdelay $0x3  }
0x33: {  	p0 =	seq.s32 s10, $0x1;
	s10 =	sld [smem:$0x3FAF];
	_ =	sdelay $0x3  }
0x34: {  	[smem:$0x3FAF] =	sst s10  }
0x35: {  	s10 =	sld [smem:$0x3FAE];
	_ =	sdelay $0x3  }
0x36: {  	p1 =	seq.s32 s10, $0x1;
	s10 =	sld [smem:$0x3FAF];
	_ =	sdelay $0x3  }
0x37: {  	[smem:$0x3FAF] =	sst s10  }
0x38: {  	s10 =	sld [smem:$0x3FB0]  }
0x39: {  	_ = 	snop;
	(pc) =	sbr.ind lr, $3  }
0x3a: {  	_ = 	snop  }
0x3b: {  	_ = 	snop  }
0x3c: {  	p2 =	seq.s32 s10, $0x1;
	s10 =	sld [smem:$0x3FAF]  }
0x3d: {  	_ =	shalt  }
0x3e: {  	_ =	shalt  }
0x3f: {  	_ =	shalt  }
0x40: {  	_ =	shalt  }
0x41: {  	_ =	shalt  }
0x42: {  	_ =	shalt  }
0x43: {  	_ =	shalt  }
0x44: {  	_ =	shalt  }
0x45: {  	_ =	shalt  }
0x46: {  	_ =	shalt  }
0x47: {  	_ =	shalt  }
0x48: {  	_ =	shalt  }
0x49: {  	_ =	shalt  }
0x4a: {  	_ =	shalt  }
0x4b: {  	_ =	shalt  }
0x4c: {  	_ =	shalt  }
0x4d: {  	_ =	shalt  }
0x4e: {  	_ =	shalt  }
0x4f: {  	_ =	shalt  }
0x50: {  	_ =	shalt  }
0x51: {  	_ =	shalt  }
0x52: {  	_ =	shalt  }
0x53: {  	_ =	shalt  }
0x54: {  	_ =	shalt  }
0x55: {  	_ =	shalt  }
0x56: {  	_ =	shalt  }
0x57: {  	_ =	shalt  }
0x58: {  	_ =	shalt  }
0x59: {  	_ =	shalt  }
0x5a: {  	_ =	shalt  }
0x5b: {  	_ =	shalt  }
0x5c: {  	_ =	shalt  }
0x5d: {  	_ =	shalt  }
0x5e: {  	_ =	shalt  }
0x5f: {  	_ =	shalt  }
0x60: {  	_ =	shalt  }
0x61: {  	_ =	shalt  }
0x62: {  	_ =	shalt  }
0x63: {  	_ =	shalt  }
0x64: {  	_ =	shalt  }
0x65: {  	_ =	shalt  }
0x66: {  	_ =	shalt  }
0x67: {  	_ =	shalt  }
0x68: {  	_ =	shalt  }
0x69: {  	_ =	shalt  }
0x6a: {  	_ =	shalt  }
0x6b: {  	_ =	shalt  }
0x6c: {  	_ =	shalt  }
0x6d: {  	_ =	shalt  }
0x6e: {  	_ =	shalt  }
0x6f: {  	_ =	shalt  }
0x70: {  	_ =	shalt  }
0x71: {  	_ =	shalt  }
0x72: {  	_ =	shalt  }
0x73: {  	_ =	shalt  }
0x74: {  	_ =	shalt  }
0x75: {  	_ =	shalt  }
0x76: {  	_ =	shalt  }
0x77: {  	_ =	shalt  }
0x78: {  	_ =	shalt  }
0x79: {  	_ =	shalt  }
0x7a: {  	_ =	shalt  }
0x7b: {  	_ =	shalt  }
0x7c: {  	_ =	shalt  }
0x7d: {  	_ =	shalt  }
0x7e: {  	_ =	shalt  }
0x7f: {  	_ =	shalt  }
0x80: {  	_ =	shalt  }
0x81: {  	_ =	shalt  }
0x82: {  	_ =	shalt  }
0x83: {  	_ =	shalt  }
0x84: {  	_ =	shalt  }
0x85: {  	_ =	shalt  }
0x86: {  	_ =	shalt  }
0x87: {  	_ =	shalt  }
.Lfunc_end0:
.L_simem_size_0:
called_computation_lowered:
.L_overlay_start_0:
0x88: {  	s2 =	sld [smem:$0x3FD9]  }
0x89: {  	s3 =	sld [smem:$0x3FFE];
	_ =	sdelay $0x1  }
0x8a: {  	s1 =	srdreg.scid  }
0x8b: {  	s0 =	sand.u32 $0x1, s1  }
0x8c: {  	s17 =	sshll.u32 s0, $0xA;
	s2 =	sadd.s32 s3, s2  }
0x8d: {  	s2 =	sadd.s32 s2, s17  }
0x8e: {  	[smem:$0x3FBB] =	sst s2  }
0x8f: {  	_ = 	snop  }
0x90: {  	s2 =	sld [smem:$0x3FD0];
	(tm) =	ssettm $0x1  }
0x91: {  	s18 =	sld [smem:$0x3FFB];
	_ =	sdelay $0x3  }
0x92: {  	_ =	strace s18  }
0x93: {  	s3 =	sld [smem:$0x3FFC];
	_ =	sdelay $0x3  }
0x94: {  	_ =	strace s3  }
0x95: {  	s3 =	sld [smem:$0x3FFD];
	_ =	sdelay $0x3  }
0x96: {  	_ =	strace s3  }
0x97: {  	_ =	strace $0x8FFFFFFF  }
0x98: {  	s19 =	sld [smem:$0x3FDB];
	_ =	sdelay $0x1  }
0x99: {  	s4 =	simm.s32 $_scs_section_size  }
0x9a: {  	s5 =	simm.s32 $_size__tile_overlayer_lowered;
	s6 =	simm.s32 $_tile_overlayer_lowered  }
0x9b: {  	s22 =	simm.s32 $0x1BFF;
	s21 =	sshll.u32 s6, $0x1;
	s3 =	sadd.s32 s4, s19  }
0x9c: {  	s7 =	simm.s32 $0x0;
	s20 =	sshll.u32 s5, $0x1;
	s5 =	sadd.s32 s21, s3  }
0x9d: {  	[timem:s7], [sflag:s22] =	dma.local [hbm:s5], s20  }
0x9e: {  	_ =	swait.ge [sflag:s22], s20  }
0x9f: {  	s4 =	ssub.s32 $0x0, s20;
	[sflag:s22] =	ssyncset.done $0x0  }
0xa0: {  	[sflag:s22] =	ssyncadd.s32 s4;
	_ =	sdelay $0x1  }
0xa1: {  	s23 =	simm.s32 $0x1B8B  }
0xa2: {  	_ =	swait.ge [sflag:s23], $0x1  }
0xa3: {  	[sflag:s23] =	ssyncset.done $0x0  }
0xa4: {  	s25 =	simm.s32 $0x1B8E;
	s24 =	sld [smem:$0x3FFE];
	[sflag:s23] =	ssyncadd.s32 $0xFFFFFFFF  }
0xa5: {  	s26 =	simm.s32 $execute0_lowered;
	[smem:$0x3FD2] =	sst s25  }
0xa6: {  	s5 =	sshll.u32 s26, $0x1;
	_ =	strace $0x80000046;
	[dreg:$0x1] =	wrdreg $0xFFFFFFFF  }
0xa7: {  	s28 =	simm.s32 $_size_execute0_lowered;
	s3 =	sadd.s32 s3, s5;
	[dreg:$0x0] =	wrdreg $0x0  }
0xa8: {  	s5 =	sshll.u32 s28, $0x1;
	[dreg:$0x2] =	wrdreg s3  }
0xa9: {  	[dreg:$0x3] =	wrdreg s5  }
0xaa: {  	[dreg:$0x4] =	wrdreg $0xC0  }
0xab: {  	_ =	task [dreg:s7], $0x5FFFF  }
0xac: {  	[dreg:$0x1] =	wrdreg $0xFFFFFFFF  }
0xad: {  	[dreg:$0x0] =	wrdreg $0x60  }
0xae: {  	[dreg:$0x2] =	wrdreg s24  }
0xaf: {  	[dreg:$0x3] =	wrdreg s2  }
0xb0: {  	[dreg:$0x4] =	wrdreg $0x0  }
0xb1: {  	[dreg:$0x5] =	wrdreg $0x9  }
0xb2: {  	_ =	task.clear_ibuf [dreg:s7], $0x6FFFF;
	_ =	strace $0x90000046  }
0xb3: {  	s29 =	simm.s32 $0x9;
	_ =	strace $0x80000048  }
0xb4: {  	_ =	swait.ge [sflag:s29], $0x1  }
0xb5: {  	[sflag:s29] =	ssyncadd.s32 $0xFFFFFFFF  }
0xb6: {  	_ =	strace $0x90000048  }
0xb7: {  	_ =	sfence  }
0xb8: {  	s30 =	sld [smem:$0x0];
	_ =	sdelay $0x2  }
0xb9: {  	s31 =	sshll.u32 s1, $0xD;
	s1 =	sshrl.u32 s1, $0x2  }
0xba: {  	s3 =	sand.u32 $0x4000, s31;
	s1 =	sadd.s32 s1, s30  }
0xbb: {  	s0 =	sor.u32 s3, s0;
	s1 =	sshll.u32 s1, $0x11  }
0xbc: {  	s0 =	sor.u32 s1, s0  }
0xbd: {  	s0 =	sadd.s32 $0x8F2B, s0  }
0xbe: {  	[sflag:s0] =	ssyncadd.remote.s32 $0x1  }
0xbf: {  	_ =	sfence.sel $0xFFFF  }
0xc0: {  	[dreg:$0x0] =	wrdreg $0xFFFFFFFF;
	(pc) =	sbr.abs _section_cstart, $3  }
0xc1: {  	[dreg:$0x1] =	wrdreg $0xFFFFFFFF  }
0xc2: {  	_ =	task.clear_ibuf [dreg:s7], $0x2FFFF;
	_ =	strace $0x9FFFFFFF  }
0xc3: {  	(tm) =	ssettm $0x7FFFFFFF  }
tec
execute0_lowered:
.L_overlay_start_1:
0x0: {  	(tag) =	ssettag $0x1  }
0x1: {  	s6 =	rddreg [dreg:$0x0]  }
0x2: {  	s2 =	rddreg [dreg:$0x1]  }
0x3: {  	s3 =	rddreg [dreg:$0x2]  }
0x4: {  	s0 =	rddreg [dreg:$0x3]  }
0x5: {  	s4 =	simm.s32 $0x0;
	s1 =	stileid.u32;
	s7 =	srdreg.scid  }
0x6: {  	s11 =	simm.s32 $0x5280;
	s14 =	simm.s32 $0x2A80;
	s15 =	simm.s32 $0x50  }
0x7: {  	s18 =	simm.s32 $0x0;
	[smem:$0x7FF] =	sst s4;
	s5 =	smul.u32 $0x500, s1  }
0x8: {  	s9 =	sshll.u32 s1, $0x7;
	s7 =	sand.u32 $0x1, s7;
	p0 =	slt.u32 s1, $0xA  }
0x9: {  	s31 =	sshll.u32 s1, $0xA;
	_ =	strace $0x80000047;
	s9 =	sadd.s32 s9, s6  }
0xa: {  	s30 =	ssub.s32 $0x2, s7;
	p1 =	seq.s32 s7, $0x0;
	s17 =	sadd.s32 s31, s3  }
0xb: {  	s8 =	sadd.s32 s5, s6;
	s5 =	sadd.s32 $0x7800, s6;
	s10 =	sshrl.u32 s30, $0x1  }
0xc: {  	p0 =	por !p1, !p0;
	s7 =	sadd.s32 $0x7A00, s9;
	p1 =	sgt.u32 s1, $0x9  }
0xd: {  	s9 =	simm.s32 $0x280;
	s10 =	ssub.s32 s30, s10;
	s6 =	sadd.s32 $0x2800, s8  }
0xe: {  	p0 =	por !p0, !p0;
	s12 =	sshll.u32 @!p1 s1, $0x6;
	s13 =	sshrl.u32 @!p1 s17, $0x3  }
0xf: {  	s8 =	smax.u32 s10, $0x1;
	s10 =	simm.s32 $0x1;
	s16 =	sshll.u32 @p0 s1, $0x6  }
0x10: {  	v0 =	vimm.f32 $0.0e+00;
	v1 =	vimm.f32 $1.000000000e+00;
	s12 =	sor.u32 @!p1 $0x1C01, s12;
	s17 =	sshrl.u32 @p0 s17, $0x3;
	s16 =	sor.u32 @p0 $0x1C01, s16  }
.LBB2_1:
0x11: {  	[tilespmem:s9], [sflag:$0x1] =	stream.linear.gather [hbm4b:s6+s4], $0x2800, $0x38;
	[tilespmem:$0x5300] =	vst v63  }
0x12: {  	_ =	swait.ge [sflag:s10], $0x2800  }
0x13: {  	[sflag:s10] =	ssyncset.done $0x0  }
0x14: {  	[sflag:s10] =	ssyncadd.s32 $0xFFFFD800  }
0x15: {  	[tilespmem:s11], [sflag:$0x1] =	stream.linear.gather [hbm4b:s5+s4], $0x80, $0x38;
	[tilespmem:$0x5300] =	vst v63  }
0x16: {  	_ =	swait.ge [sflag:s10], $0x80  }
0x17: {  	[sflag:s10] =	ssyncset.done $0x0  }
0x18: {  	s19 =	simm.s32 @!p1 $0x1;
	[sflag:s10] =	ssyncadd.s32 $0xFFFFFF80  }
0x19: {  	[spmem:s13], [sflag:s12] =	dma.local @!p1 [hbm:s2], $0x80  }
0x1a: {  	_ =	swait.ge @!p1 [sflag:s19], $0x80  }
0x1b: {  	[sflag:s19] =	ssyncset.done @!p1 $0x0  }
0x1c: {  	s20 =	simm.s32 $0x200;
	[sflag:s19] =	ssyncadd.s32 @!p1 $0xFFFFFF80;
	s19 =	simm.s32 $0x0  }
.LBB2_2:
0x1d: {  	p2 =	sne.s32 s20, $0x9E00;
	[tilespmem:s19+$0x2AF0] =	vst v0  }
0x1e: {  	[tilespmem:s19+$0x2A80] =	vst v0  }
0x1f: {  	[tilespmem:s19+$0x2A90] =	vst v0  }
.Ltmp0:
0x20: {  	[tilespmem:s19+$0x2AA0] =	vst v0;
	(pc) =	sbr.rel @p2 .LBB2_2-.Ltmp0, $4  }
0x21: {  	[tilespmem:s19+$0x2AB0] =	vst v0  }
0x22: {  	[tilespmem:s19+$0x2AC0] =	vst v0  }
0x23: {  	[tilespmem:s19+$0x2AD0] =	vst v0  }
0x24: {  	[tilespmem:s19+$0x2AE0] =	vst v0;
	s19 =	sshra.s32 s20, $0x2;
	s20 =	sadd.s32 $0x200, s20  }
0x25: {  	[tilespmem:s19+$0x2AF0] =	vst v0  }
0x26: {  	[tilespmem:s19+$0x2A80] =	vst v0  }
0x27: {  	[tilespmem:s19+$0x2A90] =	vst v0  }
0x28: {  	[tilespmem:s19+$0x2AA0] =	vst v0  }
0x29: {  	[tilespmem:s19+$0x2AB0] =	vst v0  }
0x2a: {  	[tilespmem:s19+$0x2AC0] =	vst v0  }
0x2b: {  	[tilespmem:s19+$0x2AD0] =	vst v0  }
0x2c: {  	[tilespmem:s19+$0x2AE0] =	vst v0  }
0x2d: {  	s19 =	simm.s32 $0x0;
	[bflag:$0x0] =	sbarrier.arrive $0xFFFF  }
.LBB2_4:
0x2e: {  	s20 =	sshra.s32 s19, $0x2  }
0x2f: {  	v2 =	vld [tilespmem:s20+$0x280];
	_ =	sdelay $0x4  }
0x30: {  	v3 =	vshra.s32 v2, $0x1F  }
0x31: {  	v3 =	vshrl.u32 v3, $0x19  }
0x32: {  	v3 =	vadd.s32 v3, v2  }
0x33: {  	v3 =	vshrl.u32 v3, $0x7  }
0x34: {  	v3 =	vshll.u32 v3, $0x7  }
0x35: {  	v4 =	vsub.s32 v2, v3  }
0x36: {  	v4 =	vand.u32 $0xFFFFFF80, v4  }
0x37: {  	v2 =	vand.u32 $0x7F, v2;
	v3 =	vadd.s32 v4, v3  }
0x38: {  	v2 =	vor.u32 v2, v3;
	_ =	sdelay $0x4  }
0x39: {  	[tilespmem:v2+s14+$0x0] =	vst.idx.add.f32.msk $0xffff, v1  }
0x3a: {  	v2 =	vld [tilespmem:s20+$0x290];
	_ =	sdelay $0x4  }
0x3b: {  	v3 =	vshra.s32 v2, $0x1F  }
0x3c: {  	v3 =	vshrl.u32 v3, $0x19  }
0x3d: {  	v3 =	vadd.s32 v3, v2  }
0x3e: {  	v3 =	vand.u32 $0xFFFFFF80, v3  }
0x3f: {  	v57 =	vsub.s32 v2, v3  }
0x40: {  	v4 =	vand.u32 $0xFFFFFF80, v57  }
0x41: {  	v2 =	vand.u32 $0x7F, v2;
	v3 =	vadd.s32 v4, v3  }
0x42: {  	v2 =	vor.u32 v2, v3;
	_ =	sdelay $0x4  }
0x43: {  	[tilespmem:v2+s14+$0x0] =	vst.idx.add.f32.msk $0xffff, v1  }
0x44: {  	v2 =	vld [tilespmem:s20+$0x2A0];
	_ =	sdelay $0x4  }
0x45: {  	v3 =	vshra.s32 v2, $0x1F  }
0x46: {  	v3 =	vshrl.u32 v3, $0x19  }
0x47: {  	v3 =	vadd.s32 v3, v2  }
0x48: {  	v3 =	vand.u32 $0xFFFFFF80, v3  }
0x49: {  	v58 =	vsub.s32 v2, v3  }
0x4a: {  	v4 =	vand.u32 $0xFFFFFF80, v58  }
0x4b: {  	v2 =	vand.u32 $0x7F, v2;
	v3 =	vadd.s32 v4, v3  }
0x4c: {  	v2 =	vor.u32 v2, v3;
	_ =	sdelay $0x4  }
0x4d: {  	[tilespmem:v2+s14+$0x0] =	vst.idx.add.f32.msk $0xffff, v1  }
0x4e: {  	v2 =	vld [tilespmem:s20+$0x2B0];
	_ =	sdelay $0x4  }
0x4f: {  	v3 =	vshra.s32 v2, $0x1F  }
0x50: {  	v3 =	vshrl.u32 v3, $0x19  }
0x51: {  	v3 =	vadd.s32 v3, v2  }
0x52: {  	v3 =	vand.u32 $0xFFFFFF80, v3  }
0x53: {  	v59 =	vsub.s32 v2, v3  }
0x54: {  	v4 =	vand.u32 $0xFFFFFF80, v59  }
0x55: {  	v2 =	vand.u32 $0x7F, v2;
	v3 =	vadd.s32 v4, v3  }
0x56: {  	v2 =	vor.u32 v2, v3;
	_ =	sdelay $0x4  }
0x57: {  	[tilespmem:v2+s14+$0x0] =	vst.idx.add.f32.msk $0xffff, v1  }
0x58: {  	v2 =	vld [tilespmem:s20+$0x2C0];
	_ =	sdelay $0x4  }
0x59: {  	v3 =	vshra.s32 v2, $0x1F  }
0x5a: {  	v3 =	vshrl.u32 v3, $0x19  }
0x5b: {  	v3 =	vadd.s32 v3, v2  }
0x5c: {  	v3 =	vand.u32 $0xFFFFFF80, v3  }
0x5d: {  	v60 =	vsub.s32 v2, v3  }
0x5e: {  	v4 =	vand.u32 $0xFFFFFF80, v60  }
0x5f: {  	v2 =	vand.u32 $0x7F, v2;
	v3 =	vadd.s32 v4, v3  }
0x60: {  	v2 =	vor.u32 v2, v3;
	_ =	sdelay $0x4  }
0x61: {  	[tilespmem:v2+s14+$0x0] =	vst.idx.add.f32.msk $0xffff, v1  }
0x62: {  	v2 =	vld [tilespmem:s20+$0x2D0];
	_ =	sdelay $0x4  }
0x63: {  	v3 =	vshra.s32 v2, $0x1F  }
0x64: {  	v3 =	vshrl.u32 v3, $0x19  }
0x65: {  	v3 =	vadd.s32 v3, v2  }
0x66: {  	v3 =	vand.u32 $0xFFFFFF80, v3  }
0x67: {  	v61 =	vsub.s32 v2, v3  }
0x68: {  	v4 =	vand.u32 $0xFFFFFF80, v61  }
0x69: {  	v2 =	vand.u32 $0x7F, v2;
	v3 =	vadd.s32 v4, v3  }
0x6a: {  	v2 =	vor.u32 v2, v3;
	_ =	sdelay $0x4  }
0x6b: {  	[tilespmem:v2+s14+$0x0] =	vst.idx.add.f32.msk $0xffff, v1  }
0x6c: {  	v2 =	vld [tilespmem:s20+$0x2E0];
	_ =	sdelay $0x4  }
0x6d: {  	v3 =	vshra.s32 v2, $0x1F  }
0x6e: {  	v3 =	vshrl.u32 v3, $0x19  }
0x6f: {  	v3 =	vadd.s32 v3, v2  }
0x70: {  	v3 =	vand.u32 $0xFFFFFF80, v3  }
0x71: {  	v62 =	vsub.s32 v2, v3  }
0x72: {  	v4 =	vand.u32 $0xFFFFFF80, v62  }
0x73: {  	v2 =	vand.u32 $0x7F, v2;
	v3 =	vadd.s32 v4, v3  }
0x74: {  	v2 =	vor.u32 v2, v3;
	_ =	sdelay $0x4  }
0x75: {  	[tilespmem:v2+s14+$0x0] =	vst.idx.add.f32.msk $0xffff, v1  }
0x76: {  	v2 =	vld [tilespmem:s20+$0x2F0];
	_ =	sdelay $0x4  }
0x77: {  	v3 =	vshra.s32 v2, $0x1F  }
0x78: {  	v3 =	vshrl.u32 v3, $0x19  }
0x79: {  	v3 =	vadd.s32 v3, v2  }
0x7a: {  	v3 =	vand.u32 $0xFFFFFF80, v3  }
0x7b: {  	v63 =	vsub.s32 v2, v3  }
0x7c: {  	v4 =	vand.u32 $0xFFFFFF80, v63  }
0x7d: {  	v2 =	vand.u32 $0x7F, v2;
	v3 =	vadd.s32 v4, v3  }
0x7e: {  	p2 =	sne.s32 s19, $0x9E00;
	v2 =	vor.u32 v2, v3  }
.Ltmp1:
0x7f: {  	_ = 	snop;
	(pc) =	sbr.rel @p2 .LBB2_4-.Ltmp1, $2  }
0x80: {  	_ =	sdelay $0x2  }
0x81: {  	s19 =	sadd.s32 $0x200, s19;
	[tilespmem:v2+s14+$0x0] =	vst.idx.add.f32.msk $0xffff, v1  }
0x82: {  	[spmem:s3] =	stream.indirect.scatter.add.f32 [tilespmem:s14], [sflag:$0x1], $0x80, s11, s15, $0xb8;
	[tilespmem:$0x5300] =	vst v63  }
0x83: {  	_ =	swait.ge [sflag:s10], $0x2800  }
0x84: {  	s18 =	sadd.s32 $0x1, s18;
	[sflag:s10] =	ssyncset.done $0x0  }
0x85: {  	p2 =	sne.s32 s18, s8;
	[sflag:s10] =	ssyncadd.s32 $0xFFFFD800  }
.Ltmp2:
0x86: {  	s19 =	simm.s32 @p0 $0x1;
	[bflag:$0x0] =	sbarrier.arrive $0xFFFF;
	(pc) =	sbr.rel @p2 .LBB2_1-.Ltmp2, $4  }
0x87: {  	[hbm:s7], [sflag:s16] =	dma.local @p0 [spmem:s17], $0x80  }
0x88: {  	_ =	swait.ge @p0 [sflag:s19], $0x80  }
0x89: {  	[sflag:s19] =	ssyncset.done @p0 $0x0  }
0x8a: {  	[sflag:s19] =	ssyncadd.s32 @p0 $0xFFFFFF80  }
0x8b: {  	_ =	sfence.sel $0x180000  }
0x8c: {  	[bflag:$0x0] =	sbarrier.arrive $0xFFFF  }
0x8d: {  	p0 =	sne.s32 s1, $0x0;
	_ =	strace $0x90000047  }
0x8e: {  	s0 =	sadd.s32 @!p0 $0x100000, s0;
	[bflag:$0x2] =	sbarrier.arrive $0xFFFF  }
0x8f: {  	[sflag:s0] =	ssyncadd.tile.s32 @!p0 $0x1;
	_ =	shalt  }
.Lfunc_end2:
_tile_overlayer_lowered:
.L_overlay_start_2:
0x90: {  	(tag) =	ssettag $0x2  }
0x91: {  	s0 =	rddreg [dreg:$0x0];
	s2 =	stileid.u32  }
0x92: {  	s1 =	rddreg [dreg:$0x1];
	p0 =	sne.s32 s2, $0x0  }
0x93: {  	s3 =	rddreg [dreg:$0x2];
	[bflag:$0x3] =	sbarrier.arrive $0xFFFF;
	s2 =	simm.s32 @!p0 $0x1C01  }
0x94: {  	[timem:s3], [sflag:s2] =	dma.local @!p0 [hbm:s0], s1  }
0x95: {  	s0 =	simm.s32 @!p0 $0x1  }
0x96: {  	_ =	swait.ge @!p0 [sflag:s0], s1  }
0x97: {  	s1 =	ssub.s32 @!p0 $0x0, s1;
	[sflag:s0] =	ssyncset.done @!p0 $0x0  }
0x98: {  	[sflag:s0] =	ssyncadd.s32 @!p0 s1  }
0x99: {  	[bflag:$0x3] =	sbarrier.arrive $0xFFFF  }
0x9a: {  	_ =	shalt  }

</sc_bundles>
